<compile_context>
chip_gen: v7x
topology: tpu7x:2x2x1
jax: 0.10.2.dev20260603
libtpu: 0.0.44.dev20260713+nightly
codegen_flags: <defaults>
</compile_context>

<pallas_src>
import functools

import jax
import jax.numpy as jnp
from jax import lax
from jax.experimental import pallas as pl
from jax.experimental.pallas import tpu as pltpu
from jax.experimental.pallas import tpu_sc as plsc

N_NODES = 10000
F_DIM = 128

NC = 2
NS = 16
NW = NC * NS

CHUNK = 128
IDXBLK = 4
ROWS_PER_TILE = 640
WB_ROWS = 64
ACC_ROWS = NS * ROWS_PER_TILE


def _sc_body(comb_hbm, h_hbm, out_hbm,
             cidx0, cidx1, sidx0, sidx1, didx0, didx1, rows0, rows1,
             zbuf, wbuf, acc, gsem0, gsem1, *, n0, n1):
    c = lax.axis_index("c")
    s = lax.axis_index("s")
    n_my = jnp.where(c == 0, n0, n1)
    base_chunk = jnp.where(c == 0, s * n0, NS * n0 + s * n1)
    base = base_chunk * (2 * CHUNK)
    cidx = (cidx0, cidx1)
    sidx = (sidx0, sidx1)
    didx = (didx0, didx1)
    rows = (rows0, rows1)
    gsem = (gsem0, gsem1)

    for i in range(16):
        for j in range(8):
            zbuf[i, pl.ds(j * 16, 16)] = jnp.zeros((16,), jnp.float32)
    r0 = s * ROWS_PER_TILE

    def zero_step(k, carry):
        pltpu.sync_copy(zbuf, acc.at[pl.ds(r0 + k * 16, 16)])
        return carry

    lax.fori_loop(0, ROWS_PER_TILE // 16, zero_step, 0)
    plsc.subcore_barrier()

    def load_idx(b, j):
        off = base + j * (2 * CHUNK)
        pltpu.sync_copy(comb_hbm.at[pl.ds(off, 2 * CHUNK)], cidx[b])
        for i in range(CHUNK // 16):
            sidx[b][pl.ds(i * 16, 16)] = cidx[b][pl.ds(i * 16, 16)]
            didx[b][pl.ds(i * 16, 16)] = cidx[b][pl.ds(CHUNK + i * 16, 16)]

    def issue_gather(b):
        pltpu.async_copy(h_hbm.at[sidx[b]], rows[b], gsem[b])

    def wait_gather(b):
        pltpu.make_async_copy(h_hbm.at[sidx[b]], rows[b], gsem[b]).wait()

    def scatter(b):
        pltpu.sync_copy(rows[b], acc.at[didx[b]], add=True)

    for b in range(2):
        load_idx(b, b)
        issue_gather(b)

    def edge_step(k, carry):
        for b in range(2):
            j = 2 * k + b
            wait_gather(b)
            scatter(b)
            load_idx(b, j + 2)
            issue_gather(b)
        return carry

    lax.fori_loop(0, n_my // 2 - 1, edge_step, 0)
    for b in range(2):
        wait_gather(b)
        scatter(b)
    plsc.subcore_barrier()

    def wb_step(k, carry):
        rr = r0 + k * WB_ROWS
        pltpu.sync_copy(acc.at[pl.ds(rr, WB_ROWS)], wbuf)
        pltpu.sync_copy(wbuf, out_hbm.at[c, pl.ds(rr, WB_ROWS)])
        return carry

    lax.fori_loop(0, ROWS_PER_TILE // WB_ROWS, wb_step, 0)


def _sc_segment_sum(comb, h):
    n_pair = comb.shape[0] // (2 * CHUNK) // NS
    n0 = ((n_pair * 3) // 5) // 2 * 2
    n1 = n_pair - n0
    mesh = plsc.VectorSubcoreMesh(core_axis_name="c", subcore_axis_name="s")
    fn = pl.kernel(
        functools.partial(_sc_body, n0=n0, n1=n1),
        out_type=jax.ShapeDtypeStruct((NC, ACC_ROWS, F_DIM), jnp.float32),
        mesh=mesh,
        scratch_types=[
            pltpu.VMEM((2 * CHUNK,), jnp.int32),
            pltpu.VMEM((2 * CHUNK,), jnp.int32),
            pltpu.VMEM((CHUNK,), jnp.int32),
            pltpu.VMEM((CHUNK,), jnp.int32),
            pltpu.VMEM((CHUNK,), jnp.int32),
            pltpu.VMEM((CHUNK,), jnp.int32),
            pltpu.VMEM((CHUNK, F_DIM), jnp.float32),
            pltpu.VMEM((CHUNK, F_DIM), jnp.float32),
            pltpu.VMEM((16, F_DIM), jnp.float32),
            pltpu.VMEM((WB_ROWS, F_DIM), jnp.float32),
            pltpu.VMEM_SHARED((ACC_ROWS, F_DIM), jnp.float32),
            pltpu.SemaphoreType.DMA,
            pltpu.SemaphoreType.DMA,
        ],
    )
    return fn(comb, h)


def _tc_fuse_body(x_ref, w_ref, v_ref, p0_ref, p1_ref, o_ref):
    agg = p0_ref[...] + p1_ref[...]
    o_ref[...] = jnp.maximum(
        jnp.dot(x_ref[...], w_ref[...], preferred_element_type=jnp.float32)
        + jnp.dot(agg, v_ref[...], preferred_element_type=jnp.float32),
        0.0,
    )


def _tc_fuse(x, W, V, p0, p1):
    blk = 400
    grid = (N_NODES // blk,)
    return pl.pallas_call(
        _tc_fuse_body,
        grid=grid,
        in_specs=[
            pl.BlockSpec((blk, F_DIM), lambda i: (i, 0)),
            pl.BlockSpec((F_DIM, F_DIM), lambda i: (0, 0)),
            pl.BlockSpec((F_DIM, F_DIM), lambda i: (0, 0)),
            pl.BlockSpec((blk, F_DIM), lambda i: (i, 0)),
            pl.BlockSpec((blk, F_DIM), lambda i: (i, 0)),
        ],
        out_specs=pl.BlockSpec((blk, F_DIM), lambda i: (i, 0)),
        out_shape=jax.ShapeDtypeStruct((N_NODES, F_DIM), jnp.float32),
    )(x, W, V, p0, p1)


def kernel(x, edge_index, h, W, V, alpha):
    ei = edge_index.astype(jnp.int32)
    src = ei[:, 0, :].reshape(-1)
    dst = ei[:, 1, :].reshape(-1)
    total = src.shape[0]
    align = NW * 2 * CHUNK
    per_w = (-(-total // align) * align) // NW
    pad = NW * per_w - total
    if pad:
        src = jnp.concatenate([src, jnp.zeros((pad,), jnp.int32)])
        dst = jnp.concatenate([dst, jnp.full((pad,), N_NODES, jnp.int32)])
    comb = jnp.concatenate(
        [src.reshape(-1, 1, CHUNK), dst.reshape(-1, 1, CHUNK)], axis=1
    ).reshape(-1)
    partials = _sc_segment_sum(comb, h)
    return _tc_fuse(x, W, V, partials[0, :N_NODES], partials[1, :N_NODES])

# --- scband reference (transcript-rebuilt; emitter-appended) ---
"""Pipeline reference for scband-gemlayer-16758962389084 (READ-ONLY COPY).

The authoritative reference and input builder live on the scoring server;
editing this copy changes nothing except your own understanding.
"""

import jax, jax.numpy as jnp
import numpy as np

NODES = 10000
DIM = 128
OUT = 128
DEV = 4
EDGES = 320000


def setup_inputs(seed: int = 0) -> dict:
    key = jax.random.key(seed)
    ks = jax.random.split(key, 6)
    x = jax.random.normal(ks[0], (NODES, DIM), dtype=jnp.float32)
    h = jax.random.normal(ks[1], (NODES, OUT), dtype=jnp.float32)
    edge_index = jax.random.randint(ks[2], (DEV, 2, EDGES), 0, NODES).astype(jnp.int64)
    W = jax.random.normal(ks[3], (DIM, OUT), dtype=jnp.float32) * 0.05
    V = jax.random.normal(ks[4], (OUT, OUT), dtype=jnp.float32) * 0.05
    alpha = jax.random.normal(ks[5], (DEV, 1), dtype=jnp.float32)
    return {"x": x, "edge_index": edge_index, "h": h, "W": W, "V": V, "alpha": alpha}


def reference(x, edge_index, h, W, V, alpha):
    # h1 = sparse(x) @ W  -- x treated dense with identical math
    h1 = x @ W
    # per device-type adjacency: A_d @ h (sparse matmul with unit edge values)
    h2_parts = []
    for d in range(DEV):
        src = edge_index[d, 0]
        dst = edge_index[d, 1]
        agg = jax.ops.segment_sum(h[src], dst, num_segments=NODES)  # [N, OUT]
        ahv = agg @ V
        h2_parts.append(ahv)
    h2 = jnp.concatenate(h2_parts, axis=0)            # [DEV*N, OUT]
    h2 = h2.reshape(DEV, NODES * OUT)                 # [DEV, N*OUT]
    h2 = jnp.transpose(h2, (1, 0))                    # [N*OUT, DEV]
    # tf.nn.softmax default axis=-1 on [DEV, 1] -> all ones (faithful)
    h2 = (h2 @ jax.nn.softmax(alpha, axis=-1)).reshape(NODES, OUT)
    return jax.nn.relu(h1 + h2)

if __name__ == "__main__":
    import jax
    _d = setup_inputs()
    print(jax.jit(kernel)(*tuple(_d.values())))

</pallas_src>

<mosaic_0001>
#map = affine_map<(d0, d1) -> (0)>
#map1 = affine_map<(d0, d1) -> (0, 0)>
#map2 = affine_map<(d0, d1) -> (0, 0, 0)>
module attributes {stable_mosaic.version = 14 : i64} {
  func.func @_sc_body(%arg0: i32, %arg1: i32, %arg2: memref<2572288xi32, #tpu.memory_space<hbm>>, %arg3: memref<10000x128xf32, #tpu.memory_space<hbm>>, %arg4: memref<2x10240x128xf32, #tpu.memory_space<hbm>>, %arg5: memref<256xi32, #tpu.memory_space<vmem>>, %arg6: memref<256xi32, #tpu.memory_space<vmem>>, %arg7: memref<128xi32, #tpu.memory_space<vmem>>, %arg8: memref<128xi32, #tpu.memory_space<vmem>>, %arg9: memref<128xi32, #tpu.memory_space<vmem>>, %arg10: memref<128xi32, #tpu.memory_space<vmem>>, %arg11: memref<128x128xf32, #tpu.memory_space<vmem>>, %arg12: memref<128x128xf32, #tpu.memory_space<vmem>>, %arg13: memref<16x128xf32, #tpu.memory_space<vmem>>, %arg14: memref<64x128xf32, #tpu.memory_space<vmem>>, %arg15: memref<10240x128xf32, #tpu.memory_space<vmem_shared>>, %arg16: memref<!tpu.dma_semaphore, #tpu.memory_space<semaphore_mem>>, %arg17: memref<!tpu.dma_semaphore, #tpu.memory_space<semaphore_mem>>) attributes {dimension_semantics = [#tpu.dimension_semantics<core_parallel>, #tpu.dimension_semantics<subcore_parallel>], iteration_bounds = array<i64: 2, 16>, scalar_prefetch = 0 : i64, scratch_operands = 13 : i64, tpu.core_type = #tpu.core_type<sc_vector_subcore>, window_params = [{transform_indices = #map}, {transform_indices = #map1}, {transform_indices = #map2}]} {
    %eq3A = arith.constant 0 : i32
    %eq3A_0 = arith.cmpi eq, %arg0, %eq3A : i32
    %jit3A = arith.constant 376 : i32
    %jit3A_1 = arith.constant 252 : i32
    %select_n3A = arith.select %eq3A_0, %jit3A, %jit3A_1 : i32
    %eq3A_2 = arith.constant 0 : i32
    %eq3A_3 = arith.cmpi eq, %arg0, %eq3A_2 : i32
    %mul3A = arith.constant 376 : i32
    %mul3A_4 = arith.muli %arg1, %mul3A : i32
    %mul3A_5 = arith.constant 252 : i32
    %mul3A_6 = arith.muli %arg1, %mul3A_5 : i32
    %add3A = arith.constant 6016 : i32
    %add3A_7 = arith.addi %add3A, %mul3A_6 : i32
    %select_n3A_8 = arith.select %eq3A_3, %mul3A_4, %add3A_7 : i32
    %mul3A_9 = arith.constant 256 : i32
    %mul3A_10 = arith.muli %select_n3A_8, %mul3A_9 : i32
    %broadcast_in_dim3A = arith.constant 0.000000e+00 : f32
    %broadcast_in_dim3A_11 = vector.broadcast %broadcast_in_dim3A : f32 to vector<16xf32>
    %swap3A = arith.constant 0 : i32
    %swap3A_12 = arith.index_cast %swap3A : i32 to index
    %swap3A_13 = arith.constant 0 : index
    %swap3A_14 = tpu.vector_load %arg13[%swap3A_12, %swap3A_13] {strides = array<i32>} : memref<16x128xf32, #tpu.memory_space<vmem>>, vector<1x16xf32>,
    %swap3A_15 = vector.shape_cast %swap3A_14 : vector<1x16xf32> to vector<16xf32>
    %swap3A_16 = vector.shape_cast %broadcast_in_dim3A_11 : vector<16xf32> to vector<1x16xf32>
    tpu.vector_store %arg13[%swap3A_12, %swap3A_13], %swap3A_16 {strides = array<i32>} : memref<16x128xf32, #tpu.memory_space<vmem>>, vector<1x16xf32>,
    %broadcast_in_dim3A_17 = arith.constant 0.000000e+00 : f32
    %broadcast_in_dim3A_18 = vector.broadcast %broadcast_in_dim3A_17 : f32 to vector<16xf32>
    %swap3A_19 = arith.constant 0 : i32
    %swap3A_20 = arith.index_cast %swap3A_19 : i32 to index
    %swap3A_21 = arith.constant 16 : index
    %swap3A_22 = tpu.vector_load %arg13[%swap3A_20, %swap3A_21] {strides = array<i32>} : memref<16x128xf32, #tpu.memory_space<vmem>>, vector<1x16xf32>,
    %swap3A_23 = vector.shape_cast %swap3A_22 : vector<1x16xf32> to vector<16xf32>
    %swap3A_24 = vector.shape_cast %broadcast_in_dim3A_18 : vector<16xf32> to vector<1x16xf32>
    tpu.vector_store %arg13[%swap3A_20, %swap3A_21], %swap3A_24 {strides = array<i32>} : memref<16x128xf32, #tpu.memory_space<vmem>>, vector<1x16xf32>,
    %broadcast_in_dim3A_25 = arith.constant 0.000000e+00 : f32
    %broadcast_in_dim3A_26 = vector.broadcast %broadcast_in_dim3A_25 : f32 to vector<16xf32>
    %swap3A_27 = arith.constant 0 : i32
    %swap3A_28 = arith.index_cast %swap3A_27 : i32 to index
    %swap3A_29 = arith.constant 32 : index
    %swap3A_30 = tpu.vector_load %arg13[%swap3A_28, %swap3A_29] {strides = array<i32>} : memref<16x128xf32, #tpu.memory_space<vmem>>, vector<1x16xf32>,
    %swap3A_31 = vector.shape_cast %swap3A_30 : vector<1x16xf32> to vector<16xf32>
    %swap3A_32 = vector.shape_cast %broadcast_in_dim3A_26 : vector<16xf32> to vector<1x16xf32>
    tpu.vector_store %arg13[%swap3A_28, %swap3A_29], %swap3A_32 {strides = array<i32>} : memref<16x128xf32, #tpu.memory_space<vmem>>, vector<1x16xf32>,
    %broadcast_in_dim3A_33 = arith.constant 0.000000e+00 : f32
    %broadcast_in_dim3A_34 = vector.broadcast %broadcast_in_dim3A_33 : f32 to vector<16xf32>
    %swap3A_35 = arith.constant 0 : i32
    %swap3A_36 = arith.index_cast %swap3A_35 : i32 to index
    %swap3A_37 = arith.constant 48 : index
    %swap3A_38 = tpu.vector_load %arg13[%swap3A_36, %swap3A_37] {strides = array<i32>} : memref<16x128xf32, #tpu.memory_space<vmem>>, vector<1x16xf32>,
    %swap3A_39 = vector.shape_cast %swap3A_38 : vector<1x16xf32> to vector<16xf32>
    %swap3A_40 = vector.shape_cast %broadcast_in_dim3A_34 : vector<16xf32> to vector<1x16xf32>
    tpu.vector_store %arg13[%swap3A_36, %swap3A_37], %swap3A_40 {strides = array<i32>} : memref<16x128xf32, #tpu.memory_space<vmem>>, vector<1x16xf32>,
    %broadcast_in_dim3A_41 = arith.constant 0.000000e+00 : f32
    %broadcast_in_dim3A_42 = vector.broadcast %broadcast_in_dim3A_41 : f32 to vector<16xf32>
    %swap3A_43 = arith.constant 0 : i32
    %swap3A_44 = arith.index_cast %swap3A_43 : i32 to index
    %swap3A_45 = arith.constant 64 : index
    %swap3A_46 = tpu.vector_load %arg13[%swap3A_44, %swap3A_45] {strides = array<i32>} : memref<16x128xf32, #tpu.memory_space<vmem>>, vector<1x16xf32>,
    %swap3A_47 = vector.shape_cast %swap3A_46 : vector<1x16xf32> to vector<16xf32>
    %swap3A_48 = vector.shape_cast %broadcast_in_dim3A_42 : vector<16xf32> to vector<1x16xf32>
    tpu.vector_store %arg13[%swap3A_44, %swap3A_45], %swap3A_48 {strides = array<i32>} : memref<16x128xf32, #tpu.memory_space<vmem>>, vector<1x16xf32>,
    %broadcast_in_dim3A_49 = arith.constant 0.000000e+00 : f32
    %broadcast_in_dim3A_50 = vector.broadcast %broadcast_in_dim3A_49 : f32 to vector<16xf32>
    %swap3A_51 = arith.constant 0 : i32
    %swap3A_52 = arith.index_cast %swap3A_51 : i32 to index
    %swap3A_53 = arith.constant 80 : index
    %swap3A_54 = tpu.vector_load %arg13[%swap3A_52, %swap3A_53] {strides = array<i32>} : memref<16x128xf32, #tpu.memory_space<vmem>>, vector<1x16xf32>,
    %swap3A_55 = vector.shape_cast %swap3A_54 : vector<1x16xf32> to vector<16xf32>
    %swap3A_56 = vector.shape_cast %broadcast_in_dim3A_50 : vector<16xf32> to vector<1x16xf32>
    tpu.vector_store %arg13[%swap3A_52, %swap3A_53], %swap3A_56 {strides = array<i32>} : memref<16x128xf32, #tpu.memory_space<vmem>>, vector<1x16xf32>,
    %broadcast_in_dim3A_57 = arith.constant 0.000000e+00 : f32
    %broadcast_in_dim3A_58 = vector.broadcast %broadcast_in_dim3A_57 : f32 to vector<16xf32>
    %swap3A_59 = arith.constant 0 : i32
    %swap3A_60 = arith.index_cast %swap3A_59 : i32 to index
    %swap3A_61 = arith.constant 96 : index
    %swap3A_62 = tpu.vector_load %arg13[%swap3A_60, %swap3A_61] {strides = array<i32>} : memref<16x128xf32, #tpu.memory_space<vmem>>, vector<1x16xf32>,
    %swap3A_63 = vector.shape_cast %swap3A_62 : vector<1x16xf32> to vector<16xf32>
    %swap3A_64 = vector.shape_cast %broadcast_in_dim3A_58 : vector<16xf32> to vector<1x16xf32>
    tpu.vector_store %arg13[%swap3A_60, %swap3A_61], %swap3A_64 {strides = array<i32>} : memref<16x128xf32, #tpu.memory_space<vmem>>, vector<1x16xf32>,
    %broadcast_in_dim3A_65 = arith.constant 0.000000e+00 : f32
    %broadcast_in_dim3A_66 = vector.broadcast %broadcast_in_dim3A_65 : f32 to vector<16xf32>
    %swap3A_67 = arith.constant 0 : i32
    %swap3A_68 = arith.index_cast %swap3A_67 : i32 to index
    %swap3A_69 = arith.constant 112 : index
    %swap3A_70 = tpu.vector_load %arg13[%swap3A_68, %swap3A_69] {strides = array<i32>} : memref<16x128xf32, #tpu.memory_space<vmem>>, vector<1x16xf32>,
    %swap3A_71 = vector.shape_cast %swap3A_70 : vector<1x16xf32> to vector<16xf32>
    %swap3A_72 = vector.shape_cast %broadcast_in_dim3A_66 : vector<16xf32> to vector<1x16xf32>
    tpu.vector_store %arg13[%swap3A_68, %swap3A_69], %swap3A_72 {strides = array<i32>} : memref<16x128xf32, #tpu.memory_space<vmem>>, vector<1x16xf32>,
    %broadcast_in_dim3A_73 = arith.constant 0.000000e+00 : f32
    %broadcast_in_dim3A_74 = vector.broadcast %broadcast_in_dim3A_73 : f32 to vector<16xf32>
    %swap3A_75 = arith.constant 1 : i32
    %swap3A_76 = arith.index_cast %swap3A_75 : i32 to index
    %swap3A_77 = arith.constant 0 : index
    %swap3A_78 = tpu.vector_load %arg13[%swap3A_76, %swap3A_77] {strides = array<i32>} : memref<16x128xf32, #tpu.memory_space<vmem>>, vector<1x16xf32>,
    %swap3A_79 = vector.shape_cast %swap3A_78 : vector<1x16xf32> to vector<16xf32>
    %swap3A_80 = vector.shape_cast %broadcast_in_dim3A_74 : vector<16xf32> to vector<1x16xf32>
    tpu.vector_store %arg13[%swap3A_76, %swap3A_77], %swap3A_80 {strides = array<i32>} : memref<16x128xf32, #tpu.memory_space<vmem>>, vector<1x16xf32>,
    %broadcast_in_dim3A_81 = arith.constant 0.000000e+00 : f32
    %broadcast_in_dim3A_82 = vector.broadcast %broadcast_in_dim3A_81 : f32 to vector<16xf32>
    %swap3A_83 = arith.constant 1 : i32
    %swap3A_84 = arith.index_cast %swap3A_83 : i32 to index
    %swap3A_85 = arith.constant 16 : index
    %swap3A_86 = tpu.vector_load %arg13[%swap3A_84, %swap3A_85] {strides = array<i32>} : memref<16x128xf32, #tpu.memory_space<vmem>>, vector<1x16xf32>,
    %swap3A_87 = vector.shape_cast %swap3A_86 : vector<1x16xf32> to vector<16xf32>
    %swap3A_88 = vector.shape_cast %broadcast_in_dim3A_82 : vector<16xf32> to vector<1x16xf32>
    tpu.vector_store %arg13[%swap3A_84, %swap3A_85], %swap3A_88 {strides = array<i32>} : memref<16x128xf32, #tpu.memory_space<vmem>>, vector<1x16xf32>,
    %broadcast_in_dim3A_89 = arith.constant 0.000000e+00 : f32
    %broadcast_in_dim3A_90 = vector.broadcast %broadcast_in_dim3A_89 : f32 to vector<16xf32>
    %swap3A_91 = arith.constant 1 : i32
    %swap3A_92 = arith.index_cast %swap3A_91 : i32 to index
    %swap3A_93 = arith.constant 32 : index
    %swap3A_94 = tpu.vector_load %arg13[%swap3A_92, %swap3A_93] {strides = array<i32>} : memref<16x128xf32, #tpu.memory_space<vmem>>, vector<1x16xf32>,
    %swap3A_95 = vector.shape_cast %swap3A_94 : vector<1x16xf32> to vector<16xf32>
    %swap3A_96 = vector.shape_cast %broadcast_in_dim3A_90 : vector<16xf32> to vector<1x16xf32>
    tpu.vector_store %arg13[%swap3A_92, %swap3A_93], %swap3A_96 {strides = array<i32>} : memref<16x128xf32, #tpu.memory_space<vmem>>, vector<1x16xf32>,
    %broadcast_in_dim3A_97 = arith.constant 0.000000e+00 : f32
    %broadcast_in_dim3A_98 = vector.broadcast %broadcast_in_dim3A_97 : f32 to vector<16xf32>
    %swap3A_99 = arith.constant 1 : i32
    %swap3A_100 = arith.index_cast %swap3A_99 : i32 to index
    %swap3A_101 = arith.constant 48 : index
    %swap3A_102 = tpu.vector_load %arg13[%swap3A_100, %swap3A_101] {strides = array<i32>} : memref<16x128xf32, #tpu.memory_space<vmem>>, vector<1x16xf32>,
    %swap3A_103 = vector.shape_cast %swap3A_102 : vector<1x16xf32> to vector<16xf32>
    %swap3A_104 = vector.shape_cast %broadcast_in_dim3A_98 : vector<16xf32> to vector<1x16xf32>
    tpu.vector_store %arg13[%swap3A_100, %swap3A_101], %swap3A_104 {strides = array<i32>} : memref<16x128xf32, #tpu.memory_space<vmem>>, vector<1x16xf32>,
    %broadcast_in_dim3A_105 = arith.constant 0.000000e+00 : f32
    %broadcast_in_dim3A_106 = vector.broadcast %broadcast_in_dim3A_105 : f32 to vector<16xf32>
    %swap3A_107 = arith.constant 1 : i32
    %swap3A_108 = arith.index_cast %swap3A_107 : i32 to index
    %swap3A_109 = arith.constant 64 : index
    %swap3A_110 = tpu.vector_load %arg13[%swap3A_108, %swap3A_109] {strides = array<i32>} : memref<16x128xf32, #tpu.memory_space<vmem>>, vector<1x16xf32>,
    %swap3A_111 = vector.shape_cast %swap3A_110 : vector<1x16xf32> to vector<16xf32>
    %swap3A_112 = vector.shape_cast %broadcast_in_dim3A_106 : vector<16xf32> to vector<1x16xf32>
    tpu.vector_store %arg13[%swap3A_108, %swap3A_109], %swap3A_112 {strides = array<i32>} : memref<16x128xf32, #tpu.memory_space<vmem>>, vector<1x16xf32>,
    %broadcast_in_dim3A_113 = arith.constant 0.000000e+00 : f32
    %broadcast_in_dim3A_114 = vector.broadcast %broadcast_in_dim3A_113 : f32 to vector<16xf32>
    %swap3A_115 = arith.constant 1 : i32
    %swap3A_116 = arith.index_cast %swap3A_115 : i32 to index
    %swap3A_117 = arith.constant 80 : index
    %swap3A_118 = tpu.vector_load %arg13[%swap3A_116, %swap3A_117] {strides = array<i32>} : memref<16x128xf32, #tpu.memory_space<vmem>>, vector<1x16xf32>,
    %swap3A_119 = vector.shape_cast %swap3A_118 : vector<1x16xf32> to vector<16xf32>
    %swap3A_120 = vector.shape_cast %broadcast_in_dim3A_114 : vector<16xf32> to vector<1x16xf32>
    tpu.vector_store %arg13[%swap3A_116, %swap3A_117], %swap3A_120 {strides = array<i32>} : memref<16x128xf32, #tpu.memory_space<vmem>>, vector<1x16xf32>,
    %broadcast_in_dim3A_121 = arith.constant 0.000000e+00 : f32
    %broadcast_in_dim3A_122 = vector.broadcast %broadcast_in_dim3A_121 : f32 to vector<16xf32>
    %swap3A_123 = arith.constant 1 : i32
    %swap3A_124 = arith.index_cast %swap3A_123 : i32 to index
    %swap3A_125 = arith.constant 96 : index
    %swap3A_126 = tpu.vector_load %arg13[%swap3A_124, %swap3A_125] {strides = array<i32>} : memref<16x128xf32, #tpu.memory_space<vmem>>, vector<1x16xf32>,
    %swap3A_127 = vector.shape_cast %swap3A_126 : vector<1x16xf32> to vector<16xf32>
    %swap3A_128 = vector.shape_cast %broadcast_in_dim3A_122 : vector<16xf32> to vector<1x16xf32>
    tpu.vector_store %arg13[%swap3A_124, %swap3A_125], %swap3A_128 {strides = array<i32>} : memref<16x128xf32, #tpu.memory_space<vmem>>, vector<1x16xf32>,
    %broadcast_in_dim3A_129 = arith.constant 0.000000e+00 : f32
    %broadcast_in_dim3A_130 = vector.broadcast %broadcast_in_dim3A_129 : f32 to vector<16xf32>
    %swap3A_131 = arith.constant 1 : i32
    %swap3A_132 = arith.index_cast %swap3A_131 : i32 to index
    %swap3A_133 = arith.constant 112 : index
    %swap3A_134 = tpu.vector_load %arg13[%swap3A_132, %swap3A_133] {strides = array<i32>} : memref<16x128xf32, #tpu.memory_space<vmem>>, vector<1x16xf32>,
    %swap3A_135 = vector.shape_cast %swap3A_134 : vector<1x16xf32> to vector<16xf32>
    %swap3A_136 = vector.shape_cast %broadcast_in_dim3A_130 : vector<16xf32> to vector<1x16xf32>
    tpu.vector_store %arg13[%swap3A_132, %swap3A_133], %swap3A_136 {strides = array<i32>} : memref<16x128xf32, #tpu.memory_space<vmem>>, vector<1x16xf32>,
    %broadcast_in_dim3A_137 = arith.constant 0.000000e+00 : f32
    %broadcast_in_dim3A_138 = vector.broadcast %broadcast_in_dim3A_137 : f32 to vector<16xf32>
    %swap3A_139 = arith.constant 2 : i32
    %swap3A_140 = arith.index_cast %swap3A_139 : i32 to index
    %swap3A_141 = arith.constant 0 : index
    %swap3A_142 = tpu.vector_load %arg13[%swap3A_140, %swap3A_141] {strides = array<i32>} : memref<16x128xf32, #tpu.memory_space<vmem>>, vector<1x16xf32>,
    %swap3A_143 = vector.shape_cast %swap3A_142 : vector<1x16xf32> to vector<16xf32>
    %swap3A_144 = vector.shape_cast %broadcast_in_dim3A_138 : vector<16xf32> to vector<1x16xf32>
    tpu.vector_store %arg13[%swap3A_140, %swap3A_141], %swap3A_144 {strides = array<i32>} : memref<16x128xf32, #tpu.memory_space<vmem>>, vector<1x16xf32>,
    %broadcast_in_dim3A_145 = arith.constant 0.000000e+00 : f32
    %broadcast_in_dim3A_146 = vector.broadcast %broadcast_in_dim3A_145 : f32 to vector<16xf32>
    %swap3A_147 = arith.constant 2 : i32
    %swap3A_148 = arith.index_cast %swap3A_147 : i32 to index
    %swap3A_149 = arith.constant 16 : index
    %swap3A_150 = tpu.vector_load %arg13[%swap3A_148, %swap3A_149] {strides = array<i32>} : memref<16x128xf32, #tpu.memory_space<vmem>>, vector<1x16xf32>,
    %swap3A_151 = vector.shape_cast %swap3A_150 : vector<1x16xf32> to vector<16xf32>
    %swap3A_152 = vector.shape_cast %broadcast_in_dim3A_146 : vector<16xf32> to vector<1x16xf32>
    tpu.vector_store %arg13[%swap3A_148, %swap3A_149], %swap3A_152 {strides = array<i32>} : memref<16x128xf32, #tpu.memory_space<vmem>>, vector<1x16xf32>,
    %broadcast_in_dim3A_153 = arith.constant 0.000000e+00 : f32
    %broadcast_in_dim3A_154 = vector.broadcast %broadcast_in_dim3A_153 : f32 to vector<16xf32>
    %swap3A_155 = arith.constant 2 : i32
    %swap3A_156 = arith.index_cast %swap3A_155 : i32 to index
    %swap3A_157 = arith.constant 32 : index
    %swap3A_158 = tpu.vector_load %arg13[%swap3A_156, %swap3A_157] {strides = array<i32>} : memref<16x128xf32, #tpu.memory_space<vmem>>, vector<1x16xf32>,
    %swap3A_159 = vector.shape_cast %swap3A_158 : vector<1x16xf32> to vector<16xf32>
    %swap3A_160 = vector.shape_cast %broadcast_in_dim3A_154 : vector<16xf32> to vector<1x16xf32>
    tpu.vector_store %arg13[%swap3A_156, %swap3A_157], %swap3A_160 {strides = array<i32>} : memref<16x128xf32, #tpu.memory_space<vmem>>, vector<1x16xf32>,
    %broadcast_in_dim3A_161 = arith.constant 0.000000e+00 : f32
    %broadcast_in_dim3A_162 = vector.broadcast %broadcast_in_dim3A_161 : f32 to vector<16xf32>
    %swap3A_163 = arith.constant 2 : i32
    %swap3A_164 = arith.index_cast %swap3A_163 : i32 to index
    %swap3A_165 = arith.constant 48 : index
    %swap3A_166 = tpu.vector_load %arg13[%swap3A_164, %swap3A_165] {strides = array<i32>} : memref<16x128xf32, #tpu.memory_space<vmem>>, vector<1x16xf32>,
    %swap3A_167 = vector.shape_cast %swap3A_166 : vector<1x16xf32> to vector<16xf32>
    %swap3A_168 = vector.shape_cast %broadcast_in_dim3A_162 : vector<16xf32> to vector<1x16xf32>
    tpu.vector_store %arg13[%swap3A_164, %swap3A_165], %swap3A_168 {strides = array<i32>} : memref<16x128xf32, #tpu.memory_space<vmem>>, vector<1x16xf32>,
    %broadcast_in_dim3A_169 = arith.constant 0.000000e+00 : f32
    %broadcast_in_dim3A_170 = vector.broadcast %broadcast_in_dim3A_169 : f32 to vector<16xf32>
    %swap3A_171 = arith.constant 2 : i32
    %swap3A_172 = arith.index_cast %swap3A_171 : i32 to index
    %swap3A_173 = arith.constant 64 : index
    %swap3A_174 = tpu.vector_load %arg13[%swap3A_172, %swap3A_173] {strides = array<i32>} : memref<16x128xf32, #tpu.memory_space<vmem>>, vector<1x16xf32>,
    %swap3A_175 = vector.shape_cast %swap3A_174 : vector<1x16xf32> to vector<16xf32>
    %swap3A_176 = vector.shape_cast %broadcast_in_dim3A_170 : vector<16xf32> to vector<1x16xf32>
    tpu.vector_store %arg13[%swap3A_172, %swap3A_173], %swap3A_176 {strides = array<i32>} : memref<16x128xf32, #tpu.memory_space<vmem>>, vector<1x16xf32>,
    %broadcast_in_dim3A_177 = arith.constant 0.000000e+00 : f32
    %broadcast_in_dim3A_178 = vector.broadcast %broadcast_in_dim3A_177 : f32 to vector<16xf32>
    %swap3A_179 = arith.constant 2 : i32
    %swap3A_180 = arith.index_cast %swap3A_179 : i32 to index
    %swap3A_181 = arith.constant 80 : index
    %swap3A_182 = tpu.vector_load %arg13[%swap3A_180, %swap3A_181] {strides = array<i32>} : memref<16x128xf32, #tpu.memory_space<vmem>>, vector<1x16xf32>,
    %swap3A_183 = vector.shape_cast %swap3A_182 : vector<1x16xf32> to vector<16xf32>
    %swap3A_184 = vector.shape_cast %broadcast_in_dim3A_178 : vector<16xf32> to vector<1x16xf32>
    tpu.vector_store %arg13[%swap3A_180, %swap3A_181], %swap3A_184 {strides = array<i32>} : memref<16x128xf32, #tpu.memory_space<vmem>>, vector<1x16xf32>,
    %broadcast_in_dim3A_185 = arith.constant 0.000000e+00 : f32
    %broadcast_in_dim3A_186 = vector.broadcast %broadcast_in_dim3A_185 : f32 to vector<16xf32>
    %swap3A_187 = arith.constant 2 : i32
    %swap3A_188 = arith.index_cast %swap3A_187 : i32 to index
    %swap3A_189 = arith.constant 96 : index
    %swap3A_190 = tpu.vector_load %arg13[%swap3A_188, %swap3A_189] {strides = array<i32>} : memref<16x128xf32, #tpu.memory_space<vmem>>, vector<1x16xf32>,
    %swap3A_191 = vector.shape_cast %swap3A_190 : vector<1x16xf32> to vector<16xf32>
    %swap3A_192 = vector.shape_cast %broadcast_in_dim3A_186 : vector<16xf32> to vector<1x16xf32>
    tpu.vector_store %arg13[%swap3A_188, %swap3A_189], %swap3A_192 {strides = array<i32>} : memref<16x128xf32, #tpu.memory_space<vmem>>, vector<1x16xf32>,
    %broadcast_in_dim3A_193 = arith.constant 0.000000e+00 : f32
    %broadcast_in_dim3A_194 = vector.broadcast %broadcast_in_dim3A_193 : f32 to vector<16xf32>
    %swap3A_195 = arith.constant 2 : i32
    %swap3A_196 = arith.index_cast %swap3A_195 : i32 to index
    %swap3A_197 = arith.constant 112 : index
    %swap3A_198 = tpu.vector_load %arg13[%swap3A_196, %swap3A_197] {strides = array<i32>} : memref<16x128xf32, #tpu.memory_space<vmem>>, vector<1x16xf32>,
    %swap3A_199 = vector.shape_cast %swap3A_198 : vector<1x16xf32> to vector<16xf32>
    %swap3A_200 = vector.shape_cast %broadcast_in_dim3A_194 : vector<16xf32> to vector<1x16xf32>
    tpu.vector_store %arg13[%swap3A_196, %swap3A_197], %swap3A_200 {strides = array<i32>} : memref<16x128xf32, #tpu.memory_space<vmem>>, vector<1x16xf32>,
    %broadcast_in_dim3A_201 = arith.constant 0.000000e+00 : f32
    %broadcast_in_dim3A_202 = vector.broadcast %broadcast_in_dim3A_201 : f32 to vector<16xf32>
    %swap3A_203 = arith.constant 3 : i32
    %swap3A_204 = arith.index_cast %swap3A_203 : i32 to index
    %swap3A_205 = arith.constant 0 : index
    %swap3A_206 = tpu.vector_load %arg13[%swap3A_204, %swap3A_205] {strides = array<i32>} : memref<16x128xf32, #tpu.memory_space<vmem>>, vector<1x16xf32>,
    %swap3A_207 = vector.shape_cast %swap3A_206 : vector<1x16xf32> to vector<16xf32>
    %swap3A_208 = vector.shape_cast %broadcast_in_dim3A_202 : vector<16xf32> to vector<1x16xf32>
    tpu.vector_store %arg13[%swap3A_204, %swap3A_205], %swap3A_208 {strides = array<i32>} : memref<16x128xf32, #tpu.memory_space<vmem>>, vector<1x16xf32>,
    %broadcast_in_dim3A_209 = arith.constant 0.000000e+00 : f32
    %broadcast_in_dim3A_210 = vector.broadcast %broadcast_in_dim3A_209 : f32 to vector<16xf32>
    %swap3A_211 = arith.constant 3 : i32
    %swap3A_212 = arith.index_cast %swap3A_211 : i32 to index
    %swap3A_213 = arith.constant 16 : index
    %swap3A_214 = tpu.vector_load %arg13[%swap3A_212, %swap3A_213] {strides = array<i32>} : memref<16x128xf32, #tpu.memory_space<vmem>>, vector<1x16xf32>,
    %swap3A_215 = vector.shape_cast %swap3A_214 : vector<1x16xf32> to vector<16xf32>
    %swap3A_216 = vector.shape_cast %broadcast_in_dim3A_210 : vector<16xf32> to vector<1x16xf32>
    tpu.vector_store %arg13[%swap3A_212, %swap3A_213], %swap3A_216 {strides = array<i32>} : memref<16x128xf32, #tpu.memory_space<vmem>>, vector<1x16xf32>,
    %broadcast_in_dim3A_217 = arith.constant 0.000000e+00 : f32
    %broadcast_in_dim3A_218 = vector.broadcast %broadcast_in_dim3A_217 : f32 to vector<16xf32>
    %swap3A_219 = arith.constant 3 : i32
    %swap3A_220 = arith.index_cast %swap3A_219 : i32 to index
    %swap3A_221 = arith.constant 32 : index
    %swap3A_222 = tpu.vector_load %arg13[%swap3A_220, %swap3A_221] {strides = array<i32>} : memref<16x128xf32, #tpu.memory_space<vmem>>, vector<1x16xf32>,
    %swap3A_223 = vector.shape_cast %swap3A_222 : vector<1x16xf32> to vector<16xf32>
    %swap3A_224 = vector.shape_cast %broadcast_in_dim3A_218 : vector<16xf32> to vector<1x16xf32>
    tpu.vector_store %arg13[%swap3A_220, %swap3A_221], %swap3A_224 {strides = array<i32>} : memref<16x128xf32, #tpu.memory_space<vmem>>, vector<1x16xf32>,
    %broadcast_in_dim3A_225 = arith.constant 0.000000e+00 : f32
    %broadcast_in_dim3A_226 = vector.broadcast %broadcast_in_dim3A_225 : f32 to vector<16xf32>
    %swap3A_227 = arith.constant 3 : i32
    %swap3A_228 = arith.index_cast %swap3A_227 : i32 to index
    %swap3A_229 = arith.constant 48 : index
    %swap3A_230 = tpu.vector_load %arg13[%swap3A_228, %swap3A_229] {strides = array<i32>} : memref<16x128xf32, #tpu.memory_space<vmem>>, vector<1x16xf32>,
    %swap3A_231 = vector.shape_cast %swap3A_230 : vector<1x16xf32> to vector<16xf32>
    %swap3A_232 = vector.shape_cast %broadcast_in_dim3A_226 : vector<16xf32> to vector<1x16xf32>
    tpu.vector_store %arg13[%swap3A_228, %swap3A_229], %swap3A_232 {strides = array<i32>} : memref<16x128xf32, #tpu.memory_space<vmem>>, vector<1x16xf32>,
    %broadcast_in_dim3A_233 = arith.constant 0.000000e+00 : f32
    %broadcast_in_dim3A_234 = vector.broadcast %broadcast_in_dim3A_233 : f32 to vector<16xf32>
    %swap3A_235 = arith.constant 3 : i32
    %swap3A_236 = arith.index_cast %swap3A_235 : i32 to index
    %swap3A_237 = arith.constant 64 : index
    %swap3A_238 = tpu.vector_load %arg13[%swap3A_236, %swap3A_237] {strides = array<i32>} : memref<16x128xf32, #tpu.memory_space<vmem>>, vector<1x16xf32>,
    %swap3A_239 = vector.shape_cast %swap3A_238 : vector<1x16xf32> to vector<16xf32>
    %swap3A_240 = vector.shape_cast %broadcast_in_dim3A_234 : vector<16xf32> to vector<1x16xf32>
    tpu.vector_store %arg13[%swap3A_236, %swap3A_237], %swap3A_240 {strides = array<i32>} : memref<16x128xf32, #tpu.memory_space<vmem>>, vector<1x16xf32>,
    %broadcast_in_dim3A_241 = arith.constant 0.000000e+00 : f32
    %broadcast_in_dim3A_242 = vector.broadcast %broadcast_in_dim3A_241 : f32 to vector<16xf32>
    %swap3A_243 = arith.constant 3 : i32
    %swap3A_244 = arith.index_cast %swap3A_243 : i32 to index
    %swap3A_245 = arith.constant 80 : index
    %swap3A_246 = tpu.vector_load %arg13[%swap3A_244, %swap3A_245] {strides = array<i32>} : memref<16x128xf32, #tpu.memory_space<vmem>>, vector<1x16xf32>,
    %swap3A_247 = vector.shape_cast %swap3A_246 : vector<1x16xf32> to vector<16xf32>
    %swap3A_248 = vector.shape_cast %broadcast_in_dim3A_242 : vector<16xf32> to vector<1x16xf32>
    tpu.vector_store %arg13[%swap3A_244, %swap3A_245], %swap3A_248 {strides = array<i32>} : memref<16x128xf32, #tpu.memory_space<vmem>>, vector<1x16xf32>,
    %broadcast_in_dim3A_249 = arith.constant 0.000000e+00 : f32
    %broadcast_in_dim3A_250 = vector.broadcast %broadcast_in_dim3A_249 : f32 to vector<16xf32>
    %swap3A_251 = arith.constant 3 : i32
    %swap3A_252 = arith.index_cast %swap3A_251 : i32 to index
    %swap3A_253 = arith.constant 96 : index
    %swap3A_254 = tpu.vector_load %arg13[%swap3A_252, %swap3A_253] {strides = array<i32>} : memref<16x128xf32, #tpu.memory_space<vmem>>, vector<1x16xf32>,
    %swap3A_255 = vector.shape_cast %swap3A_254 : vector<1x16xf32> to vector<16xf32>
    %swap3A_256 = vector.shape_cast %broadcast_in_dim3A_250 : vector<16xf32> to vector<1x16xf32>
    tpu.vector_store %arg13[%swap3A_252, %swap3A_253], %swap3A_256 {strides = array<i32>} : memref<16x128xf32, #tpu.memory_space<vmem>>, vector<1x16xf32>,
    %broadcast_in_dim3A_257 = arith.constant 0.000000e+00 : f32
    %broadcast_in_dim3A_258 = vector.broadcast %broadcast_in_dim3A_257 : f32 to vector<16xf32>
    %swap3A_259 = arith.constant 3 : i32
    %swap3A_260 = arith.index_cast %swap3A_259 : i32 to index
    %swap3A_261 = arith.constant 112 : index
    %swap3A_262 = tpu.vector_load %arg13[%swap3A_260, %swap3A_261] {strides = array<i32>} : memref<16x128xf32, #tpu.memory_space<vmem>>, vector<1x16xf32>,
    %swap3A_263 = vector.shape_cast %swap3A_262 : vector<1x16xf32> to vector<16xf32>
    %swap3A_264 = vector.shape_cast %broadcast_in_dim3A_258 : vector<16xf32> to vector<1x16xf32>
    tpu.vector_store %arg13[%swap3A_260, %swap3A_261], %swap3A_264 {strides = array<i32>} : memref<16x128xf32, #tpu.memory_space<vmem>>, vector<1x16xf32>,
    %broadcast_in_dim3A_265 = arith.constant 0.000000e+00 : f32
    %broadcast_in_dim3A_266 = vector.broadcast %broadcast_in_dim3A_265 : f32 to vector<16xf32>
    %swap3A_267 = arith.constant 4 : i32
    %swap3A_268 = arith.index_cast %swap3A_267 : i32 to index
    %swap3A_269 = arith.constant 0 : index
    %swap3A_270 = tpu.vector_load %arg13[%swap3A_268, %swap3A_269] {strides = array<i32>} : memref<16x128xf32, #tpu.memory_space<vmem>>, vector<1x16xf32>,
    %swap3A_271 = vector.shape_cast %swap3A_270 : vector<1x16xf32> to vector<16xf32>
    %swap3A_272 = vector.shape_cast %broadcast_in_dim3A_266 : vector<16xf32> to vector<1x16xf32>
    tpu.vector_store %arg13[%swap3A_268, %swap3A_269], %swap3A_272 {strides = array<i32>} : memref<16x128xf32, #tpu.memory_space<vmem>>, vector<1x16xf32>,
    %broadcast_in_dim3A_273 = arith.constant 0.000000e+00 : f32
    %broadcast_in_dim3A_274 = vector.broadcast %broadcast_in_dim3A_273 : f32 to vector<16xf32>
    %swap3A_275 = arith.constant 4 : i32
    %swap3A_276 = arith.index_cast %swap3A_275 : i32 to index
    %swap3A_277 = arith.constant 16 : index
    %swap3A_278 = tpu.vector_load %arg13[%swap3A_276, %swap3A_277] {strides = array<i32>} : memref<16x128xf32, #tpu.memory_space<vmem>>, vector<1x16xf32>,
    %swap3A_279 = vector.shape_cast %swap3A_278 : vector<1x16xf32> to vector<16xf32>
    %swap3A_280 = vector.shape_cast %broadcast_in_dim3A_274 : vector<16xf32> to vector<1x16xf32>
    tpu.vector_store %arg13[%swap3A_276, %swap3A_277], %swap3A_280 {strides = array<i32>} : memref<16x128xf32, #tpu.memory_space<vmem>>, vector<1x16xf32>,
    %broadcast_in_dim3A_281 = arith.constant 0.000000e+00 : f32
    %broadcast_in_dim3A_282 = vector.broadcast %broadcast_in_dim3A_281 : f32 to vector<16xf32>
    %swap3A_283 = arith.constant 4 : i32
    %swap3A_284 = arith.index_cast %swap3A_283 : i32 to index
    %swap3A_285 = arith.constant 32 : index
    %swap3A_286 = tpu.vector_load %arg13[%swap3A_284, %swap3A_285] {strides = array<i32>} : memref<16x128xf32, #tpu.memory_space<vmem>>, vector<1x16xf32>,
    %swap3A_287 = vector.shape_cast %swap3A_286 : vector<1x16xf32> to vector<16xf32>
    %swap3A_288 = vector.shape_cast %broadcast_in_dim3A_282 : vector<16xf32> to vector<1x16xf32>
    tpu.vector_store %arg13[%swap3A_284, %swap3A_285], %swap3A_288 {strides = array<i32>} : memref<16x128xf32, #tpu.memory_space<vmem>>, vector<1x16xf32>,
    %broadcast_in_dim3A_289 = arith.constant 0.000000e+00 : f32
    %broadcast_in_dim3A_290 = vector.broadcast %broadcast_in_dim3A_289 : f32 to vector<16xf32>
    %swap3A_291 = arith.constant 4 : i32
    %swap3A_292 = arith.index_cast %swap3A_291 : i32 to index
    %swap3A_293 = arith.constant 48 : index
    %swap3A_294 = tpu.vector_load %arg13[%swap3A_292, %swap3A_293] {strides = array<i32>} : memref<16x128xf32, #tpu.memory_space<vmem>>, vector<1x16xf32>,
    %swap3A_295 = vector.shape_cast %swap3A_294 : vector<1x16xf32> to vector<16xf32>
    %swap3A_296 = vector.shape_cast %broadcast_in_dim3A_290 : vector<16xf32> to vector<1x16xf32>
    tpu.vector_store %arg13[%swap3A_292, %swap3A_293], %swap3A_296 {strides = array<i32>} : memref<16x128xf32, #tpu.memory_space<vmem>>, vector<1x16xf32>,
    %broadcast_in_dim3A_297 = arith.constant 0.000000e+00 : f32
    %broadcast_in_dim3A_298 = vector.broadcast %broadcast_in_dim3A_297 : f32 to vector<16xf32>
    %swap3A_299 = arith.constant 4 : i32
    %swap3A_300 = arith.index_cast %swap3A_299 : i32 to index
    %swap3A_301 = arith.constant 64 : index
    %swap3A_302 = tpu.vector_load %arg13[%swap3A_300, %swap3A_301] {strides = array<i32>} : memref<16x128xf32, #tpu.memory_space<vmem>>, vector<1x16xf32>,
    %swap3A_303 = vector.shape_cast %swap3A_302 : vector<1x16xf32> to vector<16xf32>
    %swap3A_304 = vector.shape_cast %broadcast_in_dim3A_298 : vector<16xf32> to vector<1x16xf32>
    tpu.vector_store %arg13[%swap3A_300, %swap3A_301], %swap3A_304 {strides = array<i32>} : memref<16x128xf32, #tpu.memory_space<vmem>>, vector<1x16xf32>,
    %broadcast_in_dim3A_305 = arith.constant 0.000000e+00 : f32
    %broadcast_in_dim3A_306 = vector.broadcast %broadcast_in_dim3A_305 : f32 to vector<16xf32>
    %swap3A_307 = arith.constant 4 : i32
    %swap3A_308 = arith.index_cast %swap3A_307 : i32 to index
    %swap3A_309 = arith.constant 80 : index
    %swap3A_310 = tpu.vector_load %arg13[%swap3A_308, %swap3A_309] {strides = array<i32>} : memref<16x128xf32, #tpu.memory_space<vmem>>, vector<1x16xf32>,
    %swap3A_311 = vector.shape_cast %swap3A_310 : vector<1x16xf32> to vector<16xf32>
    %swap3A_312 = vector.shape_cast %broadcast_in_dim3A_306 : vector<16xf32> to vector<1x16xf32>
    tpu.vector_store %arg13[%swap3A_308, %swap3A_309], %swap3A_312 {strides = array<i32>} : memref<16x128xf32, #tpu.memory_space<vmem>>, vector<1x16xf32>,
    %broadcast_in_dim3A_313 = arith.constant 0.000000e+00 : f32
    %broadcast_in_dim3A_314 = vector.broadcast %broadcast_in_dim3A_313 : f32 to vector<16xf32>
    %swap3A_315 = arith.constant 4 : i32
    %swap3A_316 = arith.index_cast %swap3A_315 : i32 to index
    %swap3A_317 = arith.constant 96 : index
    %swap3A_318 = tpu.vector_load %arg13[%swap3A_316, %swap3A_317] {strides = array<i32>} : memref<16x128xf32, #tpu.memory_space<vmem>>, vector<1x16xf32>,
    %swap3A_319 = vector.shape_cast %swap3A_318 : vector<1x16xf32> to vector<16xf32>
    %swap3A_320 = vector.shape_cast %broadcast_in_dim3A_314 : vector<16xf32> to vector<1x16xf32>
    tpu.vector_store %arg13[%swap3A_316, %swap3A_317], %swap3A_320 {strides = array<i32>} : memref<16x128xf32, #tpu.memory_space<vmem>>, vector<1x16xf32>,
    %broadcast_in_dim3A_321 = arith.constant 0.000000e+00 : f32
    %broadcast_in_dim3A_322 = vector.broadcast %broadcast_in_dim3A_321 : f32 to vector<16xf32>
    %swap3A_323 = arith.constant 4 : i32
    %swap3A_324 = arith.index_cast %swap3A_323 : i32 to index
    %swap3A_325 = arith.constant 112 : index
    %swap3A_326 = tpu.vector_load %arg13[%swap3A_324, %swap3A_325] {strides = array<i32>} : memref<16x128xf32, #tpu.memory_space<vmem>>, vector<1x16xf32>,
    %swap3A_327 = vector.shape_cast %swap3A_326 : vector<1x16xf32> to vector<16xf32>
    %swap3A_328 = vector.shape_cast %broadcast_in_dim3A_322 : vector<16xf32> to vector<1x16xf32>
    tpu.vector_store %arg13[%swap3A_324, %swap3A_325], %swap3A_328 {strides = array<i32>} : memref<16x128xf32, #tpu.memory_space<vmem>>, vector<1x16xf32>,
    %broadcast_in_dim3A_329 = arith.constant 0.000000e+00 : f32
    %broadcast_in_dim3A_330 = vector.broadcast %broadcast_in_dim3A_329 : f32 to vector<16xf32>
    %swap3A_331 = arith.constant 5 : i32
    %swap3A_332 = arith.index_cast %swap3A_331 : i32 to index
    %swap3A_333 = arith.constant 0 : index
    %swap3A_334 = tpu.vector_load %arg13[%swap3A_332, %swap3A_333] {strides = array<i32>} : memref<16x128xf32, #tpu.memory_space<vmem>>, vector<1x16xf32>,
    %swap3A_335 = vector.shape_cast %swap3A_334 : vector<1x16xf32> to vector<16xf32>
    %swap3A_336 = vector.shape_cast %broadcast_in_dim3A_330 : vector<16xf32> to vector<1x16xf32>
    tpu.vector_store %arg13[%swap3A_332, %swap3A_333], %swap3A_336 {strides = array<i32>} : memref<16x128xf32, #tpu.memory_space<vmem>>, vector<1x16xf32>,
    %broadcast_in_dim3A_337 = arith.constant 0.000000e+00 : f32
    %broadcast_in_dim3A_338 = vector.broadcast %broadcast_in_dim3A_337 : f32 to vector<16xf32>
    %swap3A_339 = arith.constant 5 : i32
    %swap3A_340 = arith.index_cast %swap3A_339 : i32 to index
    %swap3A_341 = arith.constant 16 : index
    %swap3A_342 = tpu.vector_load %arg13[%swap3A_340, %swap3A_341] {strides = array<i32>} : memref<16x128xf32, #tpu.memory_space<vmem>>, vector<1x16xf32>,
    %swap3A_343 = vector.shape_cast %swap3A_342 : vector<1x16xf32> to vector<16xf32>
    %swap3A_344 = vector.shape_cast %broadcast_in_dim3A_338 : vector<16xf32> to vector<1x16xf32>
    tpu.vector_store %arg13[%swap3A_340, %swap3A_341], %swap3A_344 {strides = array<i32>} : memref<16x128xf32, #tpu.memory_space<vmem>>, vector<1x16xf32>,
    %broadcast_in_dim3A_345 = arith.constant 0.000000e+00 : f32
    %broadcast_in_dim3A_346 = vector.broadcast %broadcast_in_dim3A_345 : f32 to vector<16xf32>
    %swap3A_347 = arith.constant 5 : i32
    %swap3A_348 = arith.index_cast %swap3A_347 : i32 to index
    %swap3A_349 = arith.constant 32 : index
    %swap3A_350 = tpu.vector_load %arg13[%swap3A_348, %swap3A_349] {strides = array<i32>} : memref<16x128xf32, #tpu.memory_space<vmem>>, vector<1x16xf32>,
    %swap3A_351 = vector.shape_cast %swap3A_350 : vector<1x16xf32> to vector<16xf32>
    %swap3A_352 = vector.shape_cast %broadcast_in_dim3A_346 : vector<16xf32> to vector<1x16xf32>
    tpu.vector_store %arg13[%swap3A_348, %swap3A_349], %swap3A_352 {strides = array<i32>} : memref<16x128xf32, #tpu.memory_space<vmem>>, vector<1x16xf32>,
    %broadcast_in_dim3A_353 = arith.constant 0.000000e+00 : f32
    %broadcast_in_dim3A_354 = vector.broadcast %broadcast_in_dim3A_353 : f32 to vector<16xf32>
    %swap3A_355 = arith.constant 5 : i32
    %swap3A_356 = arith.index_cast %swap3A_355 : i32 to index
    %swap3A_357 = arith.constant 48 : index
    %swap3A_358 = tpu.vector_load %arg13[%swap3A_356, %swap3A_357] {strides = array<i32>} : memref<16x128xf32, #tpu.memory_space<vmem>>, vector<1x16xf32>,
    %swap3A_359 = vector.shape_cast %swap3A_358 : vector<1x16xf32> to vector<16xf32>
    %swap3A_360 = vector.shape_cast %broadcast_in_dim3A_354 : vector<16xf32> to vector<1x16xf32>
    tpu.vector_store %arg13[%swap3A_356, %swap3A_357], %swap3A_360 {strides = array<i32>} : memref<16x128xf32, #tpu.memory_space<vmem>>, vector<1x16xf32>,
    %broadcast_in_dim3A_361 = arith.constant 0.000000e+00 : f32
    %broadcast_in_dim3A_362 = vector.broadcast %broadcast_in_dim3A_361 : f32 to vector<16xf32>
    %swap3A_363 = arith.constant 5 : i32
    %swap3A_364 = arith.index_cast %swap3A_363 : i32 to index
    %swap3A_365 = arith.constant 64 : index
    %swap3A_366 = tpu.vector_load %arg13[%swap3A_364, %swap3A_365] {strides = array<i32>} : memref<16x128xf32, #tpu.memory_space<vmem>>, vector<1x16xf32>,
    %swap3A_367 = vector.shape_cast %swap3A_366 : vector<1x16xf32> to vector<16xf32>
    %swap3A_368 = vector.shape_cast %broadcast_in_dim3A_362 : vector<16xf32> to vector<1x16xf32>
    tpu.vector_store %arg13[%swap3A_364, %swap3A_365], %swap3A_368 {strides = array<i32>} : memref<16x128xf32, #tpu.memory_space<vmem>>, vector<1x16xf32>,
    %broadcast_in_dim3A_369 = arith.constant 0.000000e+00 : f32
    %broadcast_in_dim3A_370 = vector.broadcast %broadcast_in_dim3A_369 : f32 to vector<16xf32>
    %swap3A_371 = arith.constant 5 : i32
    %swap3A_372 = arith.index_cast %swap3A_371 : i32 to index
    %swap3A_373 = arith.constant 80 : index
    %swap3A_374 = tpu.vector_load %arg13[%swap3A_372, %swap3A_373] {strides = array<i32>} : memref<16x128xf32, #tpu.memory_space<vmem>>, vector<1x16xf32>,
    %swap3A_375 = vector.shape_cast %swap3A_374 : vector<1x16xf32> to vector<16xf32>
    %swap3A_376 = vector.shape_cast %broadcast_in_dim3A_370 : vector<16xf32> to vector<1x16xf32>
    tpu.vector_store %arg13[%swap3A_372, %swap3A_373], %swap3A_376 {strides = array<i32>} : memref<16x128xf32, #tpu.memory_space<vmem>>, vector<1x16xf32>,
    %broadcast_in_dim3A_377 = arith.constant 0.000000e+00 : f32
    %broadcast_in_dim3A_378 = vector.broadcast %broadcast_in_dim3A_377 : f32 to vector<16xf32>
    %swap3A_379 = arith.constant 5 : i32
    %swap3A_380 = arith.index_cast %swap3A_379 : i32 to index
    %swap3A_381 = arith.constant 96 : index
    %swap3A_382 = tpu.vector_load %arg13[%swap3A_380, %swap3A_381] {strides = array<i32>} : memref<16x128xf32, #tpu.memory_space<vmem>>, vector<1x16xf32>,
    %swap3A_383 = vector.shape_cast %swap3A_382 : vector<1x16xf32> to vector<16xf32>
    %swap3A_384 = vector.shape_cast %broadcast_in_dim3A_378 : vector<16xf32> to vector<1x16xf32>
    tpu.vector_store %arg13[%swap3A_380, %swap3A_381], %swap3A_384 {strides = array<i32>} : memref<16x128xf32, #tpu.memory_space<vmem>>, vector<1x16xf32>,
    %broadcast_in_dim3A_385 = arith.constant 0.000000e+00 : f32
    %broadcast_in_dim3A_386 = vector.broadcast %broadcast_in_dim3A_385 : f32 to vector<16xf32>
    %swap3A_387 = arith.constant 5 : i32
    %swap3A_388 = arith.index_cast %swap3A_387 : i32 to index
    %swap3A_389 = arith.constant 112 : index
    %swap3A_390 = tpu.vector_load %arg13[%swap3A_388, %swap3A_389] {strides = array<i32>} : memref<16x128xf32, #tpu.memory_space<vmem>>, vector<1x16xf32>,
    %swap3A_391 = vector.shape_cast %swap3A_390 : vector<1x16xf32> to vector<16xf32>
    %swap3A_392 = vector.shape_cast %broadcast_in_dim3A_386 : vector<16xf32> to vector<1x16xf32>
    tpu.vector_store %arg13[%swap3A_388, %swap3A_389], %swap3A_392 {strides = array<i32>} : memref<16x128xf32, #tpu.memory_space<vmem>>, vector<1x16xf32>,
    %broadcast_in_dim3A_393 = arith.constant 0.000000e+00 : f32
    %broadcast_in_dim3A_394 = vector.broadcast %broadcast_in_dim3A_393 : f32 to vector<16xf32>
    %swap3A_395 = arith.constant 6 : i32
    %swap3A_396 = arith.index_cast %swap3A_395 : i32 to index
    %swap3A_397 = arith.constant 0 : index
    %swap3A_398 = tpu.vector_load %arg13[%swap3A_396, %swap3A_397] {strides = array<i32>} : memref<16x128xf32, #tpu.memory_space<vmem>>, vector<1x16xf32>,
    %swap3A_399 = vector.shape_cast %swap3A_398 : vector<1x16xf32> to vector<16xf32>
    %swap3A_400 = vector.shape_cast %broadcast_in_dim3A_394 : vector<16xf32> to vector<1x16xf32>
    tpu.vector_store %arg13[%swap3A_396, %swap3A_397], %swap3A_400 {strides = array<i32>} : memref<16x128xf32, #tpu.memory_space<vmem>>, vector<1x16xf32>,
    %broadcast_in_dim3A_401 = arith.constant 0.000000e+00 : f32
    %broadcast_in_dim3A_402 = vector.broadcast %broadcast_in_dim3A_401 : f32 to vector<16xf32>
    %swap3A_403 = arith.constant 6 : i32
    %swap3A_404 = arith.index_cast %swap3A_403 : i32 to index
    %swap3A_405 = arith.constant 16 : index
    %swap3A_406 = tpu.vector_load %arg13[%swap3A_404, %swap3A_405] {strides = array<i32>} : memref<16x128xf32, #tpu.memory_space<vmem>>, vector<1x16xf32>,
    %swap3A_407 = vector.shape_cast %swap3A_406 : vector<1x16xf32> to vector<16xf32>
    %swap3A_408 = vector.shape_cast %broadcast_in_dim3A_402 : vector<16xf32> to vector<1x16xf32>
    tpu.vector_store %arg13[%swap3A_404, %swap3A_405], %swap3A_408 {strides = array<i32>} : memref<16x128xf32, #tpu.memory_space<vmem>>, vector<1x16xf32>,
    %broadcast_in_dim3A_409 = arith.constant 0.000000e+00 : f32
    %broadcast_in_dim3A_410 = vector.broadcast %broadcast_in_dim3A_409 : f32 to vector<16xf32>
    %swap3A_411 = arith.constant 6 : i32
    %swap3A_412 = arith.index_cast %swap3A_411 : i32 to index
    %swap3A_413 = arith.constant 32 : index
    %swap3A_414 = tpu.vector_load %arg13[%swap3A_412, %swap3A_413] {strides = array<i32>} : memref<16x128xf32, #tpu.memory_space<vmem>>, vector<1x16xf32>,
    %swap3A_415 = vector.shape_cast %swap3A_414 : vector<1x16xf32> to vector<16xf32>
    %swap3A_416 = vector.shape_cast %broadcast_in_dim3A_410 : vector<16xf32> to vector<1x16xf32>
    tpu.vector_store %arg13[%swap3A_412, %swap3A_413], %swap3A_416 {strides = array<i32>} : memref<16x128xf32, #tpu.memory_space<vmem>>, vector<1x16xf32>,
    %broadcast_in_dim3A_417 = arith.constant 0.000000e+00 : f32
    %broadcast_in_dim3A_418 = vector.broadcast %broadcast_in_dim3A_417 : f32 to vector<16xf32>
    %swap3A_419 = arith.constant 6 : i32
    %swap3A_420 = arith.index_cast %swap3A_419 : i32 to index
    %swap3A_421 = arith.constant 48 : index
    %swap3A_422 = tpu.vector_load %arg13[%swap3A_420, %swap3A_421] {strides = array<i32>} : memref<16x128xf32, #tpu.memory_space<vmem>>, vector<1x16xf32>,
    %swap3A_423 = vector.shape_cast %swap3A_422 : vector<1x16xf32> to vector<16xf32>
    %swap3A_424 = vector.shape_cast %broadcast_in_dim3A_418 : vector<16xf32> to vector<1x16xf32>
    tpu.vector_store %arg13[%swap3A_420, %swap3A_421], %swap3A_424 {strides = array<i32>} : memref<16x128xf32, #tpu.memory_space<vmem>>, vector<1x16xf32>,
    %broadcast_in_dim3A_425 = arith.constant 0.000000e+00 : f32
    %broadcast_in_dim3A_426 = vector.broadcast %broadcast_in_dim3A_425 : f32 to vector<16xf32>
    %swap3A_427 = arith.constant 6 : i32
    %swap3A_428 = arith.index_cast %swap3A_427 : i32 to index
    %swap3A_429 = arith.constant 64 : index
    %swap3A_430 = tpu.vector_load %arg13[%swap3A_428, %swap3A_429] {strides = array<i32>} : memref<16x128xf32, #tpu.memory_space<vmem>>, vector<1x16xf32>,
    %swap3A_431 = vector.shape_cast %swap3A_430 : vector<1x16xf32> to vector<16xf32>
    %swap3A_432 = vector.shape_cast %broadcast_in_dim3A_426 : vector<16xf32> to vector<1x16xf32>
    tpu.vector_store %arg13[%swap3A_428, %swap3A_429], %swap3A_432 {strides = array<i32>} : memref<16x128xf32, #tpu.memory_space<vmem>>, vector<1x16xf32>,
    %broadcast_in_dim3A_433 = arith.constant 0.000000e+00 : f32
    %broadcast_in_dim3A_434 = vector.broadcast %broadcast_in_dim3A_433 : f32 to vector<16xf32>
    %swap3A_435 = arith.constant 6 : i32
    %swap3A_436 = arith.index_cast %swap3A_435 : i32 to index
    %swap3A_437 = arith.constant 80 : index
    %swap3A_438 = tpu.vector_load %arg13[%swap3A_436, %swap3A_437] {strides = array<i32>} : memref<16x128xf32, #tpu.memory_space<vmem>>, vector<1x16xf32>,
    %swap3A_439 = vector.shape_cast %swap3A_438 : vector<1x16xf32> to vector<16xf32>
    %swap3A_440 = vector.shape_cast %broadcast_in_dim3A_434 : vector<16xf32> to vector<1x16xf32>
    tpu.vector_store %arg13[%swap3A_436, %swap3A_437], %swap3A_440 {strides = array<i32>} : memref<16x128xf32, #tpu.memory_space<vmem>>, vector<1x16xf32>,
    %broadcast_in_dim3A_441 = arith.constant 0.000000e+00 : f32
    %broadcast_in_dim3A_442 = vector.broadcast %broadcast_in_dim3A_441 : f32 to vector<16xf32>
    %swap3A_443 = arith.constant 6 : i32
    %swap3A_444 = arith.index_cast %swap3A_443 : i32 to index
    %swap3A_445 = arith.constant 96 : index
    %swap3A_446 = tpu.vector_load %arg13[%swap3A_444, %swap3A_445] {strides = array<i32>} : memref<16x128xf32, #tpu.memory_space<vmem>>, vector<1x16xf32>,
    %swap3A_447 = vector.shape_cast %swap3A_446 : vector<1x16xf32> to vector<16xf32>
    %swap3A_448 = vector.shape_cast %broadcast_in_dim3A_442 : vector<16xf32> to vector<1x16xf32>
    tpu.vector_store %arg13[%swap3A_444, %swap3A_445], %swap3A_448 {strides = array<i32>} : memref<16x128xf32, #tpu.memory_space<vmem>>, vector<1x16xf32>,
    %broadcast_in_dim3A_449 = arith.constant 0.000000e+00 : f32
    %broadcast_in_dim3A_450 = vector.broadcast %broadcast_in_dim3A_449 : f32 to vector<16xf32>
    %swap3A_451 = arith.constant 6 : i32
    %swap3A_452 = arith.index_cast %swap3A_451 : i32 to index
    %swap3A_453 = arith.constant 112 : index
    %swap3A_454 = tpu.vector_load %arg13[%swap3A_452, %swap3A_453] {strides = array<i32>} : memref<16x128xf32, #tpu.memory_space<vmem>>, vector<1x16xf32>,
    %swap3A_455 = vector.shape_cast %swap3A_454 : vector<1x16xf32> to vector<16xf32>
    %swap3A_456 = vector.shape_cast %broadcast_in_dim3A_450 : vector<16xf32> to vector<1x16xf32>
    tpu.vector_store %arg13[%swap3A_452, %swap3A_453], %swap3A_456 {strides = array<i32>} : memref<16x128xf32, #tpu.memory_space<vmem>>, vector<1x16xf32>,
    %broadcast_in_dim3A_457 = arith.constant 0.000000e+00 : f32
    %broadcast_in_dim3A_458 = vector.broadcast %broadcast_in_dim3A_457 : f32 to vector<16xf32>
    %swap3A_459 = arith.constant 7 : i32
    %swap3A_460 = arith.index_cast %swap3A_459 : i32 to index
    %swap3A_461 = arith.constant 0 : index
    %swap3A_462 = tpu.vector_load %arg13[%swap3A_460, %swap3A_461] {strides = array<i32>} : memref<16x128xf32, #tpu.memory_space<vmem>>, vector<1x16xf32>,
    %swap3A_463 = vector.shape_cast %swap3A_462 : vector<1x16xf32> to vector<16xf32>
    %swap3A_464 = vector.shape_cast %broadcast_in_dim3A_458 : vector<16xf32> to vector<1x16xf32>
    tpu.vector_store %arg13[%swap3A_460, %swap3A_461], %swap3A_464 {strides = array<i32>} : memref<16x128xf32, #tpu.memory_space<vmem>>, vector<1x16xf32>,
    %broadcast_in_dim3A_465 = arith.constant 0.000000e+00 : f32
    %broadcast_in_dim3A_466 = vector.broadcast %broadcast_in_dim3A_465 : f32 to vector<16xf32>
    %swap3A_467 = arith.constant 7 : i32
    %swap3A_468 = arith.index_cast %swap3A_467 : i32 to index
    %swap3A_469 = arith.constant 16 : index
    %swap3A_470 = tpu.vector_load %arg13[%swap3A_468, %swap3A_469] {strides = array<i32>} : memref<16x128xf32, #tpu.memory_space<vmem>>, vector<1x16xf32>,
    %swap3A_471 = vector.shape_cast %swap3A_470 : vector<1x16xf32> to vector<16xf32>
    %swap3A_472 = vector.shape_cast %broadcast_in_dim3A_466 : vector<16xf32> to vector<1x16xf32>
    tpu.vector_store %arg13[%swap3A_468, %swap3A_469], %swap3A_472 {strides = array<i32>} : memref<16x128xf32, #tpu.memory_space<vmem>>, vector<1x16xf32>,
    %broadcast_in_dim3A_473 = arith.constant 0.000000e+00 : f32
    %broadcast_in_dim3A_474 = vector.broadcast %broadcast_in_dim3A_473 : f32 to vector<16xf32>
    %swap3A_475 = arith.constant 7 : i32
    %swap3A_476 = arith.index_cast %swap3A_475 : i32 to index
    %swap3A_477 = arith.constant 32 : index
    %swap3A_478 = tpu.vector_load %arg13[%swap3A_476, %swap3A_477] {strides = array<i32>} : memref<16x128xf32, #tpu.memory_space<vmem>>, vector<1x16xf32>,
    %swap3A_479 = vector.shape_cast %swap3A_478 : vector<1x16xf32> to vector<16xf32>
    %swap3A_480 = vector.shape_cast %broadcast_in_dim3A_474 : vector<16xf32> to vector<1x16xf32>
    tpu.vector_store %arg13[%swap3A_476, %swap3A_477], %swap3A_480 {strides = array<i32>} : memref<16x128xf32, #tpu.memory_space<vmem>>, vector<1x16xf32>,
    %broadcast_in_dim3A_481 = arith.constant 0.000000e+00 : f32
    %broadcast_in_dim3A_482 = vector.broadcast %broadcast_in_dim3A_481 : f32 to vector<16xf32>
    %swap3A_483 = arith.constant 7 : i32
    %swap3A_484 = arith.index_cast %swap3A_483 : i32 to index
    %swap3A_485 = arith.constant 48 : index
    %swap3A_486 = tpu.vector_load %arg13[%swap3A_484, %swap3A_485] {strides = array<i32>} : memref<16x128xf32, #tpu.memory_space<vmem>>, vector<1x16xf32>,
    %swap3A_487 = vector.shape_cast %swap3A_486 : vector<1x16xf32> to vector<16xf32>
    %swap3A_488 = vector.shape_cast %broadcast_in_dim3A_482 : vector<16xf32> to vector<1x16xf32>
    tpu.vector_store %arg13[%swap3A_484, %swap3A_485], %swap3A_488 {strides = array<i32>} : memref<16x128xf32, #tpu.memory_space<vmem>>, vector<1x16xf32>,
    %broadcast_in_dim3A_489 = arith.constant 0.000000e+00 : f32
    %broadcast_in_dim3A_490 = vector.broadcast %broadcast_in_dim3A_489 : f32 to vector<16xf32>
    %swap3A_491 = arith.constant 7 : i32
    %swap3A_492 = arith.index_cast %swap3A_491 : i32 to index
    %swap3A_493 = arith.constant 64 : index
    %swap3A_494 = tpu.vector_load %arg13[%swap3A_492, %swap3A_493] {strides = array<i32>} : memref<16x128xf32, #tpu.memory_space<vmem>>, vector<1x16xf32>,
    %swap3A_495 = vector.shape_cast %swap3A_494 : vector<1x16xf32> to vector<16xf32>
    %swap3A_496 = vector.shape_cast %broadcast_in_dim3A_490 : vector<16xf32> to vector<1x16xf32>
    tpu.vector_store %arg13[%swap3A_492, %swap3A_493], %swap3A_496 {strides = array<i32>} : memref<16x128xf32, #tpu.memory_space<vmem>>, vector<1x16xf32>,
    %broadcast_in_dim3A_497 = arith.constant 0.000000e+00 : f32
    %broadcast_in_dim3A_498 = vector.broadcast %broadcast_in_dim3A_497 : f32 to vector<16xf32>
    %swap3A_499 = arith.constant 7 : i32
    %swap3A_500 = arith.index_cast %swap3A_499 : i32 to index
    %swap3A_501 = arith.constant 80 : index
    %swap3A_502 = tpu.vector_load %arg13[%swap3A_500, %swap3A_501] {strides = array<i32>} : memref<16x128xf32, #tpu.memory_space<vmem>>, vector<1x16xf32>,
    %swap3A_503 = vector.shape_cast %swap3A_502 : vector<1x16xf32> to vector<16xf32>
    %swap3A_504 = vector.shape_cast %broadcast_in_dim3A_498 : vector<16xf32> to vector<1x16xf32>
    tpu.vector_store %arg13[%swap3A_500, %swap3A_501], %swap3A_504 {strides = array<i32>} : memref<16x128xf32, #tpu.memory_space<vmem>>, vector<1x16xf32>,
    %broadcast_in_dim3A_505 = arith.constant 0.000000e+00 : f32
    %broadcast_in_dim3A_506 = vector.broadcast %broadcast_in_dim3A_505 : f32 to vector<16xf32>
    %swap3A_507 = arith.constant 7 : i32
    %swap3A_508 = arith.index_cast %swap3A_507 : i32 to index
    %swap3A_509 = arith.constant 96 : index
    %swap3A_510 = tpu.vector_load %arg13[%swap3A_508, %swap3A_509] {strides = array<i32>} : memref<16x128xf32, #tpu.memory_space<vmem>>, vector<1x16xf32>,
    %swap3A_511 = vector.shape_cast %swap3A_510 : vector<1x16xf32> to vector<16xf32>
    %swap3A_512 = vector.shape_cast %broadcast_in_dim3A_506 : vector<16xf32> to vector<1x16xf32>
    tpu.vector_store %arg13[%swap3A_508, %swap3A_509], %swap3A_512 {strides = array<i32>} : memref<16x128xf32, #tpu.memory_space<vmem>>, vector<1x16xf32>,
    %broadcast_in_dim3A_513 = arith.constant 0.000000e+00 : f32
    %broadcast_in_dim3A_514 = vector.broadcast %broadcast_in_dim3A_513 : f32 to vector<16xf32>
    %swap3A_515 = arith.constant 7 : i32
    %swap3A_516 = arith.index_cast %swap3A_515 : i32 to index
    %swap3A_517 = arith.constant 112 : index
    %swap3A_518 = tpu.vector_load %arg13[%swap3A_516, %swap3A_517] {strides = array<i32>} : memref<16x128xf32, #tpu.memory_space<vmem>>, vector<1x16xf32>,
    %swap3A_519 = vector.shape_cast %swap3A_518 : vector<1x16xf32> to vector<16xf32>
    %swap3A_520 = vector.shape_cast %broadcast_in_dim3A_514 : vector<16xf32> to vector<1x16xf32>
    tpu.vector_store %arg13[%swap3A_516, %swap3A_517], %swap3A_520 {strides = array<i32>} : memref<16x128xf32, #tpu.memory_space<vmem>>, vector<1x16xf32>,
    %broadcast_in_dim3A_521 = arith.constant 0.000000e+00 : f32
    %broadcast_in_dim3A_522 = vector.broadcast %broadcast_in_dim3A_521 : f32 to vector<16xf32>
    %swap3A_523 = arith.constant 8 : i32
    %swap3A_524 = arith.index_cast %swap3A_523 : i32 to index
    %swap3A_525 = arith.constant 0 : index
    %swap3A_526 = tpu.vector_load %arg13[%swap3A_524, %swap3A_525] {strides = array<i32>} : memref<16x128xf32, #tpu.memory_space<vmem>>, vector<1x16xf32>,
    %swap3A_527 = vector.shape_cast %swap3A_526 : vector<1x16xf32> to vector<16xf32>
    %swap3A_528 = vector.shape_cast %broadcast_in_dim3A_522 : vector<16xf32> to vector<1x16xf32>
    tpu.vector_store %arg13[%swap3A_524, %swap3A_525], %swap3A_528 {strides = array<i32>} : memref<16x128xf32, #tpu.memory_space<vmem>>, vector<1x16xf32>,
    %broadcast_in_dim3A_529 = arith.constant 0.000000e+00 : f32
    %broadcast_in_dim3A_530 = vector.broadcast %broadcast_in_dim3A_529 : f32 to vector<16xf32>
    %swap3A_531 = arith.constant 8 : i32
    %swap3A_532 = arith.index_cast %swap3A_531 : i32 to index
    %swap3A_533 = arith.constant 16 : index
    %swap3A_534 = tpu.vector_load %arg13[%swap3A_532, %swap3A_533] {strides = array<i32>} : memref<16x128xf32, #tpu.memory_space<vmem>>, vector<1x16xf32>,
    %swap3A_535 = vector.shape_cast %swap3A_534 : vector<1x16xf32> to vector<16xf32>
    %swap3A_536 = vector.shape_cast %broadcast_in_dim3A_530 : vector<16xf32> to vector<1x16xf32>
    tpu.vector_store %arg13[%swap3A_532, %swap3A_533], %swap3A_536 {strides = array<i32>} : memref<16x128xf32, #tpu.memory_space<vmem>>, vector<1x16xf32>,
    %broadcast_in_dim3A_537 = arith.constant 0.000000e+00 : f32
    %broadcast_in_dim3A_538 = vector.broadcast %broadcast_in_dim3A_537 : f32 to vector<16xf32>
    %swap3A_539 = arith.constant 8 : i32
    %swap3A_540 = arith.index_cast %swap3A_539 : i32 to index
    %swap3A_541 = arith.constant 32 : index
    %swap3A_542 = tpu.vector_load %arg13[%swap3A_540, %swap3A_541] {strides = array<i32>} : memref<16x128xf32, #tpu.memory_space<vmem>>, vector<1x16xf32>,
    %swap3A_543 = vector.shape_cast %swap3A_542 : vector<1x16xf32> to vector<16xf32>
    %swap3A_544 = vector.shape_cast %broadcast_in_dim3A_538 : vector<16xf32> to vector<1x16xf32>
    tpu.vector_store %arg13[%swap3A_540, %swap3A_541], %swap3A_544 {strides = array<i32>} : memref<16x128xf32, #tpu.memory_space<vmem>>, vector<1x16xf32>,
    %broadcast_in_dim3A_545 = arith.constant 0.000000e+00 : f32
    %broadcast_in_dim3A_546 = vector.broadcast %broadcast_in_dim3A_545 : f32 to vector<16xf32>
    %swap3A_547 = arith.constant 8 : i32
    %swap3A_548 = arith.index_cast %swap3A_547 : i32 to index
    %swap3A_549 = arith.constant 48 : index
    %swap3A_550 = tpu.vector_load %arg13[%swap3A_548, %swap3A_549] {strides = array<i32>} : memref<16x128xf32, #tpu.memory_space<vmem>>, vector<1x16xf32>,
    %swap3A_551 = vector.shape_cast %swap3A_550 : vector<1x16xf32> to vector<16xf32>
    %swap3A_552 = vector.shape_cast %broadcast_in_dim3A_546 : vector<16xf32> to vector<1x16xf32>
    tpu.vector_store %arg13[%swap3A_548, %swap3A_549], %swap3A_552 {strides = array<i32>} : memref<16x128xf32, #tpu.memory_space<vmem>>, vector<1x16xf32>,
    %broadcast_in_dim3A_553 = arith.constant 0.000000e+00 : f32
    %broadcast_in_dim3A_554 = vector.broadcast %broadcast_in_dim3A_553 : f32 to vector<16xf32>
    %swap3A_555 = arith.constant 8 : i32
    %swap3A_556 = arith.index_cast %swap3A_555 : i32 to index
    %swap3A_557 = arith.constant 64 : index
    %swap3A_558 = tpu.vector_load %arg13[%swap3A_556, %swap3A_557] {strides = array<i32>} : memref<16x128xf32, #tpu.memory_space<vmem>>, vector<1x16xf32>,
    %swap3A_559 = vector.shape_cast %swap3A_558 : vector<1x16xf32> to vector<16xf32>
    %swap3A_560 = vector.shape_cast %broadcast_in_dim3A_554 : vector<16xf32> to vector<1x16xf32>
    tpu.vector_store %arg13[%swap3A_556, %swap3A_557], %swap3A_560 {strides = array<i32>} : memref<16x128xf32, #tpu.memory_space<vmem>>, vector<1x16xf32>,
    %broadcast_in_dim3A_561 = arith.constant 0.000000e+00 : f32
    %broadcast_in_dim3A_562 = vector.broadcast %broadcast_in_dim3A_561 : f32 to vector<16xf32>
    %swap3A_563 = arith.constant 8 : i32
    %swap3A_564 = arith.index_cast %swap3A_563 : i32 to index
    %swap3A_565 = arith.constant 80 : index
    %swap3A_566 = tpu.vector_load %arg13[%swap3A_564, %swap3A_565] {strides = array<i32>} : memref<16x128xf32, #tpu.memory_space<vmem>>, vector<1x16xf32>,
    %swap3A_567 = vector.shape_cast %swap3A_566 : vector<1x16xf32> to vector<16xf32>
    %swap3A_568 = vector.shape_cast %broadcast_in_dim3A_562 : vector<16xf32> to vector<1x16xf32>
    tpu.vector_store %arg13[%swap3A_564, %swap3A_565], %swap3A_568 {strides = array<i32>} : memref<16x128xf32, #tpu.memory_space<vmem>>, vector<1x16xf32>,
    %broadcast_in_dim3A_569 = arith.constant 0.000000e+00 : f32
    %broadcast_in_dim3A_570 = vector.broadcast %broadcast_in_dim3A_569 : f32 to vector<16xf32>
    %swap3A_571 = arith.constant 8 : i32
    %swap3A_572 = arith.index_cast %swap3A_571 : i32 to index
    %swap3A_573 = arith.constant 96 : index
    %swap3A_574 = tpu.vector_load %arg13[%swap3A_572, %swap3A_573] {strides = array<i32>} : memref<16x128xf32, #tpu.memory_space<vmem>>, vector<1x16xf32>,
    %swap3A_575 = vector.shape_cast %swap3A_574 : vector<1x16xf32> to vector<16xf32>
    %swap3A_576 = vector.shape_cast %broadcast_in_dim3A_570 : vector<16xf32> to vector<1x16xf32>
    tpu.vector_store %arg13[%swap3A_572, %swap3A_573], %swap3A_576 {strides = array<i32>} : memref<16x128xf32, #tpu.memory_space<vmem>>, vector<1x16xf32>,
    %broadcast_in_dim3A_577 = arith.constant 0.000000e+00 : f32
    %broadcast_in_dim3A_578 = vector.broadcast %broadcast_in_dim3A_577 : f32 to vector<16xf32>
    %swap3A_579 = arith.constant 8 : i32
    %swap3A_580 = arith.index_cast %swap3A_579 : i32 to index
    %swap3A_581 = arith.constant 112 : index
    %swap3A_582 = tpu.vector_load %arg13[%swap3A_580, %swap3A_581] {strides = array<i32>} : memref<16x128xf32, #tpu.memory_space<vmem>>, vector<1x16xf32>,
    %swap3A_583 = vector.shape_cast %swap3A_582 : vector<1x16xf32> to vector<16xf32>
    %swap3A_584 = vector.shape_cast %broadcast_in_dim3A_578 : vector<16xf32> to vector<1x16xf32>
    tpu.vector_store %arg13[%swap3A_580, %swap3A_581], %swap3A_584 {strides = array<i32>} : memref<16x128xf32, #tpu.memory_space<vmem>>, vector<1x16xf32>,
    %broadcast_in_dim3A_585 = arith.constant 0.000000e+00 : f32
    %broadcast_in_dim3A_586 = vector.broadcast %broadcast_in_dim3A_585 : f32 to vector<16xf32>
    %swap3A_587 = arith.constant 9 : i32
    %swap3A_588 = arith.index_cast %swap3A_587 : i32 to index
    %swap3A_589 = arith.constant 0 : index
    %swap3A_590 = tpu.vector_load %arg13[%swap3A_588, %swap3A_589] {strides = array<i32>} : memref<16x128xf32, #tpu.memory_space<vmem>>, vector<1x16xf32>,
    %swap3A_591 = vector.shape_cast %swap3A_590 : vector<1x16xf32> to vector<16xf32>
    %swap3A_592 = vector.shape_cast %broadcast_in_dim3A_586 : vector<16xf32> to vector<1x16xf32>
    tpu.vector_store %arg13[%swap3A_588, %swap3A_589], %swap3A_592 {strides = array<i32>} : memref<16x128xf32, #tpu.memory_space<vmem>>, vector<1x16xf32>,
    %broadcast_in_dim3A_593 = arith.constant 0.000000e+00 : f32
    %broadcast_in_dim3A_594 = vector.broadcast %broadcast_in_dim3A_593 : f32 to vector<16xf32>
    %swap3A_595 = arith.constant 9 : i32
    %swap3A_596 = arith.index_cast %swap3A_595 : i32 to index
    %swap3A_597 = arith.constant 16 : index
    %swap3A_598 = tpu.vector_load %arg13[%swap3A_596, %swap3A_597] {strides = array<i32>} : memref<16x128xf32, #tpu.memory_space<vmem>>, vector<1x16xf32>,
    %swap3A_599 = vector.shape_cast %swap3A_598 : vector<1x16xf32> to vector<16xf32>
    %swap3A_600 = vector.shape_cast %broadcast_in_dim3A_594 : vector<16xf32> to vector<1x16xf32>
    tpu.vector_store %arg13[%swap3A_596, %swap3A_597], %swap3A_600 {strides = array<i32>} : memref<16x128xf32, #tpu.memory_space<vmem>>, vector<1x16xf32>,
    %broadcast_in_dim3A_601 = arith.constant 0.000000e+00 : f32
    %broadcast_in_dim3A_602 = vector.broadcast %broadcast_in_dim3A_601 : f32 to vector<16xf32>
    %swap3A_603 = arith.constant 9 : i32
    %swap3A_604 = arith.index_cast %swap3A_603 : i32 to index
    %swap3A_605 = arith.constant 32 : index
    %swap3A_606 = tpu.vector_load %arg13[%swap3A_604, %swap3A_605] {strides = array<i32>} : memref<16x128xf32, #tpu.memory_space<vmem>>, vector<1x16xf32>,
    %swap3A_607 = vector.shape_cast %swap3A_606 : vector<1x16xf32> to vector<16xf32>
    %swap3A_608 = vector.shape_cast %broadcast_in_dim3A_602 : vector<16xf32> to vector<1x16xf32>
    tpu.vector_store %arg13[%swap3A_604, %swap3A_605], %swap3A_608 {strides = array<i32>} : memref<16x128xf32, #tpu.memory_space<vmem>>, vector<1x16xf32>,
    %broadcast_in_dim3A_609 = arith.constant 0.000000e+00 : f32
    %broadcast_in_dim3A_610 = vector.broadcast %broadcast_in_dim3A_609 : f32 to vector<16xf32>
    %swap3A_611 = arith.constant 9 : i32
    %swap3A_612 = arith.index_cast %swap3A_611 : i32 to index
    %swap3A_613 = arith.constant 48 : index
    %swap3A_614 = tpu.vector_load %arg13[%swap3A_612, %swap3A_613] {strides = array<i32>} : memref<16x128xf32, #tpu.memory_space<vmem>>, vector<1x16xf32>,
    %swap3A_615 = vector.shape_cast %swap3A_614 : vector<1x16xf32> to vector<16xf32>
    %swap3A_616 = vector.shape_cast %broadcast_in_dim3A_610 : vector<16xf32> to vector<1x16xf32>
    tpu.vector_store %arg13[%swap3A_612, %swap3A_613], %swap3A_616 {strides = array<i32>} : memref<16x128xf32, #tpu.memory_space<vmem>>, vector<1x16xf32>,
    %broadcast_in_dim3A_617 = arith.constant 0.000000e+00 : f32
    %broadcast_in_dim3A_618 = vector.broadcast %broadcast_in_dim3A_617 : f32 to vector<16xf32>
    %swap3A_619 = arith.constant 9 : i32
    %swap3A_620 = arith.index_cast %swap3A_619 : i32 to index
    %swap3A_621 = arith.constant 64 : index
    %swap3A_622 = tpu.vector_load %arg13[%swap3A_620, %swap3A_621] {strides = array<i32>} : memref<16x128xf32, #tpu.memory_space<vmem>>, vector<1x16xf32>,
    %swap3A_623 = vector.shape_cast %swap3A_622 : vector<1x16xf32> to vector<16xf32>
    %swap3A_624 = vector.shape_cast %broadcast_in_dim3A_618 : vector<16xf32> to vector<1x16xf32>
    tpu.vector_store %arg13[%swap3A_620, %swap3A_621], %swap3A_624 {strides = array<i32>} : memref<16x128xf32, #tpu.memory_space<vmem>>, vector<1x16xf32>,
    %broadcast_in_dim3A_625 = arith.constant 0.000000e+00 : f32
    %broadcast_in_dim3A_626 = vector.broadcast %broadcast_in_dim3A_625 : f32 to vector<16xf32>
    %swap3A_627 = arith.constant 9 : i32
    %swap3A_628 = arith.index_cast %swap3A_627 : i32 to index
    %swap3A_629 = arith.constant 80 : index
    %swap3A_630 = tpu.vector_load %arg13[%swap3A_628, %swap3A_629] {strides = array<i32>} : memref<16x128xf32, #tpu.memory_space<vmem>>, vector<1x16xf32>,
    %swap3A_631 = vector.shape_cast %swap3A_630 : vector<1x16xf32> to vector<16xf32>
    %swap3A_632 = vector.shape_cast %broadcast_in_dim3A_626 : vector<16xf32> to vector<1x16xf32>
    tpu.vector_store %arg13[%swap3A_628, %swap3A_629], %swap3A_632 {strides = array<i32>} : memref<16x128xf32, #tpu.memory_space<vmem>>, vector<1x16xf32>,
    %broadcast_in_dim3A_633 = arith.constant 0.000000e+00 : f32
    %broadcast_in_dim3A_634 = vector.broadcast %broadcast_in_dim3A_633 : f32 to vector<16xf32>
    %swap3A_635 = arith.constant 9 : i32
    %swap3A_636 = arith.index_cast %swap3A_635 : i32 to index
    %swap3A_637 = arith.constant 96 : index
    %swap3A_638 = tpu.vector_load %arg13[%swap3A_636, %swap3A_637] {strides = array<i32>} : memref<16x128xf32, #tpu.memory_space<vmem>>, vector<1x16xf32>,
    %swap3A_639 = vector.shape_cast %swap3A_638 : vector<1x16xf32> to vector<16xf32>
    %swap3A_640 = vector.shape_cast %broadcast_in_dim3A_634 : vector<16xf32> to vector<1x16xf32>
    tpu.vector_store %arg13[%swap3A_636, %swap3A_637], %swap3A_640 {strides = array<i32>} : memref<16x128xf32, #tpu.memory_space<vmem>>, vector<1x16xf32>,
    %broadcast_in_dim3A_641 = arith.constant 0.000000e+00 : f32
    %broadcast_in_dim3A_642 = vector.broadcast %broadcast_in_dim3A_641 : f32 to vector<16xf32>
    %swap3A_643 = arith.constant 9 : i32
    %swap3A_644 = arith.index_cast %swap3A_643 : i32 to index
    %swap3A_645 = arith.constant 112 : index
    %swap3A_646 = tpu.vector_load %arg13[%swap3A_644, %swap3A_645] {strides = array<i32>} : memref<16x128xf32, #tpu.memory_space<vmem>>, vector<1x16xf32>,
    %swap3A_647 = vector.shape_cast %swap3A_646 : vector<1x16xf32> to vector<16xf32>
    %swap3A_648 = vector.shape_cast %broadcast_in_dim3A_642 : vector<16xf32> to vector<1x16xf32>
    tpu.vector_store %arg13[%swap3A_644, %swap3A_645], %swap3A_648 {strides = array<i32>} : memref<16x128xf32, #tpu.memory_space<vmem>>, vector<1x16xf32>,
    %broadcast_in_dim3A_649 = arith.constant 0.000000e+00 : f32
    %broadcast_in_dim3A_650 = vector.broadcast %broadcast_in_dim3A_649 : f32 to vector<16xf32>
    %swap3A_651 = arith.constant 10 : i32
    %swap3A_652 = arith.index_cast %swap3A_651 : i32 to index
    %swap3A_653 = arith.constant 0 : index
    %swap3A_654 = tpu.vector_load %arg13[%swap3A_652, %swap3A_653] {strides = array<i32>} : memref<16x128xf32, #tpu.memory_space<vmem>>, vector<1x16xf32>,
    %swap3A_655 = vector.shape_cast %swap3A_654 : vector<1x16xf32> to vector<16xf32>
    %swap3A_656 = vector.shape_cast %broadcast_in_dim3A_650 : vector<16xf32> to vector<1x16xf32>
    tpu.vector_store %arg13[%swap3A_652, %swap3A_653], %swap3A_656 {strides = array<i32>} : memref<16x128xf32, #tpu.memory_space<vmem>>, vector<1x16xf32>,
    %broadcast_in_dim3A_657 = arith.constant 0.000000e+00 : f32
    %broadcast_in_dim3A_658 = vector.broadcast %broadcast_in_dim3A_657 : f32 to vector<16xf32>
    %swap3A_659 = arith.constant 10 : i32
    %swap3A_660 = arith.index_cast %swap3A_659 : i32 to index
    %swap3A_661 = arith.constant 16 : index
    %swap3A_662 = tpu.vector_load %arg13[%swap3A_660, %swap3A_661] {strides = array<i32>} : memref<16x128xf32, #tpu.memory_space<vmem>>, vector<1x16xf32>,
    %swap3A_663 = vector.shape_cast %swap3A_662 : vector<1x16xf32> to vector<16xf32>
    %swap3A_664 = vector.shape_cast %broadcast_in_dim3A_658 : vector<16xf32> to vector<1x16xf32>
    tpu.vector_store %arg13[%swap3A_660, %swap3A_661], %swap3A_664 {strides = array<i32>} : memref<16x128xf32, #tpu.memory_space<vmem>>, vector<1x16xf32>,
    %broadcast_in_dim3A_665 = arith.constant 0.000000e+00 : f32
    %broadcast_in_dim3A_666 = vector.broadcast %broadcast_in_dim3A_665 : f32 to vector<16xf32>
    %swap3A_667 = arith.constant 10 : i32
    %swap3A_668 = arith.index_cast %swap3A_667 : i32 to index
    %swap3A_669 = arith.constant 32 : index
    %swap3A_670 = tpu.vector_load %arg13[%swap3A_668, %swap3A_669] {strides = array<i32>} : memref<16x128xf32, #tpu.memory_space<vmem>>, vector<1x16xf32>,
    %swap3A_671 = vector.shape_cast %swap3A_670 : vector<1x16xf32> to vector<16xf32>
    %swap3A_672 = vector.shape_cast %broadcast_in_dim3A_666 : vector<16xf32> to vector<1x16xf32>
    tpu.vector_store %arg13[%swap3A_668, %swap3A_669], %swap3A_672 {strides = array<i32>} : memref<16x128xf32, #tpu.memory_space<vmem>>, vector<1x16xf32>,
    %broadcast_in_dim3A_673 = arith.constant 0.000000e+00 : f32
    %broadcast_in_dim3A_674 = vector.broadcast %broadcast_in_dim3A_673 : f32 to vector<16xf32>
    %swap3A_675 = arith.constant 10 : i32
    %swap3A_676 = arith.index_cast %swap3A_675 : i32 to index
    %swap3A_677 = arith.constant 48 : index
    %swap3A_678 = tpu.vector_load %arg13[%swap3A_676, %swap3A_677] {strides = array<i32>} : memref<16x128xf32, #tpu.memory_space<vmem>>, vector<1x16xf32>,
    %swap3A_679 = vector.shape_cast %swap3A_678 : vector<1x16xf32> to vector<16xf32>
    %swap3A_680 = vector.shape_cast %broadcast_in_dim3A_674 : vector<16xf32> to vector<1x16xf32>
    tpu.vector_store %arg13[%swap3A_676, %swap3A_677], %swap3A_680 {strides = array<i32>} : memref<16x128xf32, #tpu.memory_space<vmem>>, vector<1x16xf32>,
    %broadcast_in_dim3A_681 = arith.constant 0.000000e+00 : f32
    %broadcast_in_dim3A_682 = vector.broadcast %broadcast_in_dim3A_681 : f32 to vector<16xf32>
    %swap3A_683 = arith.constant 10 : i32
    %swap3A_684 = arith.index_cast %swap3A_683 : i32 to index
    %swap3A_685 = arith.constant 64 : index
    %swap3A_686 = tpu.vector_load %arg13[%swap3A_684, %swap3A_685] {strides = array<i32>} : memref<16x128xf32, #tpu.memory_space<vmem>>, vector<1x16xf32>,
    %swap3A_687 = vector.shape_cast %swap3A_686 : vector<1x16xf32> to vector<16xf32>
    %swap3A_688 = vector.shape_cast %broadcast_in_dim3A_682 : vector<16xf32> to vector<1x16xf32>
    tpu.vector_store %arg13[%swap3A_684, %swap3A_685], %swap3A_688 {strides = array<i32>} : memref<16x128xf32, #tpu.memory_space<vmem>>, vector<1x16xf32>,
    %broadcast_in_dim3A_689 = arith.constant 0.000000e+00 : f32
    %broadcast_in_dim3A_690 = vector.broadcast %broadcast_in_dim3A_689 : f32 to vector<16xf32>
    %swap3A_691 = arith.constant 10 : i32
    %swap3A_692 = arith.index_cast %swap3A_691 : i32 to index
    %swap3A_693 = arith.constant 80 : index
    %swap3A_694 = tpu.vector_load %arg13[%swap3A_692, %swap3A_693] {strides = array<i32>} : memref<16x128xf32, #tpu.memory_space<vmem>>, vector<1x16xf32>,
    %swap3A_695 = vector.shape_cast %swap3A_694 : vector<1x16xf32> to vector<16xf32>
    %swap3A_696 = vector.shape_cast %broadcast_in_dim3A_690 : vector<16xf32> to vector<1x16xf32>
    tpu.vector_store %arg13[%swap3A_692, %swap3A_693], %swap3A_696 {strides = array<i32>} : memref<16x128xf32, #tpu.memory_space<vmem>>, vector<1x16xf32>,
    %broadcast_in_dim3A_697 = arith.constant 0.000000e+00 : f32
    %broadcast_in_dim3A_698 = vector.broadcast %broadcast_in_dim3A_697 : f32 to vector<16xf32>
    %swap3A_699 = arith.constant 10 : i32
    %swap3A_700 = arith.index_cast %swap3A_699 : i32 to index
    %swap3A_701 = arith.constant 96 : index
    %swap3A_702 = tpu.vector_load %arg13[%swap3A_700, %swap3A_701] {strides = array<i32>} : memref<16x128xf32, #tpu.memory_space<vmem>>, vector<1x16xf32>,
    %swap3A_703 = vector.shape_cast %swap3A_702 : vector<1x16xf32> to vector<16xf32>
    %swap3A_704 = vector.shape_cast %broadcast_in_dim3A_698 : vector<16xf32> to vector<1x16xf32>
    tpu.vector_store %arg13[%swap3A_700, %swap3A_701], %swap3A_704 {strides = array<i32>} : memref<16x128xf32, #tpu.memory_space<vmem>>, vector<1x16xf32>,
    %broadcast_in_dim3A_705 = arith.constant 0.000000e+00 : f32
    %broadcast_in_dim3A_706 = vector.broadcast %broadcast_in_dim3A_705 : f32 to vector<16xf32>
    %swap3A_707 = arith.constant 10 : i32
    %swap3A_708 = arith.index_cast %swap3A_707 : i32 to index
    %swap3A_709 = arith.constant 112 : index
    %swap3A_710 = tpu.vector_load %arg13[%swap3A_708, %swap3A_709] {strides = array<i32>} : memref<16x128xf32, #tpu.memory_space<vmem>>, vector<1x16xf32>,
    %swap3A_711 = vector.shape_cast %swap3A_710 : vector<1x16xf32> to vector<16xf32>
    %swap3A_712 = vector.shape_cast %broadcast_in_dim3A_706 : vector<16xf32> to vector<1x16xf32>
    tpu.vector_store %arg13[%swap3A_708, %swap3A_709], %swap3A_712 {strides = array<i32>} : memref<16x128xf32, #tpu.memory_space<vmem>>, vector<1x16xf32>,
    %broadcast_in_dim3A_713 = arith.constant 0.000000e+00 : f32
    %broadcast_in_dim3A_714 = vector.broadcast %broadcast_in_dim3A_713 : f32 to vector<16xf32>
    %swap3A_715 = arith.constant 11 : i32
    %swap3A_716 = arith.index_cast %swap3A_715 : i32 to index
    %swap3A_717 = arith.constant 0 : index
    %swap3A_718 = tpu.vector_load %arg13[%swap3A_716, %swap3A_717] {strides = array<i32>} : memref<16x128xf32, #tpu.memory_space<vmem>>, vector<1x16xf32>,
    %swap3A_719 = vector.shape_cast %swap3A_718 : vector<1x16xf32> to vector<16xf32>
    %swap3A_720 = vector.shape_cast %broadcast_in_dim3A_714 : vector<16xf32> to vector<1x16xf32>
    tpu.vector_store %arg13[%swap3A_716, %swap3A_717], %swap3A_720 {strides = array<i32>} : memref<16x128xf32, #tpu.memory_space<vmem>>, vector<1x16xf32>,
    %broadcast_in_dim3A_721 = arith.constant 0.000000e+00 : f32
    %broadcast_in_dim3A_722 = vector.broadcast %broadcast_in_dim3A_721 : f32 to vector<16xf32>
    %swap3A_723 = arith.constant 11 : i32
    %swap3A_724 = arith.index_cast %swap3A_723 : i32 to index
    %swap3A_725 = arith.constant 16 : index
    %swap3A_726 = tpu.vector_load %arg13[%swap3A_724, %swap3A_725] {strides = array<i32>} : memref<16x128xf32, #tpu.memory_space<vmem>>, vector<1x16xf32>,
    %swap3A_727 = vector.shape_cast %swap3A_726 : vector<1x16xf32> to vector<16xf32>
    %swap3A_728 = vector.shape_cast %broadcast_in_dim3A_722 : vector<16xf32> to vector<1x16xf32>
    tpu.vector_store %arg13[%swap3A_724, %swap3A_725], %swap3A_728 {strides = array<i32>} : memref<16x128xf32, #tpu.memory_space<vmem>>, vector<1x16xf32>,
    %broadcast_in_dim3A_729 = arith.constant 0.000000e+00 : f32
    %broadcast_in_dim3A_730 = vector.broadcast %broadcast_in_dim3A_729 : f32 to vector<16xf32>
    %swap3A_731 = arith.constant 11 : i32
    %swap3A_732 = arith.index_cast %swap3A_731 : i32 to index
    %swap3A_733 = arith.constant 32 : index
    %swap3A_734 = tpu.vector_load %arg13[%swap3A_732, %swap3A_733] {strides = array<i32>} : memref<16x128xf32, #tpu.memory_space<vmem>>, vector<1x16xf32>,
    %swap3A_735 = vector.shape_cast %swap3A_734 : vector<1x16xf32> to vector<16xf32>
    %swap3A_736 = vector.shape_cast %broadcast_in_dim3A_730 : vector<16xf32> to vector<1x16xf32>
    tpu.vector_store %arg13[%swap3A_732, %swap3A_733], %swap3A_736 {strides = array<i32>} : memref<16x128xf32, #tpu.memory_space<vmem>>, vector<1x16xf32>,
    %broadcast_in_dim3A_737 = arith.constant 0.000000e+00 : f32
    %broadcast_in_dim3A_738 = vector.broadcast %broadcast_in_dim3A_737 : f32 to vector<16xf32>
    %swap3A_739 = arith.constant 11 : i32
    %swap3A_740 = arith.index_cast %swap3A_739 : i32 to index
    %swap3A_741 = arith.constant 48 : index
    %swap3A_742 = tpu.vector_load %arg13[%swap3A_740, %swap3A_741] {strides = array<i32>} : memref<16x128xf32, #tpu.memory_space<vmem>>, vector<1x16xf32>,
    %swap3A_743 = vector.shape_cast %swap3A_742 : vector<1x16xf32> to vector<16xf32>
    %swap3A_744 = vector.shape_cast %broadcast_in_dim3A_738 : vector<16xf32> to vector<1x16xf32>
    tpu.vector_store %arg13[%swap3A_740, %swap3A_741], %swap3A_744 {strides = array<i32>} : memref<16x128xf32, #tpu.memory_space<vmem>>, vector<1x16xf32>,
    %broadcast_in_dim3A_745 = arith.constant 0.000000e+00 : f32
    %broadcast_in_dim3A_746 = vector.broadcast %broadcast_in_dim3A_745 : f32 to vector<16xf32>
    %swap3A_747 = arith.constant 11 : i32
    %swap3A_748 = arith.index_cast %swap3A_747 : i32 to index
    %swap3A_749 = arith.constant 64 : index
    %swap3A_750 = tpu.vector_load %arg13[%swap3A_748, %swap3A_749] {strides = array<i32>} : memref<16x128xf32, #tpu.memory_space<vmem>>, vector<1x16xf32>,
    %swap3A_751 = vector.shape_cast %swap3A_750 : vector<1x16xf32> to vector<16xf32>
    %swap3A_752 = vector.shape_cast %broadcast_in_dim3A_746 : vector<16xf32> to vector<1x16xf32>
    tpu.vector_store %arg13[%swap3A_748, %swap3A_749], %swap3A_752 {strides = array<i32>} : memref<16x128xf32, #tpu.memory_space<vmem>>, vector<1x16xf32>,
    %broadcast_in_dim3A_753 = arith.constant 0.000000e+00 : f32
    %broadcast_in_dim3A_754 = vector.broadcast %broadcast_in_dim3A_753 : f32 to vector<16xf32>
    %swap3A_755 = arith.constant 11 : i32
    %swap3A_756 = arith.index_cast %swap3A_755 : i32 to index
    %swap3A_757 = arith.constant 80 : index
    %swap3A_758 = tpu.vector_load %arg13[%swap3A_756, %swap3A_757] {strides = array<i32>} : memref<16x128xf32, #tpu.memory_space<vmem>>, vector<1x16xf32>,
    %swap3A_759 = vector.shape_cast %swap3A_758 : vector<1x16xf32> to vector<16xf32>
    %swap3A_760 = vector.shape_cast %broadcast_in_dim3A_754 : vector<16xf32> to vector<1x16xf32>
    tpu.vector_store %arg13[%swap3A_756, %swap3A_757], %swap3A_760 {strides = array<i32>} : memref<16x128xf32, #tpu.memory_space<vmem>>, vector<1x16xf32>,
    %broadcast_in_dim3A_761 = arith.constant 0.000000e+00 : f32
    %broadcast_in_dim3A_762 = vector.broadcast %broadcast_in_dim3A_761 : f32 to vector<16xf32>
    %swap3A_763 = arith.constant 11 : i32
    %swap3A_764 = arith.index_cast %swap3A_763 : i32 to index
    %swap3A_765 = arith.constant 96 : index
    %swap3A_766 = tpu.vector_load %arg13[%swap3A_764, %swap3A_765] {strides = array<i32>} : memref<16x128xf32, #tpu.memory_space<vmem>>, vector<1x16xf32>,
    %swap3A_767 = vector.shape_cast %swap3A_766 : vector<1x16xf32> to vector<16xf32>
    %swap3A_768 = vector.shape_cast %broadcast_in_dim3A_762 : vector<16xf32> to vector<1x16xf32>
    tpu.vector_store %arg13[%swap3A_764, %swap3A_765], %swap3A_768 {strides = array<i32>} : memref<16x128xf32, #tpu.memory_space<vmem>>, vector<1x16xf32>,
    %broadcast_in_dim3A_769 = arith.constant 0.000000e+00 : f32
    %broadcast_in_dim3A_770 = vector.broadcast %broadcast_in_dim3A_769 : f32 to vector<16xf32>
    %swap3A_771 = arith.constant 11 : i32
    %swap3A_772 = arith.index_cast %swap3A_771 : i32 to index
    %swap3A_773 = arith.constant 112 : index
    %swap3A_774 = tpu.vector_load %arg13[%swap3A_772, %swap3A_773] {strides = array<i32>} : memref<16x128xf32, #tpu.memory_space<vmem>>, vector<1x16xf32>,
    %swap3A_775 = vector.shape_cast %swap3A_774 : vector<1x16xf32> to vector<16xf32>
    %swap3A_776 = vector.shape_cast %broadcast_in_dim3A_770 : vector<16xf32> to vector<1x16xf32>
    tpu.vector_store %arg13[%swap3A_772, %swap3A_773], %swap3A_776 {strides = array<i32>} : memref<16x128xf32, #tpu.memory_space<vmem>>, vector<1x16xf32>,
    %broadcast_in_dim3A_777 = arith.constant 0.000000e+00 : f32
    %broadcast_in_dim3A_778 = vector.broadcast %broadcast_in_dim3A_777 : f32 to vector<16xf32>
    %swap3A_779 = arith.constant 12 : i32
    %swap3A_780 = arith.index_cast %swap3A_779 : i32 to index
    %swap3A_781 = arith.constant 0 : index
    %swap3A_782 = tpu.vector_load %arg13[%swap3A_780, %swap3A_781] {strides = array<i32>} : memref<16x128xf32, #tpu.memory_space<vmem>>, vector<1x16xf32>,
    %swap3A_783 = vector.shape_cast %swap3A_782 : vector<1x16xf32> to vector<16xf32>
    %swap3A_784 = vector.shape_cast %broadcast_in_dim3A_778 : vector<16xf32> to vector<1x16xf32>
    tpu.vector_store %arg13[%swap3A_780, %swap3A_781], %swap3A_784 {strides = array<i32>} : memref<16x128xf32, #tpu.memory_space<vmem>>, vector<1x16xf32>,
    %broadcast_in_dim3A_785 = arith.constant 0.000000e+00 : f32
    %broadcast_in_dim3A_786 = vector.broadcast %broadcast_in_dim3A_785 : f32 to vector<16xf32>
    %swap3A_787 = arith.constant 12 : i32
    %swap3A_788 = arith.index_cast %swap3A_787 : i32 to index
    %swap3A_789 = arith.constant 16 : index
    %swap3A_790 = tpu.vector_load %arg13[%swap3A_788, %swap3A_789] {strides = array<i32>} : memref<16x128xf32, #tpu.memory_space<vmem>>, vector<1x16xf32>,
    %swap3A_791 = vector.shape_cast %swap3A_790 : vector<1x16xf32> to vector<16xf32>
    %swap3A_792 = vector.shape_cast %broadcast_in_dim3A_786 : vector<16xf32> to vector<1x16xf32>
    tpu.vector_store %arg13[%swap3A_788, %swap3A_789], %swap3A_792 {strides = array<i32>} : memref<16x128xf32, #tpu.memory_space<vmem>>, vector<1x16xf32>,
    %broadcast_in_dim3A_793 = arith.constant 0.000000e+00 : f32
    %broadcast_in_dim3A_794 = vector.broadcast %broadcast_in_dim3A_793 : f32 to vector<16xf32>
    %swap3A_795 = arith.constant 12 : i32
    %swap3A_796 = arith.index_cast %swap3A_795 : i32 to index
    %swap3A_797 = arith.constant 32 : index
    %swap3A_798 = tpu.vector_load %arg13[%swap3A_796, %swap3A_797] {strides = array<i32>} : memref<16x128xf32, #tpu.memory_space<vmem>>, vector<1x16xf32>,
    %swap3A_799 = vector.shape_cast %swap3A_798 : vector<1x16xf32> to vector<16xf32>
    %swap3A_800 = vector.shape_cast %broadcast_in_dim3A_794 : vector<16xf32> to vector<1x16xf32>
    tpu.vector_store %arg13[%swap3A_796, %swap3A_797], %swap3A_800 {strides = array<i32>} : memref<16x128xf32, #tpu.memory_space<vmem>>, vector<1x16xf32>,
    %broadcast_in_dim3A_801 = arith.constant 0.000000e+00 : f32
    %broadcast_in_dim3A_802 = vector.broadcast %broadcast_in_dim3A_801 : f32 to vector<16xf32>
    %swap3A_803 = arith.constant 12 : i32
    %swap3A_804 = arith.index_cast %swap3A_803 : i32 to index
    %swap3A_805 = arith.constant 48 : index
    %swap3A_806 = tpu.vector_load %arg13[%swap3A_804, %swap3A_805] {strides = array<i32>} : memref<16x128xf32, #tpu.memory_space<vmem>>, vector<1x16xf32>,
    %swap3A_807 = vector.shape_cast %swap3A_806 : vector<1x16xf32> to vector<16xf32>
    %swap3A_808 = vector.shape_cast %broadcast_in_dim3A_802 : vector<16xf32> to vector<1x16xf32>
    tpu.vector_store %arg13[%swap3A_804, %swap3A_805], %swap3A_808 {strides = array<i32>} : memref<16x128xf32, #tpu.memory_space<vmem>>, vector<1x16xf32>,
    %broadcast_in_dim3A_809 = arith.constant 0.000000e+00 : f32
    %broadcast_in_dim3A_810 = vector.broadcast %broadcast_in_dim3A_809 : f32 to vector<16xf32>
    %swap3A_811 = arith.constant 12 : i32
    %swap3A_812 = arith.index_cast %swap3A_811 : i32 to index
    %swap3A_813 = arith.constant 64 : index
    %swap3A_814 = tpu.vector_load %arg13[%swap3A_812, %swap3A_813] {strides = array<i32>} : memref<16x128xf32, #tpu.memory_space<vmem>>, vector<1x16xf32>,
    %swap3A_815 = vector.shape_cast %swap3A_814 : vector<1x16xf32> to vector<16xf32>
    %swap3A_816 = vector.shape_cast %broadcast_in_dim3A_810 : vector<16xf32> to vector<1x16xf32>
    tpu.vector_store %arg13[%swap3A_812, %swap3A_813], %swap3A_816 {strides = array<i32>} : memref<16x128xf32, #tpu.memory_space<vmem>>, vector<1x16xf32>,
    %broadcast_in_dim3A_817 = arith.constant 0.000000e+00 : f32
    %broadcast_in_dim3A_818 = vector.broadcast %broadcast_in_dim3A_817 : f32 to vector<16xf32>
    %swap3A_819 = arith.constant 12 : i32
    %swap3A_820 = arith.index_cast %swap3A_819 : i32 to index
    %swap3A_821 = arith.constant 80 : index
    %swap3A_822 = tpu.vector_load %arg13[%swap3A_820, %swap3A_821] {strides = array<i32>} : memref<16x128xf32, #tpu.memory_space<vmem>>, vector<1x16xf32>,
    %swap3A_823 = vector.shape_cast %swap3A_822 : vector<1x16xf32> to vector<16xf32>
    %swap3A_824 = vector.shape_cast %broadcast_in_dim3A_818 : vector<16xf32> to vector<1x16xf32>
    tpu.vector_store %arg13[%swap3A_820, %swap3A_821], %swap3A_824 {strides = array<i32>} : memref<16x128xf32, #tpu.memory_space<vmem>>, vector<1x16xf32>,
    %broadcast_in_dim3A_825 = arith.constant 0.000000e+00 : f32
    %broadcast_in_dim3A_826 = vector.broadcast %broadcast_in_dim3A_825 : f32 to vector<16xf32>
    %swap3A_827 = arith.constant 12 : i32
    %swap3A_828 = arith.index_cast %swap3A_827 : i32 to index
    %swap3A_829 = arith.constant 96 : index
    %swap3A_830 = tpu.vector_load %arg13[%swap3A_828, %swap3A_829] {strides = array<i32>} : memref<16x128xf32, #tpu.memory_space<vmem>>, vector<1x16xf32>,
    %swap3A_831 = vector.shape_cast %swap3A_830 : vector<1x16xf32> to vector<16xf32>
    %swap3A_832 = vector.shape_cast %broadcast_in_dim3A_826 : vector<16xf32> to vector<1x16xf32>
    tpu.vector_store %arg13[%swap3A_828, %swap3A_829], %swap3A_832 {strides = array<i32>} : memref<16x128xf32, #tpu.memory_space<vmem>>, vector<1x16xf32>,
    %broadcast_in_dim3A_833 = arith.constant 0.000000e+00 : f32
    %broadcast_in_dim3A_834 = vector.broadcast %broadcast_in_dim3A_833 : f32 to vector<16xf32>
    %swap3A_835 = arith.constant 12 : i32
    %swap3A_836 = arith.index_cast %swap3A_835 : i32 to index
    %swap3A_837 = arith.constant 112 : index
    %swap3A_838 = tpu.vector_load %arg13[%swap3A_836, %swap3A_837] {strides = array<i32>} : memref<16x128xf32, #tpu.memory_space<vmem>>, vector<1x16xf32>,
    %swap3A_839 = vector.shape_cast %swap3A_838 : vector<1x16xf32> to vector<16xf32>
    %swap3A_840 = vector.shape_cast %broadcast_in_dim3A_834 : vector<16xf32> to vector<1x16xf32>
    tpu.vector_store %arg13[%swap3A_836, %swap3A_837], %swap3A_840 {strides = array<i32>} : memref<16x128xf32, #tpu.memory_space<vmem>>, vector<1x16xf32>,
    %broadcast_in_dim3A_841 = arith.constant 0.000000e+00 : f32
    %broadcast_in_dim3A_842 = vector.broadcast %broadcast_in_dim3A_841 : f32 to vector<16xf32>
    %swap3A_843 = arith.constant 13 : i32
    %swap3A_844 = arith.index_cast %swap3A_843 : i32 to index
    %swap3A_845 = arith.constant 0 : index
    %swap3A_846 = tpu.vector_load %arg13[%swap3A_844, %swap3A_845] {strides = array<i32>} : memref<16x128xf32, #tpu.memory_space<vmem>>, vector<1x16xf32>,
    %swap3A_847 = vector.shape_cast %swap3A_846 : vector<1x16xf32> to vector<16xf32>
    %swap3A_848 = vector.shape_cast %broadcast_in_dim3A_842 : vector<16xf32> to vector<1x16xf32>
    tpu.vector_store %arg13[%swap3A_844, %swap3A_845], %swap3A_848 {strides = array<i32>} : memref<16x128xf32, #tpu.memory_space<vmem>>, vector<1x16xf32>,
    %broadcast_in_dim3A_849 = arith.constant 0.000000e+00 : f32
    %broadcast_in_dim3A_850 = vector.broadcast %broadcast_in_dim3A_849 : f32 to vector<16xf32>
    %swap3A_851 = arith.constant 13 : i32
    %swap3A_852 = arith.index_cast %swap3A_851 : i32 to index
    %swap3A_853 = arith.constant 16 : index
    %swap3A_854 = tpu.vector_load %arg13[%swap3A_852, %swap3A_853] {strides = array<i32>} : memref<16x128xf32, #tpu.memory_space<vmem>>, vector<1x16xf32>,
    %swap3A_855 = vector.shape_cast %swap3A_854 : vector<1x16xf32> to vector<16xf32>
    %swap3A_856 = vector.shape_cast %broadcast_in_dim3A_850 : vector<16xf32> to vector<1x16xf32>
    tpu.vector_store %arg13[%swap3A_852, %swap3A_853], %swap3A_856 {strides = array<i32>} : memref<16x128xf32, #tpu.memory_space<vmem>>, vector<1x16xf32>,
    %broadcast_in_dim3A_857 = arith.constant 0.000000e+00 : f32
    %broadcast_in_dim3A_858 = vector.broadcast %broadcast_in_dim3A_857 : f32 to vector<16xf32>
    %swap3A_859 = arith.constant 13 : i32
    %swap3A_860 = arith.index_cast %swap3A_859 : i32 to index
    %swap3A_861 = arith.constant 32 : index
    %swap3A_862 = tpu.vector_load %arg13[%swap3A_860, %swap3A_861] {strides = array<i32>} : memref<16x128xf32, #tpu.memory_space<vmem>>, vector<1x16xf32>,
    %swap3A_863 = vector.shape_cast %swap3A_862 : vector<1x16xf32> to vector<16xf32>
    %swap3A_864 = vector.shape_cast %broadcast_in_dim3A_858 : vector<16xf32> to vector<1x16xf32>
    tpu.vector_store %arg13[%swap3A_860, %swap3A_861], %swap3A_864 {strides = array<i32>} : memref<16x128xf32, #tpu.memory_space<vmem>>, vector<1x16xf32>,
    %broadcast_in_dim3A_865 = arith.constant 0.000000e+00 : f32
    %broadcast_in_dim3A_866 = vector.broadcast %broadcast_in_dim3A_865 : f32 to vector<16xf32>
    %swap3A_867 = arith.constant 13 : i32
    %swap3A_868 = arith.index_cast %swap3A_867 : i32 to index
    %swap3A_869 = arith.constant 48 : index
    %swap3A_870 = tpu.vector_load %arg13[%swap3A_868, %swap3A_869] {strides = array<i32>} : memref<16x128xf32, #tpu.memory_space<vmem>>, vector<1x16xf32>,
    %swap3A_871 = vector.shape_cast %swap3A_870 : vector<1x16xf32> to vector<16xf32>
    %swap3A_872 = vector.shape_cast %broadcast_in_dim3A_866 : vector<16xf32> to vector<1x16xf32>
    tpu.vector_store %arg13[%swap3A_868, %swap3A_869], %swap3A_872 {strides = array<i32>} : memref<16x128xf32, #tpu.memory_space<vmem>>, vector<1x16xf32>,
    %broadcast_in_dim3A_873 = arith.constant 0.000000e+00 : f32
    %broadcast_in_dim3A_874 = vector.broadcast %broadcast_in_dim3A_873 : f32 to vector<16xf32>
    %swap3A_875 = arith.constant 13 : i32
    %swap3A_876 = arith.index_cast %swap3A_875 : i32 to index
    %swap3A_877 = arith.constant 64 : index
    %swap3A_878 = tpu.vector_load %arg13[%swap3A_876, %swap3A_877] {strides = array<i32>} : memref<16x128xf32, #tpu.memory_space<vmem>>, vector<1x16xf32>,
    %swap3A_879 = vector.shape_cast %swap3A_878 : vector<1x16xf32> to vector<16xf32>
    %swap3A_880 = vector.shape_cast %broadcast_in_dim3A_874 : vector<16xf32> to vector<1x16xf32>
    tpu.vector_store %arg13[%swap3A_876, %swap3A_877], %swap3A_880 {strides = array<i32>} : memref<16x128xf32, #tpu.memory_space<vmem>>, vector<1x16xf32>,
    %broadcast_in_dim3A_881 = arith.constant 0.000000e+00 : f32
    %broadcast_in_dim3A_882 = vector.broadcast %broadcast_in_dim3A_881 : f32 to vector<16xf32>
    %swap3A_883 = arith.constant 13 : i32
    %swap3A_884 = arith.index_cast %swap3A_883 : i32 to index
    %swap3A_885 = arith.constant 80 : index
    %swap3A_886 = tpu.vector_load %arg13[%swap3A_884, %swap3A_885] {strides = array<i32>} : memref<16x128xf32, #tpu.memory_space<vmem>>, vector<1x16xf32>,
    %swap3A_887 = vector.shape_cast %swap3A_886 : vector<1x16xf32> to vector<16xf32>
    %swap3A_888 = vector.shape_cast %broadcast_in_dim3A_882 : vector<16xf32> to vector<1x16xf32>
    tpu.vector_store %arg13[%swap3A_884, %swap3A_885], %swap3A_888 {strides = array<i32>} : memref<16x128xf32, #tpu.memory_space<vmem>>, vector<1x16xf32>,
    %broadcast_in_dim3A_889 = arith.constant 0.000000e+00 : f32
    %broadcast_in_dim3A_890 = vector.broadcast %broadcast_in_dim3A_889 : f32 to vector<16xf32>
    %swap3A_891 = arith.constant 13 : i32
    %swap3A_892 = arith.index_cast %swap3A_891 : i32 to index
    %swap3A_893 = arith.constant 96 : index
    %swap3A_894 = tpu.vector_load %arg13[%swap3A_892, %swap3A_893] {strides = array<i32>} : memref<16x128xf32, #tpu.memory_space<vmem>>, vector<1x16xf32>,
    %swap3A_895 = vector.shape_cast %swap3A_894 : vector<1x16xf32> to vector<16xf32>
    %swap3A_896 = vector.shape_cast %broadcast_in_dim3A_890 : vector<16xf32> to vector<1x16xf32>
    tpu.vector_store %arg13[%swap3A_892, %swap3A_893], %swap3A_896 {strides = array<i32>} : memref<16x128xf32, #tpu.memory_space<vmem>>, vector<1x16xf32>,
    %broadcast_in_dim3A_897 = arith.constant 0.000000e+00 : f32
    %broadcast_in_dim3A_898 = vector.broadcast %broadcast_in_dim3A_897 : f32 to vector<16xf32>
    %swap3A_899 = arith.constant 13 : i32
    %swap3A_900 = arith.index_cast %swap3A_899 : i32 to index
    %swap3A_901 = arith.constant 112 : index
    %swap3A_902 = tpu.vector_load %arg13[%swap3A_900, %swap3A_901] {strides = array<i32>} : memref<16x128xf32, #tpu.memory_space<vmem>>, vector<1x16xf32>,
    %swap3A_903 = vector.shape_cast %swap3A_902 : vector<1x16xf32> to vector<16xf32>
    %swap3A_904 = vector.shape_cast %broadcast_in_dim3A_898 : vector<16xf32> to vector<1x16xf32>
    tpu.vector_store %arg13[%swap3A_900, %swap3A_901], %swap3A_904 {strides = array<i32>} : memref<16x128xf32, #tpu.memory_space<vmem>>, vector<1x16xf32>,
    %broadcast_in_dim3A_905 = arith.constant 0.000000e+00 : f32
    %broadcast_in_dim3A_906 = vector.broadcast %broadcast_in_dim3A_905 : f32 to vector<16xf32>
    %swap3A_907 = arith.constant 14 : i32
    %swap3A_908 = arith.index_cast %swap3A_907 : i32 to index
    %swap3A_909 = arith.constant 0 : index
    %swap3A_910 = tpu.vector_load %arg13[%swap3A_908, %swap3A_909] {strides = array<i32>} : memref<16x128xf32, #tpu.memory_space<vmem>>, vector<1x16xf32>,
    %swap3A_911 = vector.shape_cast %swap3A_910 : vector<1x16xf32> to vector<16xf32>
    %swap3A_912 = vector.shape_cast %broadcast_in_dim3A_906 : vector<16xf32> to vector<1x16xf32>
    tpu.vector_store %arg13[%swap3A_908, %swap3A_909], %swap3A_912 {strides = array<i32>} : memref<16x128xf32, #tpu.memory_space<vmem>>, vector<1x16xf32>,
    %broadcast_in_dim3A_913 = arith.constant 0.000000e+00 : f32
    %broadcast_in_dim3A_914 = vector.broadcast %broadcast_in_dim3A_913 : f32 to vector<16xf32>
    %swap3A_915 = arith.constant 14 : i32
    %swap3A_916 = arith.index_cast %swap3A_915 : i32 to index
    %swap3A_917 = arith.constant 16 : index
    %swap3A_918 = tpu.vector_load %arg13[%swap3A_916, %swap3A_917] {strides = array<i32>} : memref<16x128xf32, #tpu.memory_space<vmem>>, vector<1x16xf32>,
    %swap3A_919 = vector.shape_cast %swap3A_918 : vector<1x16xf32> to vector<16xf32>
    %swap3A_920 = vector.shape_cast %broadcast_in_dim3A_914 : vector<16xf32> to vector<1x16xf32>
    tpu.vector_store %arg13[%swap3A_916, %swap3A_917], %swap3A_920 {strides = array<i32>} : memref<16x128xf32, #tpu.memory_space<vmem>>, vector<1x16xf32>,
    %broadcast_in_dim3A_921 = arith.constant 0.000000e+00 : f32
    %broadcast_in_dim3A_922 = vector.broadcast %broadcast_in_dim3A_921 : f32 to vector<16xf32>
    %swap3A_923 = arith.constant 14 : i32
    %swap3A_924 = arith.index_cast %swap3A_923 : i32 to index
    %swap3A_925 = arith.constant 32 : index
    %swap3A_926 = tpu.vector_load %arg13[%swap3A_924, %swap3A_925] {strides = array<i32>} : memref<16x128xf32, #tpu.memory_space<vmem>>, vector<1x16xf32>,
    %swap3A_927 = vector.shape_cast %swap3A_926 : vector<1x16xf32> to vector<16xf32>
    %swap3A_928 = vector.shape_cast %broadcast_in_dim3A_922 : vector<16xf32> to vector<1x16xf32>
    tpu.vector_store %arg13[%swap3A_924, %swap3A_925], %swap3A_928 {strides = array<i32>} : memref<16x128xf32, #tpu.memory_space<vmem>>, vector<1x16xf32>,
    %broadcast_in_dim3A_929 = arith.constant 0.000000e+00 : f32
    %broadcast_in_dim3A_930 = vector.broadcast %broadcast_in_dim3A_929 : f32 to vector<16xf32>
    %swap3A_931 = arith.constant 14 : i32
    %swap3A_932 = arith.index_cast %swap3A_931 : i32 to index
    %swap3A_933 = arith.constant 48 : index
    %swap3A_934 = tpu.vector_load %arg13[%swap3A_932, %swap3A_933] {strides = array<i32>} : memref<16x128xf32, #tpu.memory_space<vmem>>, vector<1x16xf32>,
    %swap3A_935 = vector.shape_cast %swap3A_934 : vector<1x16xf32> to vector<16xf32>
    %swap3A_936 = vector.shape_cast %broadcast_in_dim3A_930 : vector<16xf32> to vector<1x16xf32>
    tpu.vector_store %arg13[%swap3A_932, %swap3A_933], %swap3A_936 {strides = array<i32>} : memref<16x128xf32, #tpu.memory_space<vmem>>, vector<1x16xf32>,
    %broadcast_in_dim3A_937 = arith.constant 0.000000e+00 : f32
    %broadcast_in_dim3A_938 = vector.broadcast %broadcast_in_dim3A_937 : f32 to vector<16xf32>
    %swap3A_939 = arith.constant 14 : i32
    %swap3A_940 = arith.index_cast %swap3A_939 : i32 to index
    %swap3A_941 = arith.constant 64 : index
    %swap3A_942 = tpu.vector_load %arg13[%swap3A_940, %swap3A_941] {strides = array<i32>} : memref<16x128xf32, #tpu.memory_space<vmem>>, vector<1x16xf32>,
    %swap3A_943 = vector.shape_cast %swap3A_942 : vector<1x16xf32> to vector<16xf32>
    %swap3A_944 = vector.shape_cast %broadcast_in_dim3A_938 : vector<16xf32> to vector<1x16xf32>
    tpu.vector_store %arg13[%swap3A_940, %swap3A_941], %swap3A_944 {strides = array<i32>} : memref<16x128xf32, #tpu.memory_space<vmem>>, vector<1x16xf32>,
    %broadcast_in_dim3A_945 = arith.constant 0.000000e+00 : f32
    %broadcast_in_dim3A_946 = vector.broadcast %broadcast_in_dim3A_945 : f32 to vector<16xf32>
    %swap3A_947 = arith.constant 14 : i32
    %swap3A_948 = arith.index_cast %swap3A_947 : i32 to index
    %swap3A_949 = arith.constant 80 : index
    %swap3A_950 = tpu.vector_load %arg13[%swap3A_948, %swap3A_949] {strides = array<i32>} : memref<16x128xf32, #tpu.memory_space<vmem>>, vector<1x16xf32>,
    %swap3A_951 = vector.shape_cast %swap3A_950 : vector<1x16xf32> to vector<16xf32>
    %swap3A_952 = vector.shape_cast %broadcast_in_dim3A_946 : vector<16xf32> to vector<1x16xf32>
    tpu.vector_store %arg13[%swap3A_948, %swap3A_949], %swap3A_952 {strides = array<i32>} : memref<16x128xf32, #tpu.memory_space<vmem>>, vector<1x16xf32>,
    %broadcast_in_dim3A_953 = arith.constant 0.000000e+00 : f32
    %broadcast_in_dim3A_954 = vector.broadcast %broadcast_in_dim3A_953 : f32 to vector<16xf32>
    %swap3A_955 = arith.constant 14 : i32
    %swap3A_956 = arith.index_cast %swap3A_955 : i32 to index
    %swap3A_957 = arith.constant 96 : index
    %swap3A_958 = tpu.vector_load %arg13[%swap3A_956, %swap3A_957] {strides = array<i32>} : memref<16x128xf32, #tpu.memory_space<vmem>>, vector<1x16xf32>,
    %swap3A_959 = vector.shape_cast %swap3A_958 : vector<1x16xf32> to vector<16xf32>
    %swap3A_960 = vector.shape_cast %broadcast_in_dim3A_954 : vector<16xf32> to vector<1x16xf32>
    tpu.vector_store %arg13[%swap3A_956, %swap3A_957], %swap3A_960 {strides = array<i32>} : memref<16x128xf32, #tpu.memory_space<vmem>>, vector<1x16xf32>,
    %broadcast_in_dim3A_961 = arith.constant 0.000000e+00 : f32
    %broadcast_in_dim3A_962 = vector.broadcast %broadcast_in_dim3A_961 : f32 to vector<16xf32>
    %swap3A_963 = arith.constant 14 : i32
    %swap3A_964 = arith.index_cast %swap3A_963 : i32 to index
    %swap3A_965 = arith.constant 112 : index
    %swap3A_966 = tpu.vector_load %arg13[%swap3A_964, %swap3A_965] {strides = array<i32>} : memref<16x128xf32, #tpu.memory_space<vmem>>, vector<1x16xf32>,
    %swap3A_967 = vector.shape_cast %swap3A_966 : vector<1x16xf32> to vector<16xf32>
    %swap3A_968 = vector.shape_cast %broadcast_in_dim3A_962 : vector<16xf32> to vector<1x16xf32>
    tpu.vector_store %arg13[%swap3A_964, %swap3A_965], %swap3A_968 {strides = array<i32>} : memref<16x128xf32, #tpu.memory_space<vmem>>, vector<1x16xf32>,
    %broadcast_in_dim3A_969 = arith.constant 0.000000e+00 : f32
    %broadcast_in_dim3A_970 = vector.broadcast %broadcast_in_dim3A_969 : f32 to vector<16xf32>
    %swap3A_971 = arith.constant 15 : i32
    %swap3A_972 = arith.index_cast %swap3A_971 : i32 to index
    %swap3A_973 = arith.constant 0 : index
    %swap3A_974 = tpu.vector_load %arg13[%swap3A_972, %swap3A_973] {strides = array<i32>} : memref<16x128xf32, #tpu.memory_space<vmem>>, vector<1x16xf32>,
    %swap3A_975 = vector.shape_cast %swap3A_974 : vector<1x16xf32> to vector<16xf32>
    %swap3A_976 = vector.shape_cast %broadcast_in_dim3A_970 : vector<16xf32> to vector<1x16xf32>
    tpu.vector_store %arg13[%swap3A_972, %swap3A_973], %swap3A_976 {strides = array<i32>} : memref<16x128xf32, #tpu.memory_space<vmem>>, vector<1x16xf32>,
    %broadcast_in_dim3A_977 = arith.constant 0.000000e+00 : f32
    %broadcast_in_dim3A_978 = vector.broadcast %broadcast_in_dim3A_977 : f32 to vector<16xf32>
    %swap3A_979 = arith.constant 15 : i32
    %swap3A_980 = arith.index_cast %swap3A_979 : i32 to index
    %swap3A_981 = arith.constant 16 : index
    %swap3A_982 = tpu.vector_load %arg13[%swap3A_980, %swap3A_981] {strides = array<i32>} : memref<16x128xf32, #tpu.memory_space<vmem>>, vector<1x16xf32>,
    %swap3A_983 = vector.shape_cast %swap3A_982 : vector<1x16xf32> to vector<16xf32>
    %swap3A_984 = vector.shape_cast %broadcast_in_dim3A_978 : vector<16xf32> to vector<1x16xf32>
    tpu.vector_store %arg13[%swap3A_980, %swap3A_981], %swap3A_984 {strides = array<i32>} : memref<16x128xf32, #tpu.memory_space<vmem>>, vector<1x16xf32>,
    %broadcast_in_dim3A_985 = arith.constant 0.000000e+00 : f32
    %broadcast_in_dim3A_986 = vector.broadcast %broadcast_in_dim3A_985 : f32 to vector<16xf32>
    %swap3A_987 = arith.constant 15 : i32
    %swap3A_988 = arith.index_cast %swap3A_987 : i32 to index
    %swap3A_989 = arith.constant 32 : index
    %swap3A_990 = tpu.vector_load %arg13[%swap3A_988, %swap3A_989] {strides = array<i32>} : memref<16x128xf32, #tpu.memory_space<vmem>>, vector<1x16xf32>,
    %swap3A_991 = vector.shape_cast %swap3A_990 : vector<1x16xf32> to vector<16xf32>
    %swap3A_992 = vector.shape_cast %broadcast_in_dim3A_986 : vector<16xf32> to vector<1x16xf32>
    tpu.vector_store %arg13[%swap3A_988, %swap3A_989], %swap3A_992 {strides = array<i32>} : memref<16x128xf32, #tpu.memory_space<vmem>>, vector<1x16xf32>,
    %broadcast_in_dim3A_993 = arith.constant 0.000000e+00 : f32
    %broadcast_in_dim3A_994 = vector.broadcast %broadcast_in_dim3A_993 : f32 to vector<16xf32>
    %swap3A_995 = arith.constant 15 : i32
    %swap3A_996 = arith.index_cast %swap3A_995 : i32 to index
    %swap3A_997 = arith.constant 48 : index
    %swap3A_998 = tpu.vector_load %arg13[%swap3A_996, %swap3A_997] {strides = array<i32>} : memref<16x128xf32, #tpu.memory_space<vmem>>, vector<1x16xf32>,
    %swap3A_999 = vector.shape_cast %swap3A_998 : vector<1x16xf32> to vector<16xf32>
    %swap3A_1000 = vector.shape_cast %broadcast_in_dim3A_994 : vector<16xf32> to vector<1x16xf32>
    tpu.vector_store %arg13[%swap3A_996, %swap3A_997], %swap3A_1000 {strides = array<i32>} : memref<16x128xf32, #tpu.memory_space<vmem>>, vector<1x16xf32>,
    %broadcast_in_dim3A_1001 = arith.constant 0.000000e+00 : f32
    %broadcast_in_dim3A_1002 = vector.broadcast %broadcast_in_dim3A_1001 : f32 to vector<16xf32>
    %swap3A_1003 = arith.constant 15 : i32
    %swap3A_1004 = arith.index_cast %swap3A_1003 : i32 to index
    %swap3A_1005 = arith.constant 64 : index
    %swap3A_1006 = tpu.vector_load %arg13[%swap3A_1004, %swap3A_1005] {strides = array<i32>} : memref<16x128xf32, #tpu.memory_space<vmem>>, vector<1x16xf32>,
    %swap3A_1007 = vector.shape_cast %swap3A_1006 : vector<1x16xf32> to vector<16xf32>
    %swap3A_1008 = vector.shape_cast %broadcast_in_dim3A_1002 : vector<16xf32> to vector<1x16xf32>
    tpu.vector_store %arg13[%swap3A_1004, %swap3A_1005], %swap3A_1008 {strides = array<i32>} : memref<16x128xf32, #tpu.memory_space<vmem>>, vector<1x16xf32>,
    %broadcast_in_dim3A_1009 = arith.constant 0.000000e+00 : f32
    %broadcast_in_dim3A_1010 = vector.broadcast %broadcast_in_dim3A_1009 : f32 to vector<16xf32>
    %swap3A_1011 = arith.constant 15 : i32
    %swap3A_1012 = arith.index_cast %swap3A_1011 : i32 to index
    %swap3A_1013 = arith.constant 80 : index
    %swap3A_1014 = tpu.vector_load %arg13[%swap3A_1012, %swap3A_1013] {strides = array<i32>} : memref<16x128xf32, #tpu.memory_space<vmem>>, vector<1x16xf32>,
    %swap3A_1015 = vector.shape_cast %swap3A_1014 : vector<1x16xf32> to vector<16xf32>
    %swap3A_1016 = vector.shape_cast %broadcast_in_dim3A_1010 : vector<16xf32> to vector<1x16xf32>
    tpu.vector_store %arg13[%swap3A_1012, %swap3A_1013], %swap3A_1016 {strides = array<i32>} : memref<16x128xf32, #tpu.memory_space<vmem>>, vector<1x16xf32>,
    %broadcast_in_dim3A_1017 = arith.constant 0.000000e+00 : f32
    %broadcast_in_dim3A_1018 = vector.broadcast %broadcast_in_dim3A_1017 : f32 to vector<16xf32>
    %swap3A_1019 = arith.constant 15 : i32
    %swap3A_1020 = arith.index_cast %swap3A_1019 : i32 to index
    %swap3A_1021 = arith.constant 96 : index
    %swap3A_1022 = tpu.vector_load %arg13[%swap3A_1020, %swap3A_1021] {strides = array<i32>} : memref<16x128xf32, #tpu.memory_space<vmem>>, vector<1x16xf32>,
    %swap3A_1023 = vector.shape_cast %swap3A_1022 : vector<1x16xf32> to vector<16xf32>
    %swap3A_1024 = vector.shape_cast %broadcast_in_dim3A_1018 : vector<16xf32> to vector<1x16xf32>
    tpu.vector_store %arg13[%swap3A_1020, %swap3A_1021], %swap3A_1024 {strides = array<i32>} : memref<16x128xf32, #tpu.memory_space<vmem>>, vector<1x16xf32>,
    %broadcast_in_dim3A_1025 = arith.constant 0.000000e+00 : f32
    %broadcast_in_dim3A_1026 = vector.broadcast %broadcast_in_dim3A_1025 : f32 to vector<16xf32>
    %swap3A_1027 = arith.constant 15 : i32
    %swap3A_1028 = arith.index_cast %swap3A_1027 : i32 to index
    %swap3A_1029 = arith.constant 112 : index
    %swap3A_1030 = tpu.vector_load %arg13[%swap3A_1028, %swap3A_1029] {strides = array<i32>} : memref<16x128xf32, #tpu.memory_space<vmem>>, vector<1x16xf32>,
    %swap3A_1031 = vector.shape_cast %swap3A_1030 : vector<1x16xf32> to vector<16xf32>
    %swap3A_1032 = vector.shape_cast %broadcast_in_dim3A_1026 : vector<16xf32> to vector<1x16xf32>
    tpu.vector_store %arg13[%swap3A_1028, %swap3A_1029], %swap3A_1032 {strides = array<i32>} : memref<16x128xf32, #tpu.memory_space<vmem>>, vector<1x16xf32>,
    %mul3A_1033 = arith.constant 640 : i32
    %mul3A_1034 = arith.muli %arg1, %mul3A_1033 : i32
    %scan3A = arith.constant 0 : i32
    %scan3A_1035 = arith.constant 0 : i32
    %scan3A_1036 = arith.constant 40 : i32
    %scan3A_1037 = arith.addi %scan3A_1035, %scan3A_1036 : i32
    %scan3A_1038 = arith.constant 1 : i32
    scf.for %scan3A_1313 = %scan3A_1035 to %scan3A_1037 step %scan3A_1038  : i32 {
      %mul3A_1314 = arith.constant 16 : i32
      %mul3A_1315 = arith.muli %scan3A_1313, %mul3A_1314 : i32
      %add3A_1316 = arith.addi %mul3A_1034, %mul3A_1315 : i32
      "tpu.region"() ({
        %run_scoped3A = tpu.sem_alloc : memref<!tpu.dma_semaphore, #tpu.memory_space<semaphore_mem>>
        %dma_start3A_1317 = arith.constant 0 : i32
        %dma_start3A_1318 = tpu.memref_slice %arg15[%add3A_1316, %dma_start3A_1317] : memref<10240x128xf32, #tpu.memory_space<vmem_shared>> -> memref<16x128xf32, #tpu.memory_space<vmem_shared>>
        %dma_start3A_1319 = arith.constant 0 : i32
        %dma_start3A_1320 = tpu.memref_slice %arg15[%add3A_1316, %dma_start3A_1319] : memref<10240x128xf32, #tpu.memory_space<vmem_shared>> -> memref<16x128xf32, #tpu.memory_space<vmem_shared>>
        tpu.enqueue_dma source(%arg13 : memref<16x128xf32, #tpu.memory_space<vmem>>) target(%dma_start3A_1320 : memref<16x128xf32, #tpu.memory_space<vmem_shared>>) target_semaphore(%run_scoped3A : memref<!tpu.dma_semaphore, #tpu.memory_space<semaphore_mem>>)
        %dma_wait3A_1321 = arith.constant 0 : i32
        %dma_wait3A_1322 = tpu.memref_slice %arg15[%add3A_1316, %dma_wait3A_1321] : memref<10240x128xf32, #tpu.memory_space<vmem_shared>> -> memref<16x128xf32, #tpu.memory_space<vmem_shared>>
        %dma_wait3A_1323 = arith.constant 0 : i32
        %dma_wait3A_1324 = tpu.memref_slice %arg15[%add3A_1316, %dma_wait3A_1323] : memref<10240x128xf32, #tpu.memory_space<vmem_shared>> -> memref<16x128xf32, #tpu.memory_space<vmem_shared>>
        tpu.wait_dma2 semaphore(%run_scoped3A : memref<!tpu.dma_semaphore, #tpu.memory_space<semaphore_mem>>) src(%arg13 : memref<16x128xf32, #tpu.memory_space<vmem>>) dst(%dma_wait3A_1324 : memref<16x128xf32, #tpu.memory_space<vmem_shared>>)
        tpu.yield
      }) : () -> ()
    }
    %scan3A_1039 = arith.constant 40 : i32
    %barrier3A = arith.constant 0 : index
    tpu.barrier barrier_id(%barrier3A)
    %add3A_1040 = arith.constant 0 : i32
    %add3A_1041 = arith.addi %mul3A_10, %add3A_1040 : i32
    "tpu.region"() ({
      %run_scoped3A = tpu.sem_alloc : memref<!tpu.dma_semaphore, #tpu.memory_space<semaphore_mem>>
      %dma_start3A_1313 = tpu.memref_slice %arg2[%add3A_1041] : memref<2572288xi32, #tpu.memory_space<hbm>> -> memref<256xi32, #tpu.memory_space<hbm>>
      %dma_start3A_1314 = tpu.memref_slice %arg2[%add3A_1041] : memref<2572288xi32, #tpu.memory_space<hbm>> -> memref<256xi32, #tpu.memory_space<hbm>>
      tpu.enqueue_dma source(%dma_start3A_1314 : memref<256xi32, #tpu.memory_space<hbm>>) target(%arg5 : memref<256xi32, #tpu.memory_space<vmem>>) target_semaphore(%run_scoped3A : memref<!tpu.dma_semaphore, #tpu.memory_space<semaphore_mem>>)
      %dma_wait3A_1315 = tpu.memref_slice %arg2[%add3A_1041] : memref<2572288xi32, #tpu.memory_space<hbm>> -> memref<256xi32, #tpu.memory_space<hbm>>
      %dma_wait3A_1316 = tpu.memref_slice %arg2[%add3A_1041] : memref<2572288xi32, #tpu.memory_space<hbm>> -> memref<256xi32, #tpu.memory_space<hbm>>
      tpu.wait_dma2 semaphore(%run_scoped3A : memref<!tpu.dma_semaphore, #tpu.memory_space<semaphore_mem>>) src(%dma_wait3A_1316 : memref<256xi32, #tpu.memory_space<hbm>>) dst(%arg5 : memref<256xi32, #tpu.memory_space<vmem>>)
      tpu.yield
    }) : () -> ()
    %get3A = arith.constant 0 : index
    %get3A_1042 = tpu.vector_load %arg5[%get3A] {strides = array<i32>} : memref<256xi32, #tpu.memory_space<vmem>>, vector<16xi32>,
    %get3A_1043 = vector.shape_cast %get3A_1042 : vector<16xi32> to vector<16xi32>
    %swap3A_1044 = arith.constant 0 : index
    %swap3A_1045 = tpu.vector_load %arg7[%swap3A_1044] {strides = array<i32>} : memref<128xi32, #tpu.memory_space<vmem>>, vector<16xi32>,
    %swap3A_1046 = vector.shape_cast %swap3A_1045 : vector<16xi32> to vector<16xi32>
    %swap3A_1047 = vector.shape_cast %get3A_1043 : vector<16xi32> to vector<16xi32>
    tpu.vector_store %arg7[%swap3A_1044], %swap3A_1047 {strides = array<i32>} : memref<128xi32, #tpu.memory_space<vmem>>, vector<16xi32>,
    %get3A_1048 = arith.constant 128 : index
    %get3A_1049 = tpu.vector_load %arg5[%get3A_1048] {strides = array<i32>} : memref<256xi32, #tpu.memory_space<vmem>>, vector<16xi32>,
    %get3A_1050 = vector.shape_cast %get3A_1049 : vector<16xi32> to vector<16xi32>
    %swap3A_1051 = arith.constant 0 : index
    %swap3A_1052 = tpu.vector_load %arg9[%swap3A_1051] {strides = array<i32>} : memref<128xi32, #tpu.memory_space<vmem>>, vector<16xi32>,
    %swap3A_1053 = vector.shape_cast %swap3A_1052 : vector<16xi32> to vector<16xi32>
    %swap3A_1054 = vector.shape_cast %get3A_1050 : vector<16xi32> to vector<16xi32>
    tpu.vector_store %arg9[%swap3A_1051], %swap3A_1054 {strides = array<i32>} : memref<128xi32, #tpu.memory_space<vmem>>, vector<16xi32>,
    %get3A_1055 = arith.constant 16 : index
    %get3A_1056 = tpu.vector_load %arg5[%get3A_1055] {strides = array<i32>} : memref<256xi32, #tpu.memory_space<vmem>>, vector<16xi32>,
    %get3A_1057 = vector.shape_cast %get3A_1056 : vector<16xi32> to vector<16xi32>
    %swap3A_1058 = arith.constant 16 : index
    %swap3A_1059 = tpu.vector_load %arg7[%swap3A_1058] {strides = array<i32>} : memref<128xi32, #tpu.memory_space<vmem>>, vector<16xi32>,
    %swap3A_1060 = vector.shape_cast %swap3A_1059 : vector<16xi32> to vector<16xi32>
    %swap3A_1061 = vector.shape_cast %get3A_1057 : vector<16xi32> to vector<16xi32>
    tpu.vector_store %arg7[%swap3A_1058], %swap3A_1061 {strides = array<i32>} : memref<128xi32, #tpu.memory_space<vmem>>, vector<16xi32>,
    %get3A_1062 = arith.constant 144 : index
    %get3A_1063 = tpu.vector_load %arg5[%get3A_1062] {strides = array<i32>} : memref<256xi32, #tpu.memory_space<vmem>>, vector<16xi32>,
    %get3A_1064 = vector.shape_cast %get3A_1063 : vector<16xi32> to vector<16xi32>
    %swap3A_1065 = arith.constant 16 : index
    %swap3A_1066 = tpu.vector_load %arg9[%swap3A_1065] {strides = array<i32>} : memref<128xi32, #tpu.memory_space<vmem>>, vector<16xi32>,
    %swap3A_1067 = vector.shape_cast %swap3A_1066 : vector<16xi32> to vector<16xi32>
    %swap3A_1068 = vector.shape_cast %get3A_1064 : vector<16xi32> to vector<16xi32>
    tpu.vector_store %arg9[%swap3A_1065], %swap3A_1068 {strides = array<i32>} : memref<128xi32, #tpu.memory_space<vmem>>, vector<16xi32>,
    %get3A_1069 = arith.constant 32 : index
    %get3A_1070 = tpu.vector_load %arg5[%get3A_1069] {strides = array<i32>} : memref<256xi32, #tpu.memory_space<vmem>>, vector<16xi32>,
    %get3A_1071 = vector.shape_cast %get3A_1070 : vector<16xi32> to vector<16xi32>
    %swap3A_1072 = arith.constant 32 : index
    %swap3A_1073 = tpu.vector_load %arg7[%swap3A_1072] {strides = array<i32>} : memref<128xi32, #tpu.memory_space<vmem>>, vector<16xi32>,
    %swap3A_1074 = vector.shape_cast %swap3A_1073 : vector<16xi32> to vector<16xi32>
    %swap3A_1075 = vector.shape_cast %get3A_1071 : vector<16xi32> to vector<16xi32>
    tpu.vector_store %arg7[%swap3A_1072], %swap3A_1075 {strides = array<i32>} : memref<128xi32, #tpu.memory_space<vmem>>, vector<16xi32>,
    %get3A_1076 = arith.constant 160 : index
    %get3A_1077 = tpu.vector_load %arg5[%get3A_1076] {strides = array<i32>} : memref<256xi32, #tpu.memory_space<vmem>>, vector<16xi32>,
    %get3A_1078 = vector.shape_cast %get3A_1077 : vector<16xi32> to vector<16xi32>
    %swap3A_1079 = arith.constant 32 : index
    %swap3A_1080 = tpu.vector_load %arg9[%swap3A_1079] {strides = array<i32>} : memref<128xi32, #tpu.memory_space<vmem>>, vector<16xi32>,
    %swap3A_1081 = vector.shape_cast %swap3A_1080 : vector<16xi32> to vector<16xi32>
    %swap3A_1082 = vector.shape_cast %get3A_1078 : vector<16xi32> to vector<16xi32>
    tpu.vector_store %arg9[%swap3A_1079], %swap3A_1082 {strides = array<i32>} : memref<128xi32, #tpu.memory_space<vmem>>, vector<16xi32>,
    %get3A_1083 = arith.constant 48 : index
    %get3A_1084 = tpu.vector_load %arg5[%get3A_1083] {strides = array<i32>} : memref<256xi32, #tpu.memory_space<vmem>>, vector<16xi32>,
    %get3A_1085 = vector.shape_cast %get3A_1084 : vector<16xi32> to vector<16xi32>
    %swap3A_1086 = arith.constant 48 : index
    %swap3A_1087 = tpu.vector_load %arg7[%swap3A_1086] {strides = array<i32>} : memref<128xi32, #tpu.memory_space<vmem>>, vector<16xi32>,
    %swap3A_1088 = vector.shape_cast %swap3A_1087 : vector<16xi32> to vector<16xi32>
    %swap3A_1089 = vector.shape_cast %get3A_1085 : vector<16xi32> to vector<16xi32>
    tpu.vector_store %arg7[%swap3A_1086], %swap3A_1089 {strides = array<i32>} : memref<128xi32, #tpu.memory_space<vmem>>, vector<16xi32>,
    %get3A_1090 = arith.constant 176 : index
    %get3A_1091 = tpu.vector_load %arg5[%get3A_1090] {strides = array<i32>} : memref<256xi32, #tpu.memory_space<vmem>>, vector<16xi32>,
    %get3A_1092 = vector.shape_cast %get3A_1091 : vector<16xi32> to vector<16xi32>
    %swap3A_1093 = arith.constant 48 : index
    %swap3A_1094 = tpu.vector_load %arg9[%swap3A_1093] {strides = array<i32>} : memref<128xi32, #tpu.memory_space<vmem>>, vector<16xi32>,
    %swap3A_1095 = vector.shape_cast %swap3A_1094 : vector<16xi32> to vector<16xi32>
    %swap3A_1096 = vector.shape_cast %get3A_1092 : vector<16xi32> to vector<16xi32>
    tpu.vector_store %arg9[%swap3A_1093], %swap3A_1096 {strides = array<i32>} : memref<128xi32, #tpu.memory_space<vmem>>, vector<16xi32>,
    %get3A_1097 = arith.constant 64 : index
    %get3A_1098 = tpu.vector_load %arg5[%get3A_1097] {strides = array<i32>} : memref<256xi32, #tpu.memory_space<vmem>>, vector<16xi32>,
    %get3A_1099 = vector.shape_cast %get3A_1098 : vector<16xi32> to vector<16xi32>
    %swap3A_1100 = arith.constant 64 : index
    %swap3A_1101 = tpu.vector_load %arg7[%swap3A_1100] {strides = array<i32>} : memref<128xi32, #tpu.memory_space<vmem>>, vector<16xi32>,
    %swap3A_1102 = vector.shape_cast %swap3A_1101 : vector<16xi32> to vector<16xi32>
    %swap3A_1103 = vector.shape_cast %get3A_1099 : vector<16xi32> to vector<16xi32>
    tpu.vector_store %arg7[%swap3A_1100], %swap3A_1103 {strides = array<i32>} : memref<128xi32, #tpu.memory_space<vmem>>, vector<16xi32>,
    %get3A_1104 = arith.constant 192 : index
    %get3A_1105 = tpu.vector_load %arg5[%get3A_1104] {strides = array<i32>} : memref<256xi32, #tpu.memory_space<vmem>>, vector<16xi32>,
    %get3A_1106 = vector.shape_cast %get3A_1105 : vector<16xi32> to vector<16xi32>
    %swap3A_1107 = arith.constant 64 : index
    %swap3A_1108 = tpu.vector_load %arg9[%swap3A_1107] {strides = array<i32>} : memref<128xi32, #tpu.memory_space<vmem>>, vector<16xi32>,
    %swap3A_1109 = vector.shape_cast %swap3A_1108 : vector<16xi32> to vector<16xi32>
    %swap3A_1110 = vector.shape_cast %get3A_1106 : vector<16xi32> to vector<16xi32>
    tpu.vector_store %arg9[%swap3A_1107], %swap3A_1110 {strides = array<i32>} : memref<128xi32, #tpu.memory_space<vmem>>, vector<16xi32>,
    %get3A_1111 = arith.constant 80 : index
    %get3A_1112 = tpu.vector_load %arg5[%get3A_1111] {strides = array<i32>} : memref<256xi32, #tpu.memory_space<vmem>>, vector<16xi32>,
    %get3A_1113 = vector.shape_cast %get3A_1112 : vector<16xi32> to vector<16xi32>
    %swap3A_1114 = arith.constant 80 : index
    %swap3A_1115 = tpu.vector_load %arg7[%swap3A_1114] {strides = array<i32>} : memref<128xi32, #tpu.memory_space<vmem>>, vector<16xi32>,
    %swap3A_1116 = vector.shape_cast %swap3A_1115 : vector<16xi32> to vector<16xi32>
    %swap3A_1117 = vector.shape_cast %get3A_1113 : vector<16xi32> to vector<16xi32>
    tpu.vector_store %arg7[%swap3A_1114], %swap3A_1117 {strides = array<i32>} : memref<128xi32, #tpu.memory_space<vmem>>, vector<16xi32>,
    %get3A_1118 = arith.constant 208 : index
    %get3A_1119 = tpu.vector_load %arg5[%get3A_1118] {strides = array<i32>} : memref<256xi32, #tpu.memory_space<vmem>>, vector<16xi32>,
    %get3A_1120 = vector.shape_cast %get3A_1119 : vector<16xi32> to vector<16xi32>
    %swap3A_1121 = arith.constant 80 : index
    %swap3A_1122 = tpu.vector_load %arg9[%swap3A_1121] {strides = array<i32>} : memref<128xi32, #tpu.memory_space<vmem>>, vector<16xi32>,
    %swap3A_1123 = vector.shape_cast %swap3A_1122 : vector<16xi32> to vector<16xi32>
    %swap3A_1124 = vector.shape_cast %get3A_1120 : vector<16xi32> to vector<16xi32>
    tpu.vector_store %arg9[%swap3A_1121], %swap3A_1124 {strides = array<i32>} : memref<128xi32, #tpu.memory_space<vmem>>, vector<16xi32>,
    %get3A_1125 = arith.constant 96 : index
    %get3A_1126 = tpu.vector_load %arg5[%get3A_1125] {strides = array<i32>} : memref<256xi32, #tpu.memory_space<vmem>>, vector<16xi32>,
    %get3A_1127 = vector.shape_cast %get3A_1126 : vector<16xi32> to vector<16xi32>
    %swap3A_1128 = arith.constant 96 : index
    %swap3A_1129 = tpu.vector_load %arg7[%swap3A_1128] {strides = array<i32>} : memref<128xi32, #tpu.memory_space<vmem>>, vector<16xi32>,
    %swap3A_1130 = vector.shape_cast %swap3A_1129 : vector<16xi32> to vector<16xi32>
    %swap3A_1131 = vector.shape_cast %get3A_1127 : vector<16xi32> to vector<16xi32>
    tpu.vector_store %arg7[%swap3A_1128], %swap3A_1131 {strides = array<i32>} : memref<128xi32, #tpu.memory_space<vmem>>, vector<16xi32>,
    %get3A_1132 = arith.constant 224 : index
    %get3A_1133 = tpu.vector_load %arg5[%get3A_1132] {strides = array<i32>} : memref<256xi32, #tpu.memory_space<vmem>>, vector<16xi32>,
    %get3A_1134 = vector.shape_cast %get3A_1133 : vector<16xi32> to vector<16xi32>
    %swap3A_1135 = arith.constant 96 : index
    %swap3A_1136 = tpu.vector_load %arg9[%swap3A_1135] {strides = array<i32>} : memref<128xi32, #tpu.memory_space<vmem>>, vector<16xi32>,
    %swap3A_1137 = vector.shape_cast %swap3A_1136 : vector<16xi32> to vector<16xi32>
    %swap3A_1138 = vector.shape_cast %get3A_1134 : vector<16xi32> to vector<16xi32>
    tpu.vector_store %arg9[%swap3A_1135], %swap3A_1138 {strides = array<i32>} : memref<128xi32, #tpu.memory_space<vmem>>, vector<16xi32>,
    %get3A_1139 = arith.constant 112 : index
    %get3A_1140 = tpu.vector_load %arg5[%get3A_1139] {strides = array<i32>} : memref<256xi32, #tpu.memory_space<vmem>>, vector<16xi32>,
    %get3A_1141 = vector.shape_cast %get3A_1140 : vector<16xi32> to vector<16xi32>
    %swap3A_1142 = arith.constant 112 : index
    %swap3A_1143 = tpu.vector_load %arg7[%swap3A_1142] {strides = array<i32>} : memref<128xi32, #tpu.memory_space<vmem>>, vector<16xi32>,
    %swap3A_1144 = vector.shape_cast %swap3A_1143 : vector<16xi32> to vector<16xi32>
    %swap3A_1145 = vector.shape_cast %get3A_1141 : vector<16xi32> to vector<16xi32>
    tpu.vector_store %arg7[%swap3A_1142], %swap3A_1145 {strides = array<i32>} : memref<128xi32, #tpu.memory_space<vmem>>, vector<16xi32>,
    %get3A_1146 = arith.constant 240 : index
    %get3A_1147 = tpu.vector_load %arg5[%get3A_1146] {strides = array<i32>} : memref<256xi32, #tpu.memory_space<vmem>>, vector<16xi32>,
    %get3A_1148 = vector.shape_cast %get3A_1147 : vector<16xi32> to vector<16xi32>
    %swap3A_1149 = arith.constant 112 : index
    %swap3A_1150 = tpu.vector_load %arg9[%swap3A_1149] {strides = array<i32>} : memref<128xi32, #tpu.memory_space<vmem>>, vector<16xi32>,
    %swap3A_1151 = vector.shape_cast %swap3A_1150 : vector<16xi32> to vector<16xi32>
    %swap3A_1152 = vector.shape_cast %get3A_1148 : vector<16xi32> to vector<16xi32>
    tpu.vector_store %arg9[%swap3A_1149], %swap3A_1152 {strides = array<i32>} : memref<128xi32, #tpu.memory_space<vmem>>, vector<16xi32>,
    %dma_start3A = arith.constant 0 : i32
    %dma_start3A_1153 = arith.constant 0 : i32
    %dma_start3A_1154 = tpu.memref_slice %arg3[%dma_start3A, %dma_start3A_1153] : memref<10000x128xf32, #tpu.memory_space<hbm>> -> memref<10000x128xf32, #tpu.memory_space<hbm>>
    tpu.enqueue_indirect_dma source(%dma_start3A_1154 : memref<10000x128xf32, #tpu.memory_space<hbm>>) target(%arg11 : memref<128x128xf32, #tpu.memory_space<vmem>>) offsets(%arg7 : memref<128xi32, #tpu.memory_space<vmem>>) semaphore(%arg16 : memref<!tpu.dma_semaphore, #tpu.memory_space<semaphore_mem>>)
    %add3A_1155 = arith.constant 256 : i32
    %add3A_1156 = arith.addi %mul3A_10, %add3A_1155 : i32
    "tpu.region"() ({
      %run_scoped3A = tpu.sem_alloc : memref<!tpu.dma_semaphore, #tpu.memory_space<semaphore_mem>>
      %dma_start3A_1313 = tpu.memref_slice %arg2[%add3A_1156] : memref<2572288xi32, #tpu.memory_space<hbm>> -> memref<256xi32, #tpu.memory_space<hbm>>
      %dma_start3A_1314 = tpu.memref_slice %arg2[%add3A_1156] : memref<2572288xi32, #tpu.memory_space<hbm>> -> memref<256xi32, #tpu.memory_space<hbm>>
      tpu.enqueue_dma source(%dma_start3A_1314 : memref<256xi32, #tpu.memory_space<hbm>>) target(%arg6 : memref<256xi32, #tpu.memory_space<vmem>>) target_semaphore(%run_scoped3A : memref<!tpu.dma_semaphore, #tpu.memory_space<semaphore_mem>>)
      %dma_wait3A_1315 = tpu.memref_slice %arg2[%add3A_1156] : memref<2572288xi32, #tpu.memory_space<hbm>> -> memref<256xi32, #tpu.memory_space<hbm>>
      %dma_wait3A_1316 = tpu.memref_slice %arg2[%add3A_1156] : memref<2572288xi32, #tpu.memory_space<hbm>> -> memref<256xi32, #tpu.memory_space<hbm>>
      tpu.wait_dma2 semaphore(%run_scoped3A : memref<!tpu.dma_semaphore, #tpu.memory_space<semaphore_mem>>) src(%dma_wait3A_1316 : memref<256xi32, #tpu.memory_space<hbm>>) dst(%arg6 : memref<256xi32, #tpu.memory_space<vmem>>)
      tpu.yield
    }) : () -> ()
    %get3A_1157 = arith.constant 0 : index
    %get3A_1158 = tpu.vector_load %arg6[%get3A_1157] {strides = array<i32>} : memref<256xi32, #tpu.memory_space<vmem>>, vector<16xi32>,
    %get3A_1159 = vector.shape_cast %get3A_1158 : vector<16xi32> to vector<16xi32>
    %swap3A_1160 = arith.constant 0 : index
    %swap3A_1161 = tpu.vector_load %arg8[%swap3A_1160] {strides = array<i32>} : memref<128xi32, #tpu.memory_space<vmem>>, vector<16xi32>,
    %swap3A_1162 = vector.shape_cast %swap3A_1161 : vector<16xi32> to vector<16xi32>
    %swap3A_1163 = vector.shape_cast %get3A_1159 : vector<16xi32> to vector<16xi32>
    tpu.vector_store %arg8[%swap3A_1160], %swap3A_1163 {strides = array<i32>} : memref<128xi32, #tpu.memory_space<vmem>>, vector<16xi32>,
    %get3A_1164 = arith.constant 128 : index
    %get3A_1165 = tpu.vector_load %arg6[%get3A_1164] {strides = array<i32>} : memref<256xi32, #tpu.memory_space<vmem>>, vector<16xi32>,
    %get3A_1166 = vector.shape_cast %get3A_1165 : vector<16xi32> to vector<16xi32>
    %swap3A_1167 = arith.constant 0 : index
    %swap3A_1168 = tpu.vector_load %arg10[%swap3A_1167] {strides = array<i32>} : memref<128xi32, #tpu.memory_space<vmem>>, vector<16xi32>,
    %swap3A_1169 = vector.shape_cast %swap3A_1168 : vector<16xi32> to vector<16xi32>
    %swap3A_1170 = vector.shape_cast %get3A_1166 : vector<16xi32> to vector<16xi32>
    tpu.vector_store %arg10[%swap3A_1167], %swap3A_1170 {strides = array<i32>} : memref<128xi32, #tpu.memory_space<vmem>>, vector<16xi32>,
    %get3A_1171 = arith.constant 16 : index
    %get3A_1172 = tpu.vector_load %arg6[%get3A_1171] {strides = array<i32>} : memref<256xi32, #tpu.memory_space<vmem>>, vector<16xi32>,
    %get3A_1173 = vector.shape_cast %get3A_1172 : vector<16xi32> to vector<16xi32>
    %swap3A_1174 = arith.constant 16 : index
    %swap3A_1175 = tpu.vector_load %arg8[%swap3A_1174] {strides = array<i32>} : memref<128xi32, #tpu.memory_space<vmem>>, vector<16xi32>,
    %swap3A_1176 = vector.shape_cast %swap3A_1175 : vector<16xi32> to vector<16xi32>
    %swap3A_1177 = vector.shape_cast %get3A_1173 : vector<16xi32> to vector<16xi32>
    tpu.vector_store %arg8[%swap3A_1174], %swap3A_1177 {strides = array<i32>} : memref<128xi32, #tpu.memory_space<vmem>>, vector<16xi32>,
    %get3A_1178 = arith.constant 144 : index
    %get3A_1179 = tpu.vector_load %arg6[%get3A_1178] {strides = array<i32>} : memref<256xi32, #tpu.memory_space<vmem>>, vector<16xi32>,
    %get3A_1180 = vector.shape_cast %get3A_1179 : vector<16xi32> to vector<16xi32>
    %swap3A_1181 = arith.constant 16 : index
    %swap3A_1182 = tpu.vector_load %arg10[%swap3A_1181] {strides = array<i32>} : memref<128xi32, #tpu.memory_space<vmem>>, vector<16xi32>,
    %swap3A_1183 = vector.shape_cast %swap3A_1182 : vector<16xi32> to vector<16xi32>
    %swap3A_1184 = vector.shape_cast %get3A_1180 : vector<16xi32> to vector<16xi32>
    tpu.vector_store %arg10[%swap3A_1181], %swap3A_1184 {strides = array<i32>} : memref<128xi32, #tpu.memory_space<vmem>>, vector<16xi32>,
    %get3A_1185 = arith.constant 32 : index
    %get3A_1186 = tpu.vector_load %arg6[%get3A_1185] {strides = array<i32>} : memref<256xi32, #tpu.memory_space<vmem>>, vector<16xi32>,
    %get3A_1187 = vector.shape_cast %get3A_1186 : vector<16xi32> to vector<16xi32>
    %swap3A_1188 = arith.constant 32 : index
    %swap3A_1189 = tpu.vector_load %arg8[%swap3A_1188] {strides = array<i32>} : memref<128xi32, #tpu.memory_space<vmem>>, vector<16xi32>,
    %swap3A_1190 = vector.shape_cast %swap3A_1189 : vector<16xi32> to vector<16xi32>
    %swap3A_1191 = vector.shape_cast %get3A_1187 : vector<16xi32> to vector<16xi32>
    tpu.vector_store %arg8[%swap3A_1188], %swap3A_1191 {strides = array<i32>} : memref<128xi32, #tpu.memory_space<vmem>>, vector<16xi32>,
    %get3A_1192 = arith.constant 160 : index
    %get3A_1193 = tpu.vector_load %arg6[%get3A_1192] {strides = array<i32>} : memref<256xi32, #tpu.memory_space<vmem>>, vector<16xi32>,
    %get3A_1194 = vector.shape_cast %get3A_1193 : vector<16xi32> to vector<16xi32>
    %swap3A_1195 = arith.constant 32 : index
    %swap3A_1196 = tpu.vector_load %arg10[%swap3A_1195] {strides = array<i32>} : memref<128xi32, #tpu.memory_space<vmem>>, vector<16xi32>,
    %swap3A_1197 = vector.shape_cast %swap3A_1196 : vector<16xi32> to vector<16xi32>
    %swap3A_1198 = vector.shape_cast %get3A_1194 : vector<16xi32> to vector<16xi32>
    tpu.vector_store %arg10[%swap3A_1195], %swap3A_1198 {strides = array<i32>} : memref<128xi32, #tpu.memory_space<vmem>>, vector<16xi32>,
    %get3A_1199 = arith.constant 48 : index
    %get3A_1200 = tpu.vector_load %arg6[%get3A_1199] {strides = array<i32>} : memref<256xi32, #tpu.memory_space<vmem>>, vector<16xi32>,
    %get3A_1201 = vector.shape_cast %get3A_1200 : vector<16xi32> to vector<16xi32>
    %swap3A_1202 = arith.constant 48 : index
    %swap3A_1203 = tpu.vector_load %arg8[%swap3A_1202] {strides = array<i32>} : memref<128xi32, #tpu.memory_space<vmem>>, vector<16xi32>,
    %swap3A_1204 = vector.shape_cast %swap3A_1203 : vector<16xi32> to vector<16xi32>
    %swap3A_1205 = vector.shape_cast %get3A_1201 : vector<16xi32> to vector<16xi32>
    tpu.vector_store %arg8[%swap3A_1202], %swap3A_1205 {strides = array<i32>} : memref<128xi32, #tpu.memory_space<vmem>>, vector<16xi32>,
    %get3A_1206 = arith.constant 176 : index
    %get3A_1207 = tpu.vector_load %arg6[%get3A_1206] {strides = array<i32>} : memref<256xi32, #tpu.memory_space<vmem>>, vector<16xi32>,
    %get3A_1208 = vector.shape_cast %get3A_1207 : vector<16xi32> to vector<16xi32>
    %swap3A_1209 = arith.constant 48 : index
    %swap3A_1210 = tpu.vector_load %arg10[%swap3A_1209] {strides = array<i32>} : memref<128xi32, #tpu.memory_space<vmem>>, vector<16xi32>,
    %swap3A_1211 = vector.shape_cast %swap3A_1210 : vector<16xi32> to vector<16xi32>
    %swap3A_1212 = vector.shape_cast %get3A_1208 : vector<16xi32> to vector<16xi32>
    tpu.vector_store %arg10[%swap3A_1209], %swap3A_1212 {strides = array<i32>} : memref<128xi32, #tpu.memory_space<vmem>>, vector<16xi32>,
    %get3A_1213 = arith.constant 64 : index
    %get3A_1214 = tpu.vector_load %arg6[%get3A_1213] {strides = array<i32>} : memref<256xi32, #tpu.memory_space<vmem>>, vector<16xi32>,
    %get3A_1215 = vector.shape_cast %get3A_1214 : vector<16xi32> to vector<16xi32>
    %swap3A_1216 = arith.constant 64 : index
    %swap3A_1217 = tpu.vector_load %arg8[%swap3A_1216] {strides = array<i32>} : memref<128xi32, #tpu.memory_space<vmem>>, vector<16xi32>,
    %swap3A_1218 = vector.shape_cast %swap3A_1217 : vector<16xi32> to vector<16xi32>
    %swap3A_1219 = vector.shape_cast %get3A_1215 : vector<16xi32> to vector<16xi32>
    tpu.vector_store %arg8[%swap3A_1216], %swap3A_1219 {strides = array<i32>} : memref<128xi32, #tpu.memory_space<vmem>>, vector<16xi32>,
    %get3A_1220 = arith.constant 192 : index
    %get3A_1221 = tpu.vector_load %arg6[%get3A_1220] {strides = array<i32>} : memref<256xi32, #tpu.memory_space<vmem>>, vector<16xi32>,
    %get3A_1222 = vector.shape_cast %get3A_1221 : vector<16xi32> to vector<16xi32>
    %swap3A_1223 = arith.constant 64 : index
    %swap3A_1224 = tpu.vector_load %arg10[%swap3A_1223] {strides = array<i32>} : memref<128xi32, #tpu.memory_space<vmem>>, vector<16xi32>,
    %swap3A_1225 = vector.shape_cast %swap3A_1224 : vector<16xi32> to vector<16xi32>
    %swap3A_1226 = vector.shape_cast %get3A_1222 : vector<16xi32> to vector<16xi32>
    tpu.vector_store %arg10[%swap3A_1223], %swap3A_1226 {strides = array<i32>} : memref<128xi32, #tpu.memory_space<vmem>>, vector<16xi32>,
    %get3A_1227 = arith.constant 80 : index
    %get3A_1228 = tpu.vector_load %arg6[%get3A_1227] {strides = array<i32>} : memref<256xi32, #tpu.memory_space<vmem>>, vector<16xi32>,
    %get3A_1229 = vector.shape_cast %get3A_1228 : vector<16xi32> to vector<16xi32>
    %swap3A_1230 = arith.constant 80 : index
    %swap3A_1231 = tpu.vector_load %arg8[%swap3A_1230] {strides = array<i32>} : memref<128xi32, #tpu.memory_space<vmem>>, vector<16xi32>,
    %swap3A_1232 = vector.shape_cast %swap3A_1231 : vector<16xi32> to vector<16xi32>
    %swap3A_1233 = vector.shape_cast %get3A_1229 : vector<16xi32> to vector<16xi32>
    tpu.vector_store %arg8[%swap3A_1230], %swap3A_1233 {strides = array<i32>} : memref<128xi32, #tpu.memory_space<vmem>>, vector<16xi32>,
    %get3A_1234 = arith.constant 208 : index
    %get3A_1235 = tpu.vector_load %arg6[%get3A_1234] {strides = array<i32>} : memref<256xi32, #tpu.memory_space<vmem>>, vector<16xi32>,
    %get3A_1236 = vector.shape_cast %get3A_1235 : vector<16xi32> to vector<16xi32>
    %swap3A_1237 = arith.constant 80 : index
    %swap3A_1238 = tpu.vector_load %arg10[%swap3A_1237] {strides = array<i32>} : memref<128xi32, #tpu.memory_space<vmem>>, vector<16xi32>,
    %swap3A_1239 = vector.shape_cast %swap3A_1238 : vector<16xi32> to vector<16xi32>
    %swap3A_1240 = vector.shape_cast %get3A_1236 : vector<16xi32> to vector<16xi32>
    tpu.vector_store %arg10[%swap3A_1237], %swap3A_1240 {strides = array<i32>} : memref<128xi32, #tpu.memory_space<vmem>>, vector<16xi32>,
    %get3A_1241 = arith.constant 96 : index
    %get3A_1242 = tpu.vector_load %arg6[%get3A_1241] {strides = array<i32>} : memref<256xi32, #tpu.memory_space<vmem>>, vector<16xi32>,
    %get3A_1243 = vector.shape_cast %get3A_1242 : vector<16xi32> to vector<16xi32>
    %swap3A_1244 = arith.constant 96 : index
    %swap3A_1245 = tpu.vector_load %arg8[%swap3A_1244] {strides = array<i32>} : memref<128xi32, #tpu.memory_space<vmem>>, vector<16xi32>,
    %swap3A_1246 = vector.shape_cast %swap3A_1245 : vector<16xi32> to vector<16xi32>
    %swap3A_1247 = vector.shape_cast %get3A_1243 : vector<16xi32> to vector<16xi32>
    tpu.vector_store %arg8[%swap3A_1244], %swap3A_1247 {strides = array<i32>} : memref<128xi32, #tpu.memory_space<vmem>>, vector<16xi32>,
    %get3A_1248 = arith.constant 224 : index
    %get3A_1249 = tpu.vector_load %arg6[%get3A_1248] {strides = array<i32>} : memref<256xi32, #tpu.memory_space<vmem>>, vector<16xi32>,
    %get3A_1250 = vector.shape_cast %get3A_1249 : vector<16xi32> to vector<16xi32>
    %swap3A_1251 = arith.constant 96 : index
    %swap3A_1252 = tpu.vector_load %arg10[%swap3A_1251] {strides = array<i32>} : memref<128xi32, #tpu.memory_space<vmem>>, vector<16xi32>,
    %swap3A_1253 = vector.shape_cast %swap3A_1252 : vector<16xi32> to vector<16xi32>
    %swap3A_1254 = vector.shape_cast %get3A_1250 : vector<16xi32> to vector<16xi32>
    tpu.vector_store %arg10[%swap3A_1251], %swap3A_1254 {strides = array<i32>} : memref<128xi32, #tpu.memory_space<vmem>>, vector<16xi32>,
    %get3A_1255 = arith.constant 112 : index
    %get3A_1256 = tpu.vector_load %arg6[%get3A_1255] {strides = array<i32>} : memref<256xi32, #tpu.memory_space<vmem>>, vector<16xi32>,
    %get3A_1257 = vector.shape_cast %get3A_1256 : vector<16xi32> to vector<16xi32>
    %swap3A_1258 = arith.constant 112 : index
    %swap3A_1259 = tpu.vector_load %arg8[%swap3A_1258] {strides = array<i32>} : memref<128xi32, #tpu.memory_space<vmem>>, vector<16xi32>,
    %swap3A_1260 = vector.shape_cast %swap3A_1259 : vector<16xi32> to vector<16xi32>
    %swap3A_1261 = vector.shape_cast %get3A_1257 : vector<16xi32> to vector<16xi32>
    tpu.vector_store %arg8[%swap3A_1258], %swap3A_1261 {strides = array<i32>} : memref<128xi32, #tpu.memory_space<vmem>>, vector<16xi32>,
    %get3A_1262 = arith.constant 240 : index
    %get3A_1263 = tpu.vector_load %arg6[%get3A_1262] {strides = array<i32>} : memref<256xi32, #tpu.memory_space<vmem>>, vector<16xi32>,
    %get3A_1264 = vector.shape_cast %get3A_1263 : vector<16xi32> to vector<16xi32>
    %swap3A_1265 = arith.constant 112 : index
    %swap3A_1266 = tpu.vector_load %arg10[%swap3A_1265] {strides = array<i32>} : memref<128xi32, #tpu.memory_space<vmem>>, vector<16xi32>,
    %swap3A_1267 = vector.shape_cast %swap3A_1266 : vector<16xi32> to vector<16xi32>
    %swap3A_1268 = vector.shape_cast %get3A_1264 : vector<16xi32> to vector<16xi32>
    tpu.vector_store %arg10[%swap3A_1265], %swap3A_1268 {strides = array<i32>} : memref<128xi32, #tpu.memory_space<vmem>>, vector<16xi32>,
    %dma_start3A_1269 = arith.constant 0 : i32
    %dma_start3A_1270 = arith.constant 0 : i32
    %dma_start3A_1271 = tpu.memref_slice %arg3[%dma_start3A_1269, %dma_start3A_1270] : memref<10000x128xf32, #tpu.memory_space<hbm>> -> memref<10000x128xf32, #tpu.memory_space<hbm>>
    tpu.enqueue_indirect_dma source(%dma_start3A_1271 : memref<10000x128xf32, #tpu.memory_space<hbm>>) target(%arg12 : memref<128x128xf32, #tpu.memory_space<vmem>>) offsets(%arg8 : memref<128xi32, #tpu.memory_space<vmem>>) semaphore(%arg17 : memref<!tpu.dma_semaphore, #tpu.memory_space<semaphore_mem>>)
    %jit3A_1272 = arith.constant 2 : i32
    %div3A = arith.divsi %select_n3A, %jit3A_1272 : i32
    %sign3A = arith.constant 0 : i32
    %sign3A_1273 = arith.cmpi sgt, %select_n3A, %sign3A : i32
    %sign3A_1274 = arith.extui %sign3A_1273 : i1 to i32
    %sign3A_1275 = arith.constant 0 : i32
    %sign3A_1276 = arith.cmpi slt, %select_n3A, %sign3A_1275 : i32
    %sign3A_1277 = arith.extui %sign3A_1276 : i1 to i32
    %sign3A_1278 = arith.subi %sign3A_1274, %sign3A_1277 : i32
    %sign3A_1279 = arith.constant 0 : i32
    %sign3A_1280 = arith.cmpi sgt, %jit3A_1272, %sign3A_1279 : i32
    %sign3A_1281 = arith.extui %sign3A_1280 : i1 to i32
    %sign3A_1282 = arith.constant 0 : i32
    %sign3A_1283 = arith.cmpi slt, %jit3A_1272, %sign3A_1282 : i32
    %sign3A_1284 = arith.extui %sign3A_1283 : i1 to i32
    %sign3A_1285 = arith.subi %sign3A_1281, %sign3A_1284 : i32
    %ne3A = arith.cmpi ne, %sign3A_1278, %sign3A_1285 : i32
    %rem3A = arith.remsi %select_n3A, %jit3A_1272 : i32
    %ne3A_1286 = arith.constant 0 : i32
    %ne3A_1287 = arith.cmpi ne, %rem3A, %ne3A_1286 : i32
    %and3A = arith.andi %ne3A, %ne3A_1287 : i1
    %sub3A = arith.constant 1 : i32
    %sub3A_1288 = arith.subi %div3A, %sub3A : i32
    %select_n3A_1289 = arith.select %and3A, %sub3A_1288, %div3A : i32
    %sub3A_1290 = arith.constant 1 : i32
    %sub3A_1291 = arith.subi %select_n3A_1289, %sub3A_1290 : i32
    %while3A = arith.constant 0 : i32
    %while3A_1292 = arith.constant 0 : i32
    %while3A_1293 = arith.subi %sub3A_1291, %while3A_1292 : i32
    %while3A_1294 = arith.addi %while3A_1292, %while3A_1293 : i32
    %while3A_1295 = arith.constant 1 : i32
    %while3A_1296 = arith.divsi %while3A_1293, %while3A_1295 : i32
    %while3A_1297 = arith.muli %while3A_1296, %while3A_1295 : i32
    %while3A_1298 = arith.addi %while3A_1292, %while3A_1297 : i32
    %while3A_1299 = arith.constant 1 : i32
    scf.for %while3A_1313 = %while3A_1292 to %while3A_1298 step %while3A_1299  : i32 {
      %mul3A_1314 = arith.constant 2 : i32
      %mul3A_1315 = arith.muli %mul3A_1314, %while3A_1313 : i32
      %add3A_1316 = arith.constant 0 : i32
      %add3A_1317 = arith.addi %mul3A_1315, %add3A_1316 : i32
      %dma_wait3A_1318 = arith.constant 0 : i32
      %dma_wait3A_1319 = arith.constant 0 : i32
      %dma_wait3A_1320 = tpu.memref_slice %arg3[%dma_wait3A_1318, %dma_wait3A_1319] : memref<10000x128xf32, #tpu.memory_space<hbm>> -> memref<10000x128xf32, #tpu.memory_space<hbm>>
      tpu.wait_indirect_dma semaphore(%arg16 : memref<!tpu.dma_semaphore, #tpu.memory_space<semaphore_mem>>) src(%dma_wait3A_1320 : memref<10000x128xf32, #tpu.memory_space<hbm>>) dst(%arg11 : memref<128x128xf32, #tpu.memory_space<vmem>>)
      "tpu.region"() ({
        %run_scoped3A = tpu.sem_alloc : memref<!tpu.dma_semaphore, #tpu.memory_space<semaphore_mem>>
        %dma_start3A_1568 = arith.constant 0 : i32
        %dma_start3A_1569 = arith.constant 0 : i32
        %dma_start3A_1570 = tpu.memref_slice %arg15[%dma_start3A_1568, %dma_start3A_1569] : memref<10240x128xf32, #tpu.memory_space<vmem_shared>> -> memref<10240x128xf32, #tpu.memory_space<vmem_shared>>
        tpu.enqueue_indirect_dma source(%arg11 : memref<128x128xf32, #tpu.memory_space<vmem>>) target(%dma_start3A_1570 : memref<10240x128xf32, #tpu.memory_space<vmem_shared>>) offsets(%arg9 : memref<128xi32, #tpu.memory_space<vmem>>) semaphore(%run_scoped3A : memref<!tpu.dma_semaphore, #tpu.memory_space<semaphore_mem>>) {add = true}
        %dma_wait3A_1571 = arith.constant 0 : i32
        %dma_wait3A_1572 = arith.constant 0 : i32
        %dma_wait3A_1573 = tpu.memref_slice %arg15[%dma_wait3A_1571, %dma_wait3A_1572] : memref<10240x128xf32, #tpu.memory_space<vmem_shared>> -> memref<10240x128xf32, #tpu.memory_space<vmem_shared>>
        tpu.wait_indirect_dma semaphore(%run_scoped3A : memref<!tpu.dma_semaphore, #tpu.memory_space<semaphore_mem>>) src(%arg11 : memref<128x128xf32, #tpu.memory_space<vmem>>) dst(%dma_wait3A_1573 : memref<10240x128xf32, #tpu.memory_space<vmem_shared>>)
        tpu.yield
      }) : () -> ()
      %add3A_1321 = arith.constant 2 : i32
      %add3A_1322 = arith.addi %add3A_1317, %add3A_1321 : i32
      %mul3A_1323 = arith.constant 256 : i32
      %mul3A_1324 = arith.muli %add3A_1322, %mul3A_1323 : i32
      %add3A_1325 = arith.addi %mul3A_10, %mul3A_1324 : i32
      "tpu.region"() ({
        %run_scoped3A = tpu.sem_alloc : memref<!tpu.dma_semaphore, #tpu.memory_space<semaphore_mem>>
        %dma_start3A_1568 = tpu.memref_slice %arg2[%add3A_1325] : memref<2572288xi32, #tpu.memory_space<hbm>> -> memref<256xi32, #tpu.memory_space<hbm>>
        %dma_start3A_1569 = tpu.memref_slice %arg2[%add3A_1325] : memref<2572288xi32, #tpu.memory_space<hbm>> -> memref<256xi32, #tpu.memory_space<hbm>>
        tpu.enqueue_dma source(%dma_start3A_1569 : memref<256xi32, #tpu.memory_space<hbm>>) target(%arg5 : memref<256xi32, #tpu.memory_space<vmem>>) target_semaphore(%run_scoped3A : memref<!tpu.dma_semaphore, #tpu.memory_space<semaphore_mem>>)
        %dma_wait3A_1570 = tpu.memref_slice %arg2[%add3A_1325] : memref<2572288xi32, #tpu.memory_space<hbm>> -> memref<256xi32, #tpu.memory_space<hbm>>
        %dma_wait3A_1571 = tpu.memref_slice %arg2[%add3A_1325] : memref<2572288xi32, #tpu.memory_space<hbm>> -> memref<256xi32, #tpu.memory_space<hbm>>
        tpu.wait_dma2 semaphore(%run_scoped3A : memref<!tpu.dma_semaphore, #tpu.memory_space<semaphore_mem>>) src(%dma_wait3A_1571 : memref<256xi32, #tpu.memory_space<hbm>>) dst(%arg5 : memref<256xi32, #tpu.memory_space<vmem>>)
        tpu.yield
      }) : () -> ()
      %get3A_1326 = arith.constant 0 : index
      %get3A_1327 = tpu.vector_load %arg5[%get3A_1326] {strides = array<i32>} : memref<256xi32, #tpu.memory_space<vmem>>, vector<16xi32>,
      %get3A_1328 = vector.shape_cast %get3A_1327 : vector<16xi32> to vector<16xi32>
      %swap3A_1329 = arith.constant 0 : index
      %swap3A_1330 = tpu.vector_load %arg7[%swap3A_1329] {strides = array<i32>} : memref<128xi32, #tpu.memory_space<vmem>>, vector<16xi32>,
      %swap3A_1331 = vector.shape_cast %swap3A_1330 : vector<16xi32> to vector<16xi32>
      %swap3A_1332 = vector.shape_cast %get3A_1328 : vector<16xi32> to vector<16xi32>
      tpu.vector_store %arg7[%swap3A_1329], %swap3A_1332 {strides = array<i32>} : memref<128xi32, #tpu.memory_space<vmem>>, vector<16xi32>,
      %get3A_1333 = arith.constant 128 : index
      %get3A_1334 = tpu.vector_load %arg5[%get3A_1333] {strides = array<i32>} : memref<256xi32, #tpu.memory_space<vmem>>, vector<16xi32>,
      %get3A_1335 = vector.shape_cast %get3A_1334 : vector<16xi32> to vector<16xi32>
      %swap3A_1336 = arith.constant 0 : index
      %swap3A_1337 = tpu.vector_load %arg9[%swap3A_1336] {strides = array<i32>} : memref<128xi32, #tpu.memory_space<vmem>>, vector<16xi32>,
      %swap3A_1338 = vector.shape_cast %swap3A_1337 : vector<16xi32> to vector<16xi32>
      %swap3A_1339 = vector.shape_cast %get3A_1335 : vector<16xi32> to vector<16xi32>
      tpu.vector_store %arg9[%swap3A_1336], %swap3A_1339 {strides = array<i32>} : memref<128xi32, #tpu.memory_space<vmem>>, vector<16xi32>,
      %get3A_1340 = arith.constant 16 : index
      %get3A_1341 = tpu.vector_load %arg5[%get3A_1340] {strides = array<i32>} : memref<256xi32, #tpu.memory_space<vmem>>, vector<16xi32>,
      %get3A_1342 = vector.shape_cast %get3A_1341 : vector<16xi32> to vector<16xi32>
      %swap3A_1343 = arith.constant 16 : index
      %swap3A_1344 = tpu.vector_load %arg7[%swap3A_1343] {strides = array<i32>} : memref<128xi32, #tpu.memory_space<vmem>>, vector<16xi32>,
      %swap3A_1345 = vector.shape_cast %swap3A_1344 : vector<16xi32> to vector<16xi32>
      %swap3A_1346 = vector.shape_cast %get3A_1342 : vector<16xi32> to vector<16xi32>
      tpu.vector_store %arg7[%swap3A_1343], %swap3A_1346 {strides = array<i32>} : memref<128xi32, #tpu.memory_space<vmem>>, vector<16xi32>,
      %get3A_1347 = arith.constant 144 : index
      %get3A_1348 = tpu.vector_load %arg5[%get3A_1347] {strides = array<i32>} : memref<256xi32, #tpu.memory_space<vmem>>, vector<16xi32>,
      %get3A_1349 = vector.shape_cast %get3A_1348 : vector<16xi32> to vector<16xi32>
      %swap3A_1350 = arith.constant 16 : index
      %swap3A_1351 = tpu.vector_load %arg9[%swap3A_1350] {strides = array<i32>} : memref<128xi32, #tpu.memory_space<vmem>>, vector<16xi32>,
      %swap3A_1352 = vector.shape_cast %swap3A_1351 : vector<16xi32> to vector<16xi32>
      %swap3A_1353 = vector.shape_cast %get3A_1349 : vector<16xi32> to vector<16xi32>
      tpu.vector_store %arg9[%swap3A_1350], %swap3A_1353 {strides = array<i32>} : memref<128xi32, #tpu.memory_space<vmem>>, vector<16xi32>,
      %get3A_1354 = arith.constant 32 : index
      %get3A_1355 = tpu.vector_load %arg5[%get3A_1354] {strides = array<i32>} : memref<256xi32, #tpu.memory_space<vmem>>, vector<16xi32>,
      %get3A_1356 = vector.shape_cast %get3A_1355 : vector<16xi32> to vector<16xi32>
      %swap3A_1357 = arith.constant 32 : index
      %swap3A_1358 = tpu.vector_load %arg7[%swap3A_1357] {strides = array<i32>} : memref<128xi32, #tpu.memory_space<vmem>>, vector<16xi32>,
      %swap3A_1359 = vector.shape_cast %swap3A_1358 : vector<16xi32> to vector<16xi32>
      %swap3A_1360 = vector.shape_cast %get3A_1356 : vector<16xi32> to vector<16xi32>
      tpu.vector_store %arg7[%swap3A_1357], %swap3A_1360 {strides = array<i32>} : memref<128xi32, #tpu.memory_space<vmem>>, vector<16xi32>,
      %get3A_1361 = arith.constant 160 : index
      %get3A_1362 = tpu.vector_load %arg5[%get3A_1361] {strides = array<i32>} : memref<256xi32, #tpu.memory_space<vmem>>, vector<16xi32>,
      %get3A_1363 = vector.shape_cast %get3A_1362 : vector<16xi32> to vector<16xi32>
      %swap3A_1364 = arith.constant 32 : index
      %swap3A_1365 = tpu.vector_load %arg9[%swap3A_1364] {strides = array<i32>} : memref<128xi32, #tpu.memory_space<vmem>>, vector<16xi32>,
      %swap3A_1366 = vector.shape_cast %swap3A_1365 : vector<16xi32> to vector<16xi32>
      %swap3A_1367 = vector.shape_cast %get3A_1363 : vector<16xi32> to vector<16xi32>
      tpu.vector_store %arg9[%swap3A_1364], %swap3A_1367 {strides = array<i32>} : memref<128xi32, #tpu.memory_space<vmem>>, vector<16xi32>,
      %get3A_1368 = arith.constant 48 : index
      %get3A_1369 = tpu.vector_load %arg5[%get3A_1368] {strides = array<i32>} : memref<256xi32, #tpu.memory_space<vmem>>, vector<16xi32>,
      %get3A_1370 = vector.shape_cast %get3A_1369 : vector<16xi32> to vector<16xi32>
      %swap3A_1371 = arith.constant 48 : index
      %swap3A_1372 = tpu.vector_load %arg7[%swap3A_1371] {strides = array<i32>} : memref<128xi32, #tpu.memory_space<vmem>>, vector<16xi32>,
      %swap3A_1373 = vector.shape_cast %swap3A_1372 : vector<16xi32> to vector<16xi32>
      %swap3A_1374 = vector.shape_cast %get3A_1370 : vector<16xi32> to vector<16xi32>
      tpu.vector_store %arg7[%swap3A_1371], %swap3A_1374 {strides = array<i32>} : memref<128xi32, #tpu.memory_space<vmem>>, vector<16xi32>,
      %get3A_1375 = arith.constant 176 : index
      %get3A_1376 = tpu.vector_load %arg5[%get3A_1375] {strides = array<i32>} : memref<256xi32, #tpu.memory_space<vmem>>, vector<16xi32>,
      %get3A_1377 = vector.shape_cast %get3A_1376 : vector<16xi32> to vector<16xi32>
      %swap3A_1378 = arith.constant 48 : index
      %swap3A_1379 = tpu.vector_load %arg9[%swap3A_1378] {strides = array<i32>} : memref<128xi32, #tpu.memory_space<vmem>>, vector<16xi32>,
      %swap3A_1380 = vector.shape_cast %swap3A_1379 : vector<16xi32> to vector<16xi32>
      %swap3A_1381 = vector.shape_cast %get3A_1377 : vector<16xi32> to vector<16xi32>
      tpu.vector_store %arg9[%swap3A_1378], %swap3A_1381 {strides = array<i32>} : memref<128xi32, #tpu.memory_space<vmem>>, vector<16xi32>,
      %get3A_1382 = arith.constant 64 : index
      %get3A_1383 = tpu.vector_load %arg5[%get3A_1382] {strides = array<i32>} : memref<256xi32, #tpu.memory_space<vmem>>, vector<16xi32>,
      %get3A_1384 = vector.shape_cast %get3A_1383 : vector<16xi32> to vector<16xi32>
      %swap3A_1385 = arith.constant 64 : index
      %swap3A_1386 = tpu.vector_load %arg7[%swap3A_1385] {strides = array<i32>} : memref<128xi32, #tpu.memory_space<vmem>>, vector<16xi32>,
      %swap3A_1387 = vector.shape_cast %swap3A_1386 : vector<16xi32> to vector<16xi32>
      %swap3A_1388 = vector.shape_cast %get3A_1384 : vector<16xi32> to vector<16xi32>
      tpu.vector_store %arg7[%swap3A_1385], %swap3A_1388 {strides = array<i32>} : memref<128xi32, #tpu.memory_space<vmem>>, vector<16xi32>,
      %get3A_1389 = arith.constant 192 : index
      %get3A_1390 = tpu.vector_load %arg5[%get3A_1389] {strides = array<i32>} : memref<256xi32, #tpu.memory_space<vmem>>, vector<16xi32>,
      %get3A_1391 = vector.shape_cast %get3A_1390 : vector<16xi32> to vector<16xi32>
      %swap3A_1392 = arith.constant 64 : index
      %swap3A_1393 = tpu.vector_load %arg9[%swap3A_1392] {strides = array<i32>} : memref<128xi32, #tpu.memory_space<vmem>>, vector<16xi32>,
      %swap3A_1394 = vector.shape_cast %swap3A_1393 : vector<16xi32> to vector<16xi32>
      %swap3A_1395 = vector.shape_cast %get3A_1391 : vector<16xi32> to vector<16xi32>
      tpu.vector_store %arg9[%swap3A_1392], %swap3A_1395 {strides = array<i32>} : memref<128xi32, #tpu.memory_space<vmem>>, vector<16xi32>,
      %get3A_1396 = arith.constant 80 : index
      %get3A_1397 = tpu.vector_load %arg5[%get3A_1396] {strides = array<i32>} : memref<256xi32, #tpu.memory_space<vmem>>, vector<16xi32>,
      %get3A_1398 = vector.shape_cast %get3A_1397 : vector<16xi32> to vector<16xi32>
      %swap3A_1399 = arith.constant 80 : index
      %swap3A_1400 = tpu.vector_load %arg7[%swap3A_1399] {strides = array<i32>} : memref<128xi32, #tpu.memory_space<vmem>>, vector<16xi32>,
      %swap3A_1401 = vector.shape_cast %swap3A_1400 : vector<16xi32> to vector<16xi32>
      %swap3A_1402 = vector.shape_cast %get3A_1398 : vector<16xi32> to vector<16xi32>
      tpu.vector_store %arg7[%swap3A_1399], %swap3A_1402 {strides = array<i32>} : memref<128xi32, #tpu.memory_space<vmem>>, vector<16xi32>,
      %get3A_1403 = arith.constant 208 : index
      %get3A_1404 = tpu.vector_load %arg5[%get3A_1403] {strides = array<i32>} : memref<256xi32, #tpu.memory_space<vmem>>, vector<16xi32>,
      %get3A_1405 = vector.shape_cast %get3A_1404 : vector<16xi32> to vector<16xi32>
      %swap3A_1406 = arith.constant 80 : index
      %swap3A_1407 = tpu.vector_load %arg9[%swap3A_1406] {strides = array<i32>} : memref<128xi32, #tpu.memory_space<vmem>>, vector<16xi32>,
      %swap3A_1408 = vector.shape_cast %swap3A_1407 : vector<16xi32> to vector<16xi32>
      %swap3A_1409 = vector.shape_cast %get3A_1405 : vector<16xi32> to vector<16xi32>
      tpu.vector_store %arg9[%swap3A_1406], %swap3A_1409 {strides = array<i32>} : memref<128xi32, #tpu.memory_space<vmem>>, vector<16xi32>,
      %get3A_1410 = arith.constant 96 : index
      %get3A_1411 = tpu.vector_load %arg5[%get3A_1410] {strides = array<i32>} : memref<256xi32, #tpu.memory_space<vmem>>, vector<16xi32>,
      %get3A_1412 = vector.shape_cast %get3A_1411 : vector<16xi32> to vector<16xi32>
      %swap3A_1413 = arith.constant 96 : index
      %swap3A_1414 = tpu.vector_load %arg7[%swap3A_1413] {strides = array<i32>} : memref<128xi32, #tpu.memory_space<vmem>>, vector<16xi32>,
      %swap3A_1415 = vector.shape_cast %swap3A_1414 : vector<16xi32> to vector<16xi32>
      %swap3A_1416 = vector.shape_cast %get3A_1412 : vector<16xi32> to vector<16xi32>
      tpu.vector_store %arg7[%swap3A_1413], %swap3A_1416 {strides = array<i32>} : memref<128xi32, #tpu.memory_space<vmem>>, vector<16xi32>,
      %get3A_1417 = arith.constant 224 : index
      %get3A_1418 = tpu.vector_load %arg5[%get3A_1417] {strides = array<i32>} : memref<256xi32, #tpu.memory_space<vmem>>, vector<16xi32>,
      %get3A_1419 = vector.shape_cast %get3A_1418 : vector<16xi32> to vector<16xi32>
      %swap3A_1420 = arith.constant 96 : index
      %swap3A_1421 = tpu.vector_load %arg9[%swap3A_1420] {strides = array<i32>} : memref<128xi32, #tpu.memory_space<vmem>>, vector<16xi32>,
      %swap3A_1422 = vector.shape_cast %swap3A_1421 : vector<16xi32> to vector<16xi32>
      %swap3A_1423 = vector.shape_cast %get3A_1419 : vector<16xi32> to vector<16xi32>
      tpu.vector_store %arg9[%swap3A_1420], %swap3A_1423 {strides = array<i32>} : memref<128xi32, #tpu.memory_space<vmem>>, vector<16xi32>,
      %get3A_1424 = arith.constant 112 : index
      %get3A_1425 = tpu.vector_load %arg5[%get3A_1424] {strides = array<i32>} : memref<256xi32, #tpu.memory_space<vmem>>, vector<16xi32>,
      %get3A_1426 = vector.shape_cast %get3A_1425 : vector<16xi32> to vector<16xi32>
      %swap3A_1427 = arith.constant 112 : index
      %swap3A_1428 = tpu.vector_load %arg7[%swap3A_1427] {strides = array<i32>} : memref<128xi32, #tpu.memory_space<vmem>>, vector<16xi32>,
      %swap3A_1429 = vector.shape_cast %swap3A_1428 : vector<16xi32> to vector<16xi32>
      %swap3A_1430 = vector.shape_cast %get3A_1426 : vector<16xi32> to vector<16xi32>
      tpu.vector_store %arg7[%swap3A_1427], %swap3A_1430 {strides = array<i32>} : memref<128xi32, #tpu.memory_space<vmem>>, vector<16xi32>,
      %get3A_1431 = arith.constant 240 : index
      %get3A_1432 = tpu.vector_load %arg5[%get3A_1431] {strides = array<i32>} : memref<256xi32, #tpu.memory_space<vmem>>, vector<16xi32>,
      %get3A_1433 = vector.shape_cast %get3A_1432 : vector<16xi32> to vector<16xi32>
      %swap3A_1434 = arith.constant 112 : index
      %swap3A_1435 = tpu.vector_load %arg9[%swap3A_1434] {strides = array<i32>} : memref<128xi32, #tpu.memory_space<vmem>>, vector<16xi32>,
      %swap3A_1436 = vector.shape_cast %swap3A_1435 : vector<16xi32> to vector<16xi32>
      %swap3A_1437 = vector.shape_cast %get3A_1433 : vector<16xi32> to vector<16xi32>
      tpu.vector_store %arg9[%swap3A_1434], %swap3A_1437 {strides = array<i32>} : memref<128xi32, #tpu.memory_space<vmem>>, vector<16xi32>,
      %dma_start3A_1438 = arith.constant 0 : i32
      %dma_start3A_1439 = arith.constant 0 : i32
      %dma_start3A_1440 = tpu.memref_slice %arg3[%dma_start3A_1438, %dma_start3A_1439] : memref<10000x128xf32, #tpu.memory_space<hbm>> -> memref<10000x128xf32, #tpu.memory_space<hbm>>
      tpu.enqueue_indirect_dma source(%dma_start3A_1440 : memref<10000x128xf32, #tpu.memory_space<hbm>>) target(%arg11 : memref<128x128xf32, #tpu.memory_space<vmem>>) offsets(%arg7 : memref<128xi32, #tpu.memory_space<vmem>>) semaphore(%arg16 : memref<!tpu.dma_semaphore, #tpu.memory_space<semaphore_mem>>)
      %mul3A_1441 = arith.constant 2 : i32
      %mul3A_1442 = arith.muli %mul3A_1441, %while3A_1313 : i32
      %add3A_1443 = arith.constant 1 : i32
      %add3A_1444 = arith.addi %mul3A_1442, %add3A_1443 : i32
      %dma_wait3A_1445 = arith.constant 0 : i32
      %dma_wait3A_1446 = arith.constant 0 : i32
      %dma_wait3A_1447 = tpu.memref_slice %arg3[%dma_wait3A_1445, %dma_wait3A_1446] : memref<10000x128xf32, #tpu.memory_space<hbm>> -> memref<10000x128xf32, #tpu.memory_space<hbm>>
      tpu.wait_indirect_dma semaphore(%arg17 : memref<!tpu.dma_semaphore, #tpu.memory_space<semaphore_mem>>) src(%dma_wait3A_1447 : memref<10000x128xf32, #tpu.memory_space<hbm>>) dst(%arg12 : memref<128x128xf32, #tpu.memory_space<vmem>>)
      "tpu.region"() ({
        %run_scoped3A = tpu.sem_alloc : memref<!tpu.dma_semaphore, #tpu.memory_space<semaphore_mem>>
        %dma_start3A_1568 = arith.constant 0 : i32
        %dma_start3A_1569 = arith.constant 0 : i32
        %dma_start3A_1570 = tpu.memref_slice %arg15[%dma_start3A_1568, %dma_start3A_1569] : memref<10240x128xf32, #tpu.memory_space<vmem_shared>> -> memref<10240x128xf32, #tpu.memory_space<vmem_shared>>
        tpu.enqueue_indirect_dma source(%arg12 : memref<128x128xf32, #tpu.memory_space<vmem>>) target(%dma_start3A_1570 : memref<10240x128xf32, #tpu.memory_space<vmem_shared>>) offsets(%arg10 : memref<128xi32, #tpu.memory_space<vmem>>) semaphore(%run_scoped3A : memref<!tpu.dma_semaphore, #tpu.memory_space<semaphore_mem>>) {add = true}
        %dma_wait3A_1571 = arith.constant 0 : i32
        %dma_wait3A_1572 = arith.constant 0 : i32
        %dma_wait3A_1573 = tpu.memref_slice %arg15[%dma_wait3A_1571, %dma_wait3A_1572] : memref<10240x128xf32, #tpu.memory_space<vmem_shared>> -> memref<10240x128xf32, #tpu.memory_space<vmem_shared>>
        tpu.wait_indirect_dma semaphore(%run_scoped3A : memref<!tpu.dma_semaphore, #tpu.memory_space<semaphore_mem>>) src(%arg12 : memref<128x128xf32, #tpu.memory_space<vmem>>) dst(%dma_wait3A_1573 : memref<10240x128xf32, #tpu.memory_space<vmem_shared>>)
        tpu.yield
      }) : () -> ()
      %add3A_1448 = arith.constant 2 : i32
      %add3A_1449 = arith.addi %add3A_1444, %add3A_1448 : i32
      %mul3A_1450 = arith.constant 256 : i32
      %mul3A_1451 = arith.muli %add3A_1449, %mul3A_1450 : i32
      %add3A_1452 = arith.addi %mul3A_10, %mul3A_1451 : i32
      "tpu.region"() ({
        %run_scoped3A = tpu.sem_alloc : memref<!tpu.dma_semaphore, #tpu.memory_space<semaphore_mem>>
        %dma_start3A_1568 = tpu.memref_slice %arg2[%add3A_1452] : memref<2572288xi32, #tpu.memory_space<hbm>> -> memref<256xi32, #tpu.memory_space<hbm>>
        %dma_start3A_1569 = tpu.memref_slice %arg2[%add3A_1452] : memref<2572288xi32, #tpu.memory_space<hbm>> -> memref<256xi32, #tpu.memory_space<hbm>>
        tpu.enqueue_dma source(%dma_start3A_1569 : memref<256xi32, #tpu.memory_space<hbm>>) target(%arg6 : memref<256xi32, #tpu.memory_space<vmem>>) target_semaphore(%run_scoped3A : memref<!tpu.dma_semaphore, #tpu.memory_space<semaphore_mem>>)
        %dma_wait3A_1570 = tpu.memref_slice %arg2[%add3A_1452] : memref<2572288xi32, #tpu.memory_space<hbm>> -> memref<256xi32, #tpu.memory_space<hbm>>
        %dma_wait3A_1571 = tpu.memref_slice %arg2[%add3A_1452] : memref<2572288xi32, #tpu.memory_space<hbm>> -> memref<256xi32, #tpu.memory_space<hbm>>
        tpu.wait_dma2 semaphore(%run_scoped3A : memref<!tpu.dma_semaphore, #tpu.memory_space<semaphore_mem>>) src(%dma_wait3A_1571 : memref<256xi32, #tpu.memory_space<hbm>>) dst(%arg6 : memref<256xi32, #tpu.memory_space<vmem>>)
        tpu.yield
      }) : () -> ()
      %get3A_1453 = arith.constant 0 : index
      %get3A_1454 = tpu.vector_load %arg6[%get3A_1453] {strides = array<i32>} : memref<256xi32, #tpu.memory_space<vmem>>, vector<16xi32>,
      %get3A_1455 = vector.shape_cast %get3A_1454 : vector<16xi32> to vector<16xi32>
      %swap3A_1456 = arith.constant 0 : index
      %swap3A_1457 = tpu.vector_load %arg8[%swap3A_1456] {strides = array<i32>} : memref<128xi32, #tpu.memory_space<vmem>>, vector<16xi32>,
      %swap3A_1458 = vector.shape_cast %swap3A_1457 : vector<16xi32> to vector<16xi32>
      %swap3A_1459 = vector.shape_cast %get3A_1455 : vector<16xi32> to vector<16xi32>
      tpu.vector_store %arg8[%swap3A_1456], %swap3A_1459 {strides = array<i32>} : memref<128xi32, #tpu.memory_space<vmem>>, vector<16xi32>,
      %get3A_1460 = arith.constant 128 : index
      %get3A_1461 = tpu.vector_load %arg6[%get3A_1460] {strides = array<i32>} : memref<256xi32, #tpu.memory_space<vmem>>, vector<16xi32>,
      %get3A_1462 = vector.shape_cast %get3A_1461 : vector<16xi32> to vector<16xi32>
      %swap3A_1463 = arith.constant 0 : index
      %swap3A_1464 = tpu.vector_load %arg10[%swap3A_1463] {strides = array<i32>} : memref<128xi32, #tpu.memory_space<vmem>>, vector<16xi32>,
      %swap3A_1465 = vector.shape_cast %swap3A_1464 : vector<16xi32> to vector<16xi32>
      %swap3A_1466 = vector.shape_cast %get3A_1462 : vector<16xi32> to vector<16xi32>
      tpu.vector_store %arg10[%swap3A_1463], %swap3A_1466 {strides = array<i32>} : memref<128xi32, #tpu.memory_space<vmem>>, vector<16xi32>,
      %get3A_1467 = arith.constant 16 : index
      %get3A_1468 = tpu.vector_load %arg6[%get3A_1467] {strides = array<i32>} : memref<256xi32, #tpu.memory_space<vmem>>, vector<16xi32>,
      %get3A_1469 = vector.shape_cast %get3A_1468 : vector<16xi32> to vector<16xi32>
      %swap3A_1470 = arith.constant 16 : index
      %swap3A_1471 = tpu.vector_load %arg8[%swap3A_1470] {strides = array<i32>} : memref<128xi32, #tpu.memory_space<vmem>>, vector<16xi32>,
      %swap3A_1472 = vector.shape_cast %swap3A_1471 : vector<16xi32> to vector<16xi32>
      %swap3A_1473 = vector.shape_cast %get3A_1469 : vector<16xi32> to vector<16xi32>
      tpu.vector_store %arg8[%swap3A_1470], %swap3A_1473 {strides = array<i32>} : memref<128xi32, #tpu.memory_space<vmem>>, vector<16xi32>,
      %get3A_1474 = arith.constant 144 : index
      %get3A_1475 = tpu.vector_load %arg6[%get3A_1474] {strides = array<i32>} : memref<256xi32, #tpu.memory_space<vmem>>, vector<16xi32>,
      %get3A_1476 = vector.shape_cast %get3A_1475 : vector<16xi32> to vector<16xi32>
      %swap3A_1477 = arith.constant 16 : index
      %swap3A_1478 = tpu.vector_load %arg10[%swap3A_1477] {strides = array<i32>} : memref<128xi32, #tpu.memory_space<vmem>>, vector<16xi32>,
      %swap3A_1479 = vector.shape_cast %swap3A_1478 : vector<16xi32> to vector<16xi32>
      %swap3A_1480 = vector.shape_cast %get3A_1476 : vector<16xi32> to vector<16xi32>
      tpu.vector_store %arg10[%swap3A_1477], %swap3A_1480 {strides = array<i32>} : memref<128xi32, #tpu.memory_space<vmem>>, vector<16xi32>,
      %get3A_1481 = arith.constant 32 : index
      %get3A_1482 = tpu.vector_load %arg6[%get3A_1481] {strides = array<i32>} : memref<256xi32, #tpu.memory_space<vmem>>, vector<16xi32>,
      %get3A_1483 = vector.shape_cast %get3A_1482 : vector<16xi32> to vector<16xi32>
      %swap3A_1484 = arith.constant 32 : index
      %swap3A_1485 = tpu.vector_load %arg8[%swap3A_1484] {strides = array<i32>} : memref<128xi32, #tpu.memory_space<vmem>>, vector<16xi32>,
      %swap3A_1486 = vector.shape_cast %swap3A_1485 : vector<16xi32> to vector<16xi32>
      %swap3A_1487 = vector.shape_cast %get3A_1483 : vector<16xi32> to vector<16xi32>
      tpu.vector_store %arg8[%swap3A_1484], %swap3A_1487 {strides = array<i32>} : memref<128xi32, #tpu.memory_space<vmem>>, vector<16xi32>,
      %get3A_1488 = arith.constant 160 : index
      %get3A_1489 = tpu.vector_load %arg6[%get3A_1488] {strides = array<i32>} : memref<256xi32, #tpu.memory_space<vmem>>, vector<16xi32>,
      %get3A_1490 = vector.shape_cast %get3A_1489 : vector<16xi32> to vector<16xi32>
      %swap3A_1491 = arith.constant 32 : index
      %swap3A_1492 = tpu.vector_load %arg10[%swap3A_1491] {strides = array<i32>} : memref<128xi32, #tpu.memory_space<vmem>>, vector<16xi32>,
      %swap3A_1493 = vector.shape_cast %swap3A_1492 : vector<16xi32> to vector<16xi32>
      %swap3A_1494 = vector.shape_cast %get3A_1490 : vector<16xi32> to vector<16xi32>
      tpu.vector_store %arg10[%swap3A_1491], %swap3A_1494 {strides = array<i32>} : memref<128xi32, #tpu.memory_space<vmem>>, vector<16xi32>,
      %get3A_1495 = arith.constant 48 : index
      %get3A_1496 = tpu.vector_load %arg6[%get3A_1495] {strides = array<i32>} : memref<256xi32, #tpu.memory_space<vmem>>, vector<16xi32>,
      %get3A_1497 = vector.shape_cast %get3A_1496 : vector<16xi32> to vector<16xi32>
      %swap3A_1498 = arith.constant 48 : index
      %swap3A_1499 = tpu.vector_load %arg8[%swap3A_1498] {strides = array<i32>} : memref<128xi32, #tpu.memory_space<vmem>>, vector<16xi32>,
      %swap3A_1500 = vector.shape_cast %swap3A_1499 : vector<16xi32> to vector<16xi32>
      %swap3A_1501 = vector.shape_cast %get3A_1497 : vector<16xi32> to vector<16xi32>
      tpu.vector_store %arg8[%swap3A_1498], %swap3A_1501 {strides = array<i32>} : memref<128xi32, #tpu.memory_space<vmem>>, vector<16xi32>,
      %get3A_1502 = arith.constant 176 : index
      %get3A_1503 = tpu.vector_load %arg6[%get3A_1502] {strides = array<i32>} : memref<256xi32, #tpu.memory_space<vmem>>, vector<16xi32>,
      %get3A_1504 = vector.shape_cast %get3A_1503 : vector<16xi32> to vector<16xi32>
      %swap3A_1505 = arith.constant 48 : index
      %swap3A_1506 = tpu.vector_load %arg10[%swap3A_1505] {strides = array<i32>} : memref<128xi32, #tpu.memory_space<vmem>>, vector<16xi32>,
      %swap3A_1507 = vector.shape_cast %swap3A_1506 : vector<16xi32> to vector<16xi32>
      %swap3A_1508 = vector.shape_cast %get3A_1504 : vector<16xi32> to vector<16xi32>
      tpu.vector_store %arg10[%swap3A_1505], %swap3A_1508 {strides = array<i32>} : memref<128xi32, #tpu.memory_space<vmem>>, vector<16xi32>,
      %get3A_1509 = arith.constant 64 : index
      %get3A_1510 = tpu.vector_load %arg6[%get3A_1509] {strides = array<i32>} : memref<256xi32, #tpu.memory_space<vmem>>, vector<16xi32>,
      %get3A_1511 = vector.shape_cast %get3A_1510 : vector<16xi32> to vector<16xi32>
      %swap3A_1512 = arith.constant 64 : index
      %swap3A_1513 = tpu.vector_load %arg8[%swap3A_1512] {strides = array<i32>} : memref<128xi32, #tpu.memory_space<vmem>>, vector<16xi32>,
      %swap3A_1514 = vector.shape_cast %swap3A_1513 : vector<16xi32> to vector<16xi32>
      %swap3A_1515 = vector.shape_cast %get3A_1511 : vector<16xi32> to vector<16xi32>
      tpu.vector_store %arg8[%swap3A_1512], %swap3A_1515 {strides = array<i32>} : memref<128xi32, #tpu.memory_space<vmem>>, vector<16xi32>,
      %get3A_1516 = arith.constant 192 : index
      %get3A_1517 = tpu.vector_load %arg6[%get3A_1516] {strides = array<i32>} : memref<256xi32, #tpu.memory_space<vmem>>, vector<16xi32>,
      %get3A_1518 = vector.shape_cast %get3A_1517 : vector<16xi32> to vector<16xi32>
      %swap3A_1519 = arith.constant 64 : index
      %swap3A_1520 = tpu.vector_load %arg10[%swap3A_1519] {strides = array<i32>} : memref<128xi32, #tpu.memory_space<vmem>>, vector<16xi32>,
      %swap3A_1521 = vector.shape_cast %swap3A_1520 : vector<16xi32> to vector<16xi32>
      %swap3A_1522 = vector.shape_cast %get3A_1518 : vector<16xi32> to vector<16xi32>
      tpu.vector_store %arg10[%swap3A_1519], %swap3A_1522 {strides = array<i32>} : memref<128xi32, #tpu.memory_space<vmem>>, vector<16xi32>,
      %get3A_1523 = arith.constant 80 : index
      %get3A_1524 = tpu.vector_load %arg6[%get3A_1523] {strides = array<i32>} : memref<256xi32, #tpu.memory_space<vmem>>, vector<16xi32>,
      %get3A_1525 = vector.shape_cast %get3A_1524 : vector<16xi32> to vector<16xi32>
      %swap3A_1526 = arith.constant 80 : index
      %swap3A_1527 = tpu.vector_load %arg8[%swap3A_1526] {strides = array<i32>} : memref<128xi32, #tpu.memory_space<vmem>>, vector<16xi32>,
      %swap3A_1528 = vector.shape_cast %swap3A_1527 : vector<16xi32> to vector<16xi32>
      %swap3A_1529 = vector.shape_cast %get3A_1525 : vector<16xi32> to vector<16xi32>
      tpu.vector_store %arg8[%swap3A_1526], %swap3A_1529 {strides = array<i32>} : memref<128xi32, #tpu.memory_space<vmem>>, vector<16xi32>,
      %get3A_1530 = arith.constant 208 : index
      %get3A_1531 = tpu.vector_load %arg6[%get3A_1530] {strides = array<i32>} : memref<256xi32, #tpu.memory_space<vmem>>, vector<16xi32>,
      %get3A_1532 = vector.shape_cast %get3A_1531 : vector<16xi32> to vector<16xi32>
      %swap3A_1533 = arith.constant 80 : index
      %swap3A_1534 = tpu.vector_load %arg10[%swap3A_1533] {strides = array<i32>} : memref<128xi32, #tpu.memory_space<vmem>>, vector<16xi32>,
      %swap3A_1535 = vector.shape_cast %swap3A_1534 : vector<16xi32> to vector<16xi32>
      %swap3A_1536 = vector.shape_cast %get3A_1532 : vector<16xi32> to vector<16xi32>
      tpu.vector_store %arg10[%swap3A_1533], %swap3A_1536 {strides = array<i32>} : memref<128xi32, #tpu.memory_space<vmem>>, vector<16xi32>,
      %get3A_1537 = arith.constant 96 : index
      %get3A_1538 = tpu.vector_load %arg6[%get3A_1537] {strides = array<i32>} : memref<256xi32, #tpu.memory_space<vmem>>, vector<16xi32>,
      %get3A_1539 = vector.shape_cast %get3A_1538 : vector<16xi32> to vector<16xi32>
      %swap3A_1540 = arith.constant 96 : index
      %swap3A_1541 = tpu.vector_load %arg8[%swap3A_1540] {strides = array<i32>} : memref<128xi32, #tpu.memory_space<vmem>>, vector<16xi32>,
      %swap3A_1542 = vector.shape_cast %swap3A_1541 : vector<16xi32> to vector<16xi32>
      %swap3A_1543 = vector.shape_cast %get3A_1539 : vector<16xi32> to vector<16xi32>
      tpu.vector_store %arg8[%swap3A_1540], %swap3A_1543 {strides = array<i32>} : memref<128xi32, #tpu.memory_space<vmem>>, vector<16xi32>,
      %get3A_1544 = arith.constant 224 : index
      %get3A_1545 = tpu.vector_load %arg6[%get3A_1544] {strides = array<i32>} : memref<256xi32, #tpu.memory_space<vmem>>, vector<16xi32>,
      %get3A_1546 = vector.shape_cast %get3A_1545 : vector<16xi32> to vector<16xi32>
      %swap3A_1547 = arith.constant 96 : index
      %swap3A_1548 = tpu.vector_load %arg10[%swap3A_1547] {strides = array<i32>} : memref<128xi32, #tpu.memory_space<vmem>>, vector<16xi32>,
      %swap3A_1549 = vector.shape_cast %swap3A_1548 : vector<16xi32> to vector<16xi32>
      %swap3A_1550 = vector.shape_cast %get3A_1546 : vector<16xi32> to vector<16xi32>
      tpu.vector_store %arg10[%swap3A_1547], %swap3A_1550 {strides = array<i32>} : memref<128xi32, #tpu.memory_space<vmem>>, vector<16xi32>,
      %get3A_1551 = arith.constant 112 : index
      %get3A_1552 = tpu.vector_load %arg6[%get3A_1551] {strides = array<i32>} : memref<256xi32, #tpu.memory_space<vmem>>, vector<16xi32>,
      %get3A_1553 = vector.shape_cast %get3A_1552 : vector<16xi32> to vector<16xi32>
      %swap3A_1554 = arith.constant 112 : index
      %swap3A_1555 = tpu.vector_load %arg8[%swap3A_1554] {strides = array<i32>} : memref<128xi32, #tpu.memory_space<vmem>>, vector<16xi32>,
      %swap3A_1556 = vector.shape_cast %swap3A_1555 : vector<16xi32> to vector<16xi32>
      %swap3A_1557 = vector.shape_cast %get3A_1553 : vector<16xi32> to vector<16xi32>
      tpu.vector_store %arg8[%swap3A_1554], %swap3A_1557 {strides = array<i32>} : memref<128xi32, #tpu.memory_space<vmem>>, vector<16xi32>,
      %get3A_1558 = arith.constant 240 : index
      %get3A_1559 = tpu.vector_load %arg6[%get3A_1558] {strides = array<i32>} : memref<256xi32, #tpu.memory_space<vmem>>, vector<16xi32>,
      %get3A_1560 = vector.shape_cast %get3A_1559 : vector<16xi32> to vector<16xi32>
      %swap3A_1561 = arith.constant 112 : index
      %swap3A_1562 = tpu.vector_load %arg10[%swap3A_1561] {strides = array<i32>} : memref<128xi32, #tpu.memory_space<vmem>>, vector<16xi32>,
      %swap3A_1563 = vector.shape_cast %swap3A_1562 : vector<16xi32> to vector<16xi32>
      %swap3A_1564 = vector.shape_cast %get3A_1560 : vector<16xi32> to vector<16xi32>
      tpu.vector_store %arg10[%swap3A_1561], %swap3A_1564 {strides = array<i32>} : memref<128xi32, #tpu.memory_space<vmem>>, vector<16xi32>,
      %dma_start3A_1565 = arith.constant 0 : i32
      %dma_start3A_1566 = arith.constant 0 : i32
      %dma_start3A_1567 = tpu.memref_slice %arg3[%dma_start3A_1565, %dma_start3A_1566] : memref<10000x128xf32, #tpu.memory_space<hbm>> -> memref<10000x128xf32, #tpu.memory_space<hbm>>
      tpu.enqueue_indirect_dma source(%dma_start3A_1567 : memref<10000x128xf32, #tpu.memory_space<hbm>>) target(%arg12 : memref<128x128xf32, #tpu.memory_space<vmem>>) offsets(%arg8 : memref<128xi32, #tpu.memory_space<vmem>>) semaphore(%arg17 : memref<!tpu.dma_semaphore, #tpu.memory_space<semaphore_mem>>)
    }
    %while3A_1300 = arith.constant 1 : i32
    scf.for %while3A_1313 = %while3A_1298 to %while3A_1294 step %while3A_1300  : i32 {
      %mul3A_1314 = arith.constant 2 : i32
      %mul3A_1315 = arith.muli %mul3A_1314, %while3A_1313 : i32
      %add3A_1316 = arith.constant 0 : i32
      %add3A_1317 = arith.addi %mul3A_1315, %add3A_1316 : i32
      %dma_wait3A_1318 = arith.constant 0 : i32
      %dma_wait3A_1319 = arith.constant 0 : i32
      %dma_wait3A_1320 = tpu.memref_slice %arg3[%dma_wait3A_1318, %dma_wait3A_1319] : memref<10000x128xf32, #tpu.memory_space<hbm>> -> memref<10000x128xf32, #tpu.memory_space<hbm>>
      tpu.wait_indirect_dma semaphore(%arg16 : memref<!tpu.dma_semaphore, #tpu.memory_space<semaphore_mem>>) src(%dma_wait3A_1320 : memref<10000x128xf32, #tpu.memory_space<hbm>>) dst(%arg11 : memref<128x128xf32, #tpu.memory_space<vmem>>)
      "tpu.region"() ({
        %run_scoped3A = tpu.sem_alloc : memref<!tpu.dma_semaphore, #tpu.memory_space<semaphore_mem>>
        %dma_start3A_1568 = arith.constant 0 : i32
        %dma_start3A_1569 = arith.constant 0 : i32
        %dma_start3A_1570 = tpu.memref_slice %arg15[%dma_start3A_1568, %dma_start3A_1569] : memref<10240x128xf32, #tpu.memory_space<vmem_shared>> -> memref<10240x128xf32, #tpu.memory_space<vmem_shared>>
        tpu.enqueue_indirect_dma source(%arg11 : memref<128x128xf32, #tpu.memory_space<vmem>>) target(%dma_start3A_1570 : memref<10240x128xf32, #tpu.memory_space<vmem_shared>>) offsets(%arg9 : memref<128xi32, #tpu.memory_space<vmem>>) semaphore(%run_scoped3A : memref<!tpu.dma_semaphore, #tpu.memory_space<semaphore_mem>>) {add = true}
        %dma_wait3A_1571 = arith.constant 0 : i32
        %dma_wait3A_1572 = arith.constant 0 : i32
        %dma_wait3A_1573 = tpu.memref_slice %arg15[%dma_wait3A_1571, %dma_wait3A_1572] : memref<10240x128xf32, #tpu.memory_space<vmem_shared>> -> memref<10240x128xf32, #tpu.memory_space<vmem_shared>>
        tpu.wait_indirect_dma semaphore(%run_scoped3A : memref<!tpu.dma_semaphore, #tpu.memory_space<semaphore_mem>>) src(%arg11 : memref<128x128xf32, #tpu.memory_space<vmem>>) dst(%dma_wait3A_1573 : memref<10240x128xf32, #tpu.memory_space<vmem_shared>>)
        tpu.yield
      }) : () -> ()
      %add3A_1321 = arith.constant 2 : i32
      %add3A_1322 = arith.addi %add3A_1317, %add3A_1321 : i32
      %mul3A_1323 = arith.constant 256 : i32
      %mul3A_1324 = arith.muli %add3A_1322, %mul3A_1323 : i32
      %add3A_1325 = arith.addi %mul3A_10, %mul3A_1324 : i32
      "tpu.region"() ({
        %run_scoped3A = tpu.sem_alloc : memref<!tpu.dma_semaphore, #tpu.memory_space<semaphore_mem>>
        %dma_start3A_1568 = tpu.memref_slice %arg2[%add3A_1325] : memref<2572288xi32, #tpu.memory_space<hbm>> -> memref<256xi32, #tpu.memory_space<hbm>>
        %dma_start3A_1569 = tpu.memref_slice %arg2[%add3A_1325] : memref<2572288xi32, #tpu.memory_space<hbm>> -> memref<256xi32, #tpu.memory_space<hbm>>
        tpu.enqueue_dma source(%dma_start3A_1569 : memref<256xi32, #tpu.memory_space<hbm>>) target(%arg5 : memref<256xi32, #tpu.memory_space<vmem>>) target_semaphore(%run_scoped3A : memref<!tpu.dma_semaphore, #tpu.memory_space<semaphore_mem>>)
        %dma_wait3A_1570 = tpu.memref_slice %arg2[%add3A_1325] : memref<2572288xi32, #tpu.memory_space<hbm>> -> memref<256xi32, #tpu.memory_space<hbm>>
        %dma_wait3A_1571 = tpu.memref_slice %arg2[%add3A_1325] : memref<2572288xi32, #tpu.memory_space<hbm>> -> memref<256xi32, #tpu.memory_space<hbm>>
        tpu.wait_dma2 semaphore(%run_scoped3A : memref<!tpu.dma_semaphore, #tpu.memory_space<semaphore_mem>>) src(%dma_wait3A_1571 : memref<256xi32, #tpu.memory_space<hbm>>) dst(%arg5 : memref<256xi32, #tpu.memory_space<vmem>>)
        tpu.yield
      }) : () -> ()
      %get3A_1326 = arith.constant 0 : index
      %get3A_1327 = tpu.vector_load %arg5[%get3A_1326] {strides = array<i32>} : memref<256xi32, #tpu.memory_space<vmem>>, vector<16xi32>,
      %get3A_1328 = vector.shape_cast %get3A_1327 : vector<16xi32> to vector<16xi32>
      %swap3A_1329 = arith.constant 0 : index
      %swap3A_1330 = tpu.vector_load %arg7[%swap3A_1329] {strides = array<i32>} : memref<128xi32, #tpu.memory_space<vmem>>, vector<16xi32>,
      %swap3A_1331 = vector.shape_cast %swap3A_1330 : vector<16xi32> to vector<16xi32>
      %swap3A_1332 = vector.shape_cast %get3A_1328 : vector<16xi32> to vector<16xi32>
      tpu.vector_store %arg7[%swap3A_1329], %swap3A_1332 {strides = array<i32>} : memref<128xi32, #tpu.memory_space<vmem>>, vector<16xi32>,
      %get3A_1333 = arith.constant 128 : index
      %get3A_1334 = tpu.vector_load %arg5[%get3A_1333] {strides = array<i32>} : memref<256xi32, #tpu.memory_space<vmem>>, vector<16xi32>,
      %get3A_1335 = vector.shape_cast %get3A_1334 : vector<16xi32> to vector<16xi32>
      %swap3A_1336 = arith.constant 0 : index
      %swap3A_1337 = tpu.vector_load %arg9[%swap3A_1336] {strides = array<i32>} : memref<128xi32, #tpu.memory_space<vmem>>, vector<16xi32>,
      %swap3A_1338 = vector.shape_cast %swap3A_1337 : vector<16xi32> to vector<16xi32>
      %swap3A_1339 = vector.shape_cast %get3A_1335 : vector<16xi32> to vector<16xi32>
      tpu.vector_store %arg9[%swap3A_1336], %swap3A_1339 {strides = array<i32>} : memref<128xi32, #tpu.memory_space<vmem>>, vector<16xi32>,
      %get3A_1340 = arith.constant 16 : index
      %get3A_1341 = tpu.vector_load %arg5[%get3A_1340] {strides = array<i32>} : memref<256xi32, #tpu.memory_space<vmem>>, vector<16xi32>,
      %get3A_1342 = vector.shape_cast %get3A_1341 : vector<16xi32> to vector<16xi32>
      %swap3A_1343 = arith.constant 16 : index
      %swap3A_1344 = tpu.vector_load %arg7[%swap3A_1343] {strides = array<i32>} : memref<128xi32, #tpu.memory_space<vmem>>, vector<16xi32>,
      %swap3A_1345 = vector.shape_cast %swap3A_1344 : vector<16xi32> to vector<16xi32>
      %swap3A_1346 = vector.shape_cast %get3A_1342 : vector<16xi32> to vector<16xi32>
      tpu.vector_store %arg7[%swap3A_1343], %swap3A_1346 {strides = array<i32>} : memref<128xi32, #tpu.memory_space<vmem>>, vector<16xi32>,
      %get3A_1347 = arith.constant 144 : index
      %get3A_1348 = tpu.vector_load %arg5[%get3A_1347] {strides = array<i32>} : memref<256xi32, #tpu.memory_space<vmem>>, vector<16xi32>,
      %get3A_1349 = vector.shape_cast %get3A_1348 : vector<16xi32> to vector<16xi32>
      %swap3A_1350 = arith.constant 16 : index
      %swap3A_1351 = tpu.vector_load %arg9[%swap3A_1350] {strides = array<i32>} : memref<128xi32, #tpu.memory_space<vmem>>, vector<16xi32>,
      %swap3A_1352 = vector.shape_cast %swap3A_1351 : vector<16xi32> to vector<16xi32>
      %swap3A_1353 = vector.shape_cast %get3A_1349 : vector<16xi32> to vector<16xi32>
      tpu.vector_store %arg9[%swap3A_1350], %swap3A_1353 {strides = array<i32>} : memref<128xi32, #tpu.memory_space<vmem>>, vector<16xi32>,
      %get3A_1354 = arith.constant 32 : index
      %get3A_1355 = tpu.vector_load %arg5[%get3A_1354] {strides = array<i32>} : memref<256xi32, #tpu.memory_space<vmem>>, vector<16xi32>,
      %get3A_1356 = vector.shape_cast %get3A_1355 : vector<16xi32> to vector<16xi32>
      %swap3A_1357 = arith.constant 32 : index
      %swap3A_1358 = tpu.vector_load %arg7[%swap3A_1357] {strides = array<i32>} : memref<128xi32, #tpu.memory_space<vmem>>, vector<16xi32>,
      %swap3A_1359 = vector.shape_cast %swap3A_1358 : vector<16xi32> to vector<16xi32>
      %swap3A_1360 = vector.shape_cast %get3A_1356 : vector<16xi32> to vector<16xi32>
      tpu.vector_store %arg7[%swap3A_1357], %swap3A_1360 {strides = array<i32>} : memref<128xi32, #tpu.memory_space<vmem>>, vector<16xi32>,
      %get3A_1361 = arith.constant 160 : index
      %get3A_1362 = tpu.vector_load %arg5[%get3A_1361] {strides = array<i32>} : memref<256xi32, #tpu.memory_space<vmem>>, vector<16xi32>,
      %get3A_1363 = vector.shape_cast %get3A_1362 : vector<16xi32> to vector<16xi32>
      %swap3A_1364 = arith.constant 32 : index
      %swap3A_1365 = tpu.vector_load %arg9[%swap3A_1364] {strides = array<i32>} : memref<128xi32, #tpu.memory_space<vmem>>, vector<16xi32>,
      %swap3A_1366 = vector.shape_cast %swap3A_1365 : vector<16xi32> to vector<16xi32>
      %swap3A_1367 = vector.shape_cast %get3A_1363 : vector<16xi32> to vector<16xi32>
      tpu.vector_store %arg9[%swap3A_1364], %swap3A_1367 {strides = array<i32>} : memref<128xi32, #tpu.memory_space<vmem>>, vector<16xi32>,
      %get3A_1368 = arith.constant 48 : index
      %get3A_1369 = tpu.vector_load %arg5[%get3A_1368] {strides = array<i32>} : memref<256xi32, #tpu.memory_space<vmem>>, vector<16xi32>,
      %get3A_1370 = vector.shape_cast %get3A_1369 : vector<16xi32> to vector<16xi32>
      %swap3A_1371 = arith.constant 48 : index
      %swap3A_1372 = tpu.vector_load %arg7[%swap3A_1371] {strides = array<i32>} : memref<128xi32, #tpu.memory_space<vmem>>, vector<16xi32>,
      %swap3A_1373 = vector.shape_cast %swap3A_1372 : vector<16xi32> to vector<16xi32>
      %swap3A_1374 = vector.shape_cast %get3A_1370 : vector<16xi32> to vector<16xi32>
      tpu.vector_store %arg7[%swap3A_1371], %swap3A_1374 {strides = array<i32>} : memref<128xi32, #tpu.memory_space<vmem>>, vector<16xi32>,
      %get3A_1375 = arith.constant 176 : index
      %get3A_1376 = tpu.vector_load %arg5[%get3A_1375] {strides = array<i32>} : memref<256xi32, #tpu.memory_space<vmem>>, vector<16xi32>,
      %get3A_1377 = vector.shape_cast %get3A_1376 : vector<16xi32> to vector<16xi32>
      %swap3A_1378 = arith.constant 48 : index
      %swap3A_1379 = tpu.vector_load %arg9[%swap3A_1378] {strides = array<i32>} : memref<128xi32, #tpu.memory_space<vmem>>, vector<16xi32>,
      %swap3A_1380 = vector.shape_cast %swap3A_1379 : vector<16xi32> to vector<16xi32>
      %swap3A_1381 = vector.shape_cast %get3A_1377 : vector<16xi32> to vector<16xi32>
      tpu.vector_store %arg9[%swap3A_1378], %swap3A_1381 {strides = array<i32>} : memref<128xi32, #tpu.memory_space<vmem>>, vector<16xi32>,
      %get3A_1382 = arith.constant 64 : index
      %get3A_1383 = tpu.vector_load %arg5[%get3A_1382] {strides = array<i32>} : memref<256xi32, #tpu.memory_space<vmem>>, vector<16xi32>,
      %get3A_1384 = vector.shape_cast %get3A_1383 : vector<16xi32> to vector<16xi32>
      %swap3A_1385 = arith.constant 64 : index
      %swap3A_1386 = tpu.vector_load %arg7[%swap3A_1385] {strides = array<i32>} : memref<128xi32, #tpu.memory_space<vmem>>, vector<16xi32>,
      %swap3A_1387 = vector.shape_cast %swap3A_1386 : vector<16xi32> to vector<16xi32>
      %swap3A_1388 = vector.shape_cast %get3A_1384 : vector<16xi32> to vector<16xi32>
      tpu.vector_store %arg7[%swap3A_1385], %swap3A_1388 {strides = array<i32>} : memref<128xi32, #tpu.memory_space<vmem>>, vector<16xi32>,
      %get3A_1389 = arith.constant 192 : index
      %get3A_1390 = tpu.vector_load %arg5[%get3A_1389] {strides = array<i32>} : memref<256xi32, #tpu.memory_space<vmem>>, vector<16xi32>,
      %get3A_1391 = vector.shape_cast %get3A_1390 : vector<16xi32> to vector<16xi32>
      %swap3A_1392 = arith.constant 64 : index
      %swap3A_1393 = tpu.vector_load %arg9[%swap3A_1392] {strides = array<i32>} : memref<128xi32, #tpu.memory_space<vmem>>, vector<16xi32>,
      %swap3A_1394 = vector.shape_cast %swap3A_1393 : vector<16xi32> to vector<16xi32>
      %swap3A_1395 = vector.shape_cast %get3A_1391 : vector<16xi32> to vector<16xi32>
      tpu.vector_store %arg9[%swap3A_1392], %swap3A_1395 {strides = array<i32>} : memref<128xi32, #tpu.memory_space<vmem>>, vector<16xi32>,
      %get3A_1396 = arith.constant 80 : index
      %get3A_1397 = tpu.vector_load %arg5[%get3A_1396] {strides = array<i32>} : memref<256xi32, #tpu.memory_space<vmem>>, vector<16xi32>,
      %get3A_1398 = vector.shape_cast %get3A_1397 : vector<16xi32> to vector<16xi32>
      %swap3A_1399 = arith.constant 80 : index
      %swap3A_1400 = tpu.vector_load %arg7[%swap3A_1399] {strides = array<i32>} : memref<128xi32, #tpu.memory_space<vmem>>, vector<16xi32>,
      %swap3A_1401 = vector.shape_cast %swap3A_1400 : vector<16xi32> to vector<16xi32>
      %swap3A_1402 = vector.shape_cast %get3A_1398 : vector<16xi32> to vector<16xi32>
      tpu.vector_store %arg7[%swap3A_1399], %swap3A_1402 {strides = array<i32>} : memref<128xi32, #tpu.memory_space<vmem>>, vector<16xi32>,
      %get3A_1403 = arith.constant 208 : index
      %get3A_1404 = tpu.vector_load %arg5[%get3A_1403] {strides = array<i32>} : memref<256xi32, #tpu.memory_space<vmem>>, vector<16xi32>,
      %get3A_1405 = vector.shape_cast %get3A_1404 : vector<16xi32> to vector<16xi32>
      %swap3A_1406 = arith.constant 80 : index
      %swap3A_1407 = tpu.vector_load %arg9[%swap3A_1406] {strides = array<i32>} : memref<128xi32, #tpu.memory_space<vmem>>, vector<16xi32>,
      %swap3A_1408 = vector.shape_cast %swap3A_1407 : vector<16xi32> to vector<16xi32>
      %swap3A_1409 = vector.shape_cast %get3A_1405 : vector<16xi32> to vector<16xi32>
      tpu.vector_store %arg9[%swap3A_1406], %swap3A_1409 {strides = array<i32>} : memref<128xi32, #tpu.memory_space<vmem>>, vector<16xi32>,
      %get3A_1410 = arith.constant 96 : index
      %get3A_1411 = tpu.vector_load %arg5[%get3A_1410] {strides = array<i32>} : memref<256xi32, #tpu.memory_space<vmem>>, vector<16xi32>,
      %get3A_1412 = vector.shape_cast %get3A_1411 : vector<16xi32> to vector<16xi32>
      %swap3A_1413 = arith.constant 96 : index
      %swap3A_1414 = tpu.vector_load %arg7[%swap3A_1413] {strides = array<i32>} : memref<128xi32, #tpu.memory_space<vmem>>, vector<16xi32>,
      %swap3A_1415 = vector.shape_cast %swap3A_1414 : vector<16xi32> to vector<16xi32>
      %swap3A_1416 = vector.shape_cast %get3A_1412 : vector<16xi32> to vector<16xi32>
      tpu.vector_store %arg7[%swap3A_1413], %swap3A_1416 {strides = array<i32>} : memref<128xi32, #tpu.memory_space<vmem>>, vector<16xi32>,
      %get3A_1417 = arith.constant 224 : index
      %get3A_1418 = tpu.vector_load %arg5[%get3A_1417] {strides = array<i32>} : memref<256xi32, #tpu.memory_space<vmem>>, vector<16xi32>,
      %get3A_1419 = vector.shape_cast %get3A_1418 : vector<16xi32> to vector<16xi32>
      %swap3A_1420 = arith.constant 96 : index
      %swap3A_1421 = tpu.vector_load %arg9[%swap3A_1420] {strides = array<i32>} : memref<128xi32, #tpu.memory_space<vmem>>, vector<16xi32>,
      %swap3A_1422 = vector.shape_cast %swap3A_1421 : vector<16xi32> to vector<16xi32>
      %swap3A_1423 = vector.shape_cast %get3A_1419 : vector<16xi32> to vector<16xi32>
      tpu.vector_store %arg9[%swap3A_1420], %swap3A_1423 {strides = array<i32>} : memref<128xi32, #tpu.memory_space<vmem>>, vector<16xi32>,
      %get3A_1424 = arith.constant 112 : index
      %get3A_1425 = tpu.vector_load %arg5[%get3A_1424] {strides = array<i32>} : memref<256xi32, #tpu.memory_space<vmem>>, vector<16xi32>,
      %get3A_1426 = vector.shape_cast %get3A_1425 : vector<16xi32> to vector<16xi32>
      %swap3A_1427 = arith.constant 112 : index
      %swap3A_1428 = tpu.vector_load %arg7[%swap3A_1427] {strides = array<i32>} : memref<128xi32, #tpu.memory_space<vmem>>, vector<16xi32>,
      %swap3A_1429 = vector.shape_cast %swap3A_1428 : vector<16xi32> to vector<16xi32>
      %swap3A_1430 = vector.shape_cast %get3A_1426 : vector<16xi32> to vector<16xi32>
      tpu.vector_store %arg7[%swap3A_1427], %swap3A_1430 {strides = array<i32>} : memref<128xi32, #tpu.memory_space<vmem>>, vector<16xi32>,
      %get3A_1431 = arith.constant 240 : index
      %get3A_1432 = tpu.vector_load %arg5[%get3A_1431] {strides = array<i32>} : memref<256xi32, #tpu.memory_space<vmem>>, vector<16xi32>,
      %get3A_1433 = vector.shape_cast %get3A_1432 : vector<16xi32> to vector<16xi32>
      %swap3A_1434 = arith.constant 112 : index
      %swap3A_1435 = tpu.vector_load %arg9[%swap3A_1434] {strides = array<i32>} : memref<128xi32, #tpu.memory_space<vmem>>, vector<16xi32>,
      %swap3A_1436 = vector.shape_cast %swap3A_1435 : vector<16xi32> to vector<16xi32>
      %swap3A_1437 = vector.shape_cast %get3A_1433 : vector<16xi32> to vector<16xi32>
      tpu.vector_store %arg9[%swap3A_1434], %swap3A_1437 {strides = array<i32>} : memref<128xi32, #tpu.memory_space<vmem>>, vector<16xi32>,
      %dma_start3A_1438 = arith.constant 0 : i32
      %dma_start3A_1439 = arith.constant 0 : i32
      %dma_start3A_1440 = tpu.memref_slice %arg3[%dma_start3A_1438, %dma_start3A_1439] : memref<10000x128xf32, #tpu.memory_space<hbm>> -> memref<10000x128xf32, #tpu.memory_space<hbm>>
      tpu.enqueue_indirect_dma source(%dma_start3A_1440 : memref<10000x128xf32, #tpu.memory_space<hbm>>) target(%arg11 : memref<128x128xf32, #tpu.memory_space<vmem>>) offsets(%arg7 : memref<128xi32, #tpu.memory_space<vmem>>) semaphore(%arg16 : memref<!tpu.dma_semaphore, #tpu.memory_space<semaphore_mem>>)
      %mul3A_1441 = arith.constant 2 : i32
      %mul3A_1442 = arith.muli %mul3A_1441, %while3A_1313 : i32
      %add3A_1443 = arith.constant 1 : i32
      %add3A_1444 = arith.addi %mul3A_1442, %add3A_1443 : i32
      %dma_wait3A_1445 = arith.constant 0 : i32
      %dma_wait3A_1446 = arith.constant 0 : i32
      %dma_wait3A_1447 = tpu.memref_slice %arg3[%dma_wait3A_1445, %dma_wait3A_1446] : memref<10000x128xf32, #tpu.memory_space<hbm>> -> memref<10000x128xf32, #tpu.memory_space<hbm>>
      tpu.wait_indirect_dma semaphore(%arg17 : memref<!tpu.dma_semaphore, #tpu.memory_space<semaphore_mem>>) src(%dma_wait3A_1447 : memref<10000x128xf32, #tpu.memory_space<hbm>>) dst(%arg12 : memref<128x128xf32, #tpu.memory_space<vmem>>)
      "tpu.region"() ({
        %run_scoped3A = tpu.sem_alloc : memref<!tpu.dma_semaphore, #tpu.memory_space<semaphore_mem>>
        %dma_start3A_1568 = arith.constant 0 : i32
        %dma_start3A_1569 = arith.constant 0 : i32
        %dma_start3A_1570 = tpu.memref_slice %arg15[%dma_start3A_1568, %dma_start3A_1569] : memref<10240x128xf32, #tpu.memory_space<vmem_shared>> -> memref<10240x128xf32, #tpu.memory_space<vmem_shared>>
        tpu.enqueue_indirect_dma source(%arg12 : memref<128x128xf32, #tpu.memory_space<vmem>>) target(%dma_start3A_1570 : memref<10240x128xf32, #tpu.memory_space<vmem_shared>>) offsets(%arg10 : memref<128xi32, #tpu.memory_space<vmem>>) semaphore(%run_scoped3A : memref<!tpu.dma_semaphore, #tpu.memory_space<semaphore_mem>>) {add = true}
        %dma_wait3A_1571 = arith.constant 0 : i32
        %dma_wait3A_1572 = arith.constant 0 : i32
        %dma_wait3A_1573 = tpu.memref_slice %arg15[%dma_wait3A_1571, %dma_wait3A_1572] : memref<10240x128xf32, #tpu.memory_space<vmem_shared>> -> memref<10240x128xf32, #tpu.memory_space<vmem_shared>>
        tpu.wait_indirect_dma semaphore(%run_scoped3A : memref<!tpu.dma_semaphore, #tpu.memory_space<semaphore_mem>>) src(%arg12 : memref<128x128xf32, #tpu.memory_space<vmem>>) dst(%dma_wait3A_1573 : memref<10240x128xf32, #tpu.memory_space<vmem_shared>>)
        tpu.yield
      }) : () -> ()
      %add3A_1448 = arith.constant 2 : i32
      %add3A_1449 = arith.addi %add3A_1444, %add3A_1448 : i32
      %mul3A_1450 = arith.constant 256 : i32
      %mul3A_1451 = arith.muli %add3A_1449, %mul3A_1450 : i32
      %add3A_1452 = arith.addi %mul3A_10, %mul3A_1451 : i32
      "tpu.region"() ({
        %run_scoped3A = tpu.sem_alloc : memref<!tpu.dma_semaphore, #tpu.memory_space<semaphore_mem>>
        %dma_start3A_1568 = tpu.memref_slice %arg2[%add3A_1452] : memref<2572288xi32, #tpu.memory_space<hbm>> -> memref<256xi32, #tpu.memory_space<hbm>>
        %dma_start3A_1569 = tpu.memref_slice %arg2[%add3A_1452] : memref<2572288xi32, #tpu.memory_space<hbm>> -> memref<256xi32, #tpu.memory_space<hbm>>
        tpu.enqueue_dma source(%dma_start3A_1569 : memref<256xi32, #tpu.memory_space<hbm>>) target(%arg6 : memref<256xi32, #tpu.memory_space<vmem>>) target_semaphore(%run_scoped3A : memref<!tpu.dma_semaphore, #tpu.memory_space<semaphore_mem>>)
        %dma_wait3A_1570 = tpu.memref_slice %arg2[%add3A_1452] : memref<2572288xi32, #tpu.memory_space<hbm>> -> memref<256xi32, #tpu.memory_space<hbm>>
        %dma_wait3A_1571 = tpu.memref_slice %arg2[%add3A_1452] : memref<2572288xi32, #tpu.memory_space<hbm>> -> memref<256xi32, #tpu.memory_space<hbm>>
        tpu.wait_dma2 semaphore(%run_scoped3A : memref<!tpu.dma_semaphore, #tpu.memory_space<semaphore_mem>>) src(%dma_wait3A_1571 : memref<256xi32, #tpu.memory_space<hbm>>) dst(%arg6 : memref<256xi32, #tpu.memory_space<vmem>>)
        tpu.yield
      }) : () -> ()
      %get3A_1453 = arith.constant 0 : index
      %get3A_1454 = tpu.vector_load %arg6[%get3A_1453] {strides = array<i32>} : memref<256xi32, #tpu.memory_space<vmem>>, vector<16xi32>,
      %get3A_1455 = vector.shape_cast %get3A_1454 : vector<16xi32> to vector<16xi32>
      %swap3A_1456 = arith.constant 0 : index
      %swap3A_1457 = tpu.vector_load %arg8[%swap3A_1456] {strides = array<i32>} : memref<128xi32, #tpu.memory_space<vmem>>, vector<16xi32>,
      %swap3A_1458 = vector.shape_cast %swap3A_1457 : vector<16xi32> to vector<16xi32>
      %swap3A_1459 = vector.shape_cast %get3A_1455 : vector<16xi32> to vector<16xi32>
      tpu.vector_store %arg8[%swap3A_1456], %swap3A_1459 {strides = array<i32>} : memref<128xi32, #tpu.memory_space<vmem>>, vector<16xi32>,
      %get3A_1460 = arith.constant 128 : index
      %get3A_1461 = tpu.vector_load %arg6[%get3A_1460] {strides = array<i32>} : memref<256xi32, #tpu.memory_space<vmem>>, vector<16xi32>,
      %get3A_1462 = vector.shape_cast %get3A_1461 : vector<16xi32> to vector<16xi32>
      %swap3A_1463 = arith.constant 0 : index
      %swap3A_1464 = tpu.vector_load %arg10[%swap3A_1463] {strides = array<i32>} : memref<128xi32, #tpu.memory_space<vmem>>, vector<16xi32>,
      %swap3A_1465 = vector.shape_cast %swap3A_1464 : vector<16xi32> to vector<16xi32>
      %swap3A_1466 = vector.shape_cast %get3A_1462 : vector<16xi32> to vector<16xi32>
      tpu.vector_store %arg10[%swap3A_1463], %swap3A_1466 {strides = array<i32>} : memref<128xi32, #tpu.memory_space<vmem>>, vector<16xi32>,
      %get3A_1467 = arith.constant 16 : index
      %get3A_1468 = tpu.vector_load %arg6[%get3A_1467] {strides = array<i32>} : memref<256xi32, #tpu.memory_space<vmem>>, vector<16xi32>,
      %get3A_1469 = vector.shape_cast %get3A_1468 : vector<16xi32> to vector<16xi32>
      %swap3A_1470 = arith.constant 16 : index
      %swap3A_1471 = tpu.vector_load %arg8[%swap3A_1470] {strides = array<i32>} : memref<128xi32, #tpu.memory_space<vmem>>, vector<16xi32>,
      %swap3A_1472 = vector.shape_cast %swap3A_1471 : vector<16xi32> to vector<16xi32>
      %swap3A_1473 = vector.shape_cast %get3A_1469 : vector<16xi32> to vector<16xi32>
      tpu.vector_store %arg8[%swap3A_1470], %swap3A_1473 {strides = array<i32>} : memref<128xi32, #tpu.memory_space<vmem>>, vector<16xi32>,
      %get3A_1474 = arith.constant 144 : index
      %get3A_1475 = tpu.vector_load %arg6[%get3A_1474] {strides = array<i32>} : memref<256xi32, #tpu.memory_space<vmem>>, vector<16xi32>,
      %get3A_1476 = vector.shape_cast %get3A_1475 : vector<16xi32> to vector<16xi32>
      %swap3A_1477 = arith.constant 16 : index
      %swap3A_1478 = tpu.vector_load %arg10[%swap3A_1477] {strides = array<i32>} : memref<128xi32, #tpu.memory_space<vmem>>, vector<16xi32>,
      %swap3A_1479 = vector.shape_cast %swap3A_1478 : vector<16xi32> to vector<16xi32>
      %swap3A_1480 = vector.shape_cast %get3A_1476 : vector<16xi32> to vector<16xi32>
      tpu.vector_store %arg10[%swap3A_1477], %swap3A_1480 {strides = array<i32>} : memref<128xi32, #tpu.memory_space<vmem>>, vector<16xi32>,
      %get3A_1481 = arith.constant 32 : index
      %get3A_1482 = tpu.vector_load %arg6[%get3A_1481] {strides = array<i32>} : memref<256xi32, #tpu.memory_space<vmem>>, vector<16xi32>,
      %get3A_1483 = vector.shape_cast %get3A_1482 : vector<16xi32> to vector<16xi32>
      %swap3A_1484 = arith.constant 32 : index
      %swap3A_1485 = tpu.vector_load %arg8[%swap3A_1484] {strides = array<i32>} : memref<128xi32, #tpu.memory_space<vmem>>, vector<16xi32>,
      %swap3A_1486 = vector.shape_cast %swap3A_1485 : vector<16xi32> to vector<16xi32>
      %swap3A_1487 = vector.shape_cast %get3A_1483 : vector<16xi32> to vector<16xi32>
      tpu.vector_store %arg8[%swap3A_1484], %swap3A_1487 {strides = array<i32>} : memref<128xi32, #tpu.memory_space<vmem>>, vector<16xi32>,
      %get3A_1488 = arith.constant 160 : index
      %get3A_1489 = tpu.vector_load %arg6[%get3A_1488] {strides = array<i32>} : memref<256xi32, #tpu.memory_space<vmem>>, vector<16xi32>,
      %get3A_1490 = vector.shape_cast %get3A_1489 : vector<16xi32> to vector<16xi32>
      %swap3A_1491 = arith.constant 32 : index
      %swap3A_1492 = tpu.vector_load %arg10[%swap3A_1491] {strides = array<i32>} : memref<128xi32, #tpu.memory_space<vmem>>, vector<16xi32>,
      %swap3A_1493 = vector.shape_cast %swap3A_1492 : vector<16xi32> to vector<16xi32>
      %swap3A_1494 = vector.shape_cast %get3A_1490 : vector<16xi32> to vector<16xi32>
      tpu.vector_store %arg10[%swap3A_1491], %swap3A_1494 {strides = array<i32>} : memref<128xi32, #tpu.memory_space<vmem>>, vector<16xi32>,
      %get3A_1495 = arith.constant 48 : index
      %get3A_1496 = tpu.vector_load %arg6[%get3A_1495] {strides = array<i32>} : memref<256xi32, #tpu.memory_space<vmem>>, vector<16xi32>,
      %get3A_1497 = vector.shape_cast %get3A_1496 : vector<16xi32> to vector<16xi32>
      %swap3A_1498 = arith.constant 48 : index
      %swap3A_1499 = tpu.vector_load %arg8[%swap3A_1498] {strides = array<i32>} : memref<128xi32, #tpu.memory_space<vmem>>, vector<16xi32>,
      %swap3A_1500 = vector.shape_cast %swap3A_1499 : vector<16xi32> to vector<16xi32>
      %swap3A_1501 = vector.shape_cast %get3A_1497 : vector<16xi32> to vector<16xi32>
      tpu.vector_store %arg8[%swap3A_1498], %swap3A_1501 {strides = array<i32>} : memref<128xi32, #tpu.memory_space<vmem>>, vector<16xi32>,
      %get3A_1502 = arith.constant 176 : index
      %get3A_1503 = tpu.vector_load %arg6[%get3A_1502] {strides = array<i32>} : memref<256xi32, #tpu.memory_space<vmem>>, vector<16xi32>,
      %get3A_1504 = vector.shape_cast %get3A_1503 : vector<16xi32> to vector<16xi32>
      %swap3A_1505 = arith.constant 48 : index
      %swap3A_1506 = tpu.vector_load %arg10[%swap3A_1505] {strides = array<i32>} : memref<128xi32, #tpu.memory_space<vmem>>, vector<16xi32>,
      %swap3A_1507 = vector.shape_cast %swap3A_1506 : vector<16xi32> to vector<16xi32>
      %swap3A_1508 = vector.shape_cast %get3A_1504 : vector<16xi32> to vector<16xi32>
      tpu.vector_store %arg10[%swap3A_1505], %swap3A_1508 {strides = array<i32>} : memref<128xi32, #tpu.memory_space<vmem>>, vector<16xi32>,
      %get3A_1509 = arith.constant 64 : index
      %get3A_1510 = tpu.vector_load %arg6[%get3A_1509] {strides = array<i32>} : memref<256xi32, #tpu.memory_space<vmem>>, vector<16xi32>,
      %get3A_1511 = vector.shape_cast %get3A_1510 : vector<16xi32> to vector<16xi32>
      %swap3A_1512 = arith.constant 64 : index
      %swap3A_1513 = tpu.vector_load %arg8[%swap3A_1512] {strides = array<i32>} : memref<128xi32, #tpu.memory_space<vmem>>, vector<16xi32>,
      %swap3A_1514 = vector.shape_cast %swap3A_1513 : vector<16xi32> to vector<16xi32>
      %swap3A_1515 = vector.shape_cast %get3A_1511 : vector<16xi32> to vector<16xi32>
      tpu.vector_store %arg8[%swap3A_1512], %swap3A_1515 {strides = array<i32>} : memref<128xi32, #tpu.memory_space<vmem>>, vector<16xi32>,
      %get3A_1516 = arith.constant 192 : index
      %get3A_1517 = tpu.vector_load %arg6[%get3A_1516] {strides = array<i32>} : memref<256xi32, #tpu.memory_space<vmem>>, vector<16xi32>,
      %get3A_1518 = vector.shape_cast %get3A_1517 : vector<16xi32> to vector<16xi32>
      %swap3A_1519 = arith.constant 64 : index
      %swap3A_1520 = tpu.vector_load %arg10[%swap3A_1519] {strides = array<i32>} : memref<128xi32, #tpu.memory_space<vmem>>, vector<16xi32>,
      %swap3A_1521 = vector.shape_cast %swap3A_1520 : vector<16xi32> to vector<16xi32>
      %swap3A_1522 = vector.shape_cast %get3A_1518 : vector<16xi32> to vector<16xi32>
      tpu.vector_store %arg10[%swap3A_1519], %swap3A_1522 {strides = array<i32>} : memref<128xi32, #tpu.memory_space<vmem>>, vector<16xi32>,
      %get3A_1523 = arith.constant 80 : index
      %get3A_1524 = tpu.vector_load %arg6[%get3A_1523] {strides = array<i32>} : memref<256xi32, #tpu.memory_space<vmem>>, vector<16xi32>,
      %get3A_1525 = vector.shape_cast %get3A_1524 : vector<16xi32> to vector<16xi32>
      %swap3A_1526 = arith.constant 80 : index
      %swap3A_1527 = tpu.vector_load %arg8[%swap3A_1526] {strides = array<i32>} : memref<128xi32, #tpu.memory_space<vmem>>, vector<16xi32>,
      %swap3A_1528 = vector.shape_cast %swap3A_1527 : vector<16xi32> to vector<16xi32>
      %swap3A_1529 = vector.shape_cast %get3A_1525 : vector<16xi32> to vector<16xi32>
      tpu.vector_store %arg8[%swap3A_1526], %swap3A_1529 {strides = array<i32>} : memref<128xi32, #tpu.memory_space<vmem>>, vector<16xi32>,
      %get3A_1530 = arith.constant 208 : index
      %get3A_1531 = tpu.vector_load %arg6[%get3A_1530] {strides = array<i32>} : memref<256xi32, #tpu.memory_space<vmem>>, vector<16xi32>,
      %get3A_1532 = vector.shape_cast %get3A_1531 : vector<16xi32> to vector<16xi32>
      %swap3A_1533 = arith.constant 80 : index
      %swap3A_1534 = tpu.vector_load %arg10[%swap3A_1533] {strides = array<i32>} : memref<128xi32, #tpu.memory_space<vmem>>, vector<16xi32>,
      %swap3A_1535 = vector.shape_cast %swap3A_1534 : vector<16xi32> to vector<16xi32>
      %swap3A_1536 = vector.shape_cast %get3A_1532 : vector<16xi32> to vector<16xi32>
      tpu.vector_store %arg10[%swap3A_1533], %swap3A_1536 {strides = array<i32>} : memref<128xi32, #tpu.memory_space<vmem>>, vector<16xi32>,
      %get3A_1537 = arith.constant 96 : index
      %get3A_1538 = tpu.vector_load %arg6[%get3A_1537] {strides = array<i32>} : memref<256xi32, #tpu.memory_space<vmem>>, vector<16xi32>,
      %get3A_1539 = vector.shape_cast %get3A_1538 : vector<16xi32> to vector<16xi32>
      %swap3A_1540 = arith.constant 96 : index
      %swap3A_1541 = tpu.vector_load %arg8[%swap3A_1540] {strides = array<i32>} : memref<128xi32, #tpu.memory_space<vmem>>, vector<16xi32>,
      %swap3A_1542 = vector.shape_cast %swap3A_1541 : vector<16xi32> to vector<16xi32>
      %swap3A_1543 = vector.shape_cast %get3A_1539 : vector<16xi32> to vector<16xi32>
      tpu.vector_store %arg8[%swap3A_1540], %swap3A_1543 {strides = array<i32>} : memref<128xi32, #tpu.memory_space<vmem>>, vector<16xi32>,
      %get3A_1544 = arith.constant 224 : index
      %get3A_1545 = tpu.vector_load %arg6[%get3A_1544] {strides = array<i32>} : memref<256xi32, #tpu.memory_space<vmem>>, vector<16xi32>,
      %get3A_1546 = vector.shape_cast %get3A_1545 : vector<16xi32> to vector<16xi32>
      %swap3A_1547 = arith.constant 96 : index
      %swap3A_1548 = tpu.vector_load %arg10[%swap3A_1547] {strides = array<i32>} : memref<128xi32, #tpu.memory_space<vmem>>, vector<16xi32>,
      %swap3A_1549 = vector.shape_cast %swap3A_1548 : vector<16xi32> to vector<16xi32>
      %swap3A_1550 = vector.shape_cast %get3A_1546 : vector<16xi32> to vector<16xi32>
      tpu.vector_store %arg10[%swap3A_1547], %swap3A_1550 {strides = array<i32>} : memref<128xi32, #tpu.memory_space<vmem>>, vector<16xi32>,
      %get3A_1551 = arith.constant 112 : index
      %get3A_1552 = tpu.vector_load %arg6[%get3A_1551] {strides = array<i32>} : memref<256xi32, #tpu.memory_space<vmem>>, vector<16xi32>,
      %get3A_1553 = vector.shape_cast %get3A_1552 : vector<16xi32> to vector<16xi32>
      %swap3A_1554 = arith.constant 112 : index
      %swap3A_1555 = tpu.vector_load %arg8[%swap3A_1554] {strides = array<i32>} : memref<128xi32, #tpu.memory_space<vmem>>, vector<16xi32>,
      %swap3A_1556 = vector.shape_cast %swap3A_1555 : vector<16xi32> to vector<16xi32>
      %swap3A_1557 = vector.shape_cast %get3A_1553 : vector<16xi32> to vector<16xi32>
      tpu.vector_store %arg8[%swap3A_1554], %swap3A_1557 {strides = array<i32>} : memref<128xi32, #tpu.memory_space<vmem>>, vector<16xi32>,
      %get3A_1558 = arith.constant 240 : index
      %get3A_1559 = tpu.vector_load %arg6[%get3A_1558] {strides = array<i32>} : memref<256xi32, #tpu.memory_space<vmem>>, vector<16xi32>,
      %get3A_1560 = vector.shape_cast %get3A_1559 : vector<16xi32> to vector<16xi32>
      %swap3A_1561 = arith.constant 112 : index
      %swap3A_1562 = tpu.vector_load %arg10[%swap3A_1561] {strides = array<i32>} : memref<128xi32, #tpu.memory_space<vmem>>, vector<16xi32>,
      %swap3A_1563 = vector.shape_cast %swap3A_1562 : vector<16xi32> to vector<16xi32>
      %swap3A_1564 = vector.shape_cast %get3A_1560 : vector<16xi32> to vector<16xi32>
      tpu.vector_store %arg10[%swap3A_1561], %swap3A_1564 {strides = array<i32>} : memref<128xi32, #tpu.memory_space<vmem>>, vector<16xi32>,
      %dma_start3A_1565 = arith.constant 0 : i32
      %dma_start3A_1566 = arith.constant 0 : i32
      %dma_start3A_1567 = tpu.memref_slice %arg3[%dma_start3A_1565, %dma_start3A_1566] : memref<10000x128xf32, #tpu.memory_space<hbm>> -> memref<10000x128xf32, #tpu.memory_space<hbm>>
      tpu.enqueue_indirect_dma source(%dma_start3A_1567 : memref<10000x128xf32, #tpu.memory_space<hbm>>) target(%arg12 : memref<128x128xf32, #tpu.memory_space<vmem>>) offsets(%arg8 : memref<128xi32, #tpu.memory_space<vmem>>) semaphore(%arg17 : memref<!tpu.dma_semaphore, #tpu.memory_space<semaphore_mem>>)
    }
    %dma_wait3A = arith.constant 0 : i32
    %dma_wait3A_1301 = arith.constant 0 : i32
    %dma_wait3A_1302 = tpu.memref_slice %arg3[%dma_wait3A, %dma_wait3A_1301] : memref<10000x128xf32, #tpu.memory_space<hbm>> -> memref<10000x128xf32, #tpu.memory_space<hbm>>
    tpu.wait_indirect_dma semaphore(%arg16 : memref<!tpu.dma_semaphore, #tpu.memory_space<semaphore_mem>>) src(%dma_wait3A_1302 : memref<10000x128xf32, #tpu.memory_space<hbm>>) dst(%arg11 : memref<128x128xf32, #tpu.memory_space<vmem>>)
    "tpu.region"() ({
      %run_scoped3A = tpu.sem_alloc : memref<!tpu.dma_semaphore, #tpu.memory_space<semaphore_mem>>
      %dma_start3A_1313 = arith.constant 0 : i32
      %dma_start3A_1314 = arith.constant 0 : i32
      %dma_start3A_1315 = tpu.memref_slice %arg15[%dma_start3A_1313, %dma_start3A_1314] : memref<10240x128xf32, #tpu.memory_space<vmem_shared>> -> memref<10240x128xf32, #tpu.memory_space<vmem_shared>>
      tpu.enqueue_indirect_dma source(%arg11 : memref<128x128xf32, #tpu.memory_space<vmem>>) target(%dma_start3A_1315 : memref<10240x128xf32, #tpu.memory_space<vmem_shared>>) offsets(%arg9 : memref<128xi32, #tpu.memory_space<vmem>>) semaphore(%run_scoped3A : memref<!tpu.dma_semaphore, #tpu.memory_space<semaphore_mem>>) {add = true}
      %dma_wait3A_1316 = arith.constant 0 : i32
      %dma_wait3A_1317 = arith.constant 0 : i32
      %dma_wait3A_1318 = tpu.memref_slice %arg15[%dma_wait3A_1316, %dma_wait3A_1317] : memref<10240x128xf32, #tpu.memory_space<vmem_shared>> -> memref<10240x128xf32, #tpu.memory_space<vmem_shared>>
      tpu.wait_indirect_dma semaphore(%run_scoped3A : memref<!tpu.dma_semaphore, #tpu.memory_space<semaphore_mem>>) src(%arg11 : memref<128x128xf32, #tpu.memory_space<vmem>>) dst(%dma_wait3A_1318 : memref<10240x128xf32, #tpu.memory_space<vmem_shared>>)
      tpu.yield
    }) : () -> ()
    %dma_wait3A_1303 = arith.constant 0 : i32
    %dma_wait3A_1304 = arith.constant 0 : i32
    %dma_wait3A_1305 = tpu.memref_slice %arg3[%dma_wait3A_1303, %dma_wait3A_1304] : memref<10000x128xf32, #tpu.memory_space<hbm>> -> memref<10000x128xf32, #tpu.memory_space<hbm>>
    tpu.wait_indirect_dma semaphore(%arg17 : memref<!tpu.dma_semaphore, #tpu.memory_space<semaphore_mem>>) src(%dma_wait3A_1305 : memref<10000x128xf32, #tpu.memory_space<hbm>>) dst(%arg12 : memref<128x128xf32, #tpu.memory_space<vmem>>)
    "tpu.region"() ({
      %run_scoped3A = tpu.sem_alloc : memref<!tpu.dma_semaphore, #tpu.memory_space<semaphore_mem>>
      %dma_start3A_1313 = arith.constant 0 : i32
      %dma_start3A_1314 = arith.constant 0 : i32
      %dma_start3A_1315 = tpu.memref_slice %arg15[%dma_start3A_1313, %dma_start3A_1314] : memref<10240x128xf32, #tpu.memory_space<vmem_shared>> -> memref<10240x128xf32, #tpu.memory_space<vmem_shared>>
      tpu.enqueue_indirect_dma source(%arg12 : memref<128x128xf32, #tpu.memory_space<vmem>>) target(%dma_start3A_1315 : memref<10240x128xf32, #tpu.memory_space<vmem_shared>>) offsets(%arg10 : memref<128xi32, #tpu.memory_space<vmem>>) semaphore(%run_scoped3A : memref<!tpu.dma_semaphore, #tpu.memory_space<semaphore_mem>>) {add = true}
      %dma_wait3A_1316 = arith.constant 0 : i32
      %dma_wait3A_1317 = arith.constant 0 : i32
      %dma_wait3A_1318 = tpu.memref_slice %arg15[%dma_wait3A_1316, %dma_wait3A_1317] : memref<10240x128xf32, #tpu.memory_space<vmem_shared>> -> memref<10240x128xf32, #tpu.memory_space<vmem_shared>>
      tpu.wait_indirect_dma semaphore(%run_scoped3A : memref<!tpu.dma_semaphore, #tpu.memory_space<semaphore_mem>>) src(%arg12 : memref<128x128xf32, #tpu.memory_space<vmem>>) dst(%dma_wait3A_1318 : memref<10240x128xf32, #tpu.memory_space<vmem_shared>>)
      tpu.yield
    }) : () -> ()
    %barrier3A_1306 = arith.constant 0 : index
    tpu.barrier barrier_id(%barrier3A_1306)
    %scan3A_1307 = arith.constant 0 : i32
    %scan3A_1308 = arith.constant 0 : i32
    %scan3A_1309 = arith.constant 10 : i32
    %scan3A_1310 = arith.addi %scan3A_1308, %scan3A_1309 : i32
    %scan3A_1311 = arith.constant 1 : i32
    scf.for %scan3A_1313 = %scan3A_1308 to %scan3A_1310 step %scan3A_1311  : i32 {
      %mul3A_1314 = arith.constant 64 : i32
      %mul3A_1315 = arith.muli %scan3A_1313, %mul3A_1314 : i32
      %add3A_1316 = arith.addi %mul3A_1034, %mul3A_1315 : i32
      "tpu.region"() ({
        %run_scoped3A = tpu.sem_alloc : memref<!tpu.dma_semaphore, #tpu.memory_space<semaphore_mem>>
        %dma_start3A_1317 = arith.constant 0 : i32
        %dma_start3A_1318 = tpu.memref_slice %arg15[%add3A_1316, %dma_start3A_1317] : memref<10240x128xf32, #tpu.memory_space<vmem_shared>> -> memref<64x128xf32, #tpu.memory_space<vmem_shared>>
        %dma_start3A_1319 = arith.constant 0 : i32
        %dma_start3A_1320 = tpu.memref_slice %arg15[%add3A_1316, %dma_start3A_1319] : memref<10240x128xf32, #tpu.memory_space<vmem_shared>> -> memref<64x128xf32, #tpu.memory_space<vmem_shared>>
        tpu.enqueue_dma source(%dma_start3A_1320 : memref<64x128xf32, #tpu.memory_space<vmem_shared>>) target(%arg14 : memref<64x128xf32, #tpu.memory_space<vmem>>) target_semaphore(%run_scoped3A : memref<!tpu.dma_semaphore, #tpu.memory_space<semaphore_mem>>)
        %dma_wait3A_1321 = arith.constant 0 : i32
        %dma_wait3A_1322 = tpu.memref_slice %arg15[%add3A_1316, %dma_wait3A_1321] : memref<10240x128xf32, #tpu.memory_space<vmem_shared>> -> memref<64x128xf32, #tpu.memory_space<vmem_shared>>
        %dma_wait3A_1323 = arith.constant 0 : i32
        %dma_wait3A_1324 = tpu.memref_slice %arg15[%add3A_1316, %dma_wait3A_1323] : memref<10240x128xf32, #tpu.memory_space<vmem_shared>> -> memref<64x128xf32, #tpu.memory_space<vmem_shared>>
        tpu.wait_dma2 semaphore(%run_scoped3A : memref<!tpu.dma_semaphore, #tpu.memory_space<semaphore_mem>>) src(%dma_wait3A_1324 : memref<64x128xf32, #tpu.memory_space<vmem_shared>>) dst(%arg14 : memref<64x128xf32, #tpu.memory_space<vmem>>)
        tpu.yield
      }) : () -> ()
      "tpu.region"() ({
        %run_scoped3A = tpu.sem_alloc : memref<!tpu.dma_semaphore, #tpu.memory_space<semaphore_mem>>
        %dma_start3A_1317 = arith.constant 0 : i32
        %dma_start3A_1318 = tpu.memref_slice %arg4[%arg0, %add3A_1316, %dma_start3A_1317] : memref<2x10240x128xf32, #tpu.memory_space<hbm>> -> memref<1x64x128xf32, #tpu.memory_space<hbm>>
        %dma_start3A_1319 = tpu.memref_squeeze %dma_start3A_1318 : memref<1x64x128xf32, #tpu.memory_space<hbm>> -> memref<64x128xf32, #tpu.memory_space<hbm>>
        %dma_start3A_1320 = arith.constant 0 : i32
        %dma_start3A_1321 = tpu.memref_slice %arg4[%arg0, %add3A_1316, %dma_start3A_1320] : memref<2x10240x128xf32, #tpu.memory_space<hbm>> -> memref<1x64x128xf32, #tpu.memory_space<hbm>>
        %dma_start3A_1322 = tpu.memref_squeeze %dma_start3A_1321 : memref<1x64x128xf32, #tpu.memory_space<hbm>> -> memref<64x128xf32, #tpu.memory_space<hbm>>
        tpu.enqueue_dma source(%arg14 : memref<64x128xf32, #tpu.memory_space<vmem>>) target(%dma_start3A_1322 : memref<64x128xf32, #tpu.memory_space<hbm>>) target_semaphore(%run_scoped3A : memref<!tpu.dma_semaphore, #tpu.memory_space<semaphore_mem>>)
        %dma_wait3A_1323 = arith.constant 0 : i32
        %dma_wait3A_1324 = tpu.memref_slice %arg4[%arg0, %add3A_1316, %dma_wait3A_1323] : memref<2x10240x128xf32, #tpu.memory_space<hbm>> -> memref<1x64x128xf32, #tpu.memory_space<hbm>>
        %dma_wait3A_1325 = tpu.memref_squeeze %dma_wait3A_1324 : memref<1x64x128xf32, #tpu.memory_space<hbm>> -> memref<64x128xf32, #tpu.memory_space<hbm>>
        %dma_wait3A_1326 = arith.constant 0 : i32
        %dma_wait3A_1327 = tpu.memref_slice %arg4[%arg0, %add3A_1316, %dma_wait3A_1326] : memref<2x10240x128xf32, #tpu.memory_space<hbm>> -> memref<1x64x128xf32, #tpu.memory_space<hbm>>
        %dma_wait3A_1328 = tpu.memref_squeeze %dma_wait3A_1327 : memref<1x64x128xf32, #tpu.memory_space<hbm>> -> memref<64x128xf32, #tpu.memory_space<hbm>>
        tpu.wait_dma2 semaphore(%run_scoped3A : memref<!tpu.dma_semaphore, #tpu.memory_space<semaphore_mem>>) src(%arg14 : memref<64x128xf32, #tpu.memory_space<vmem>>) dst(%dma_wait3A_1328 : memref<64x128xf32, #tpu.memory_space<hbm>>)
        tpu.yield
      }) : () -> ()
    }
    %scan3A_1312 = arith.constant 10 : i32
    return
  }
}

module attributes {stable_mosaic.version = 14 : i64} {
  func.func @_tc_fuse_body(%arg0: i32, %arg1: memref<400x128xf32, #tpu.memory_space<vmem>>, %arg2: memref<128x128xf32, #tpu.memory_space<vmem>>, %arg3: memref<128x128xf32, #tpu.memory_space<vmem>>, %arg4: memref<400x128xf32, #tpu.memory_space<vmem>>, %arg5: memref<400x128xf32, #tpu.memory_space<vmem>>, %arg6: memref<400x128xf32, #tpu.memory_space<vmem>>) attributes {dimension_semantics = [#tpu.dimension_semantics<arbitrary>], iteration_bounds = array<i64: 25>, scalar_prefetch = 0 : i64, scratch_operands = 0 : i64, tpu.core_type = #tpu.core_type<tc>, window_params = [{transform_indices = @transform_0, window_bounds = array<i64: 400, 128>}, {pipeline_mode = #tpu.pipeline_mode<synchronous>, transform_indices = @transform_1, window_bounds = array<i64: 128, 128>}, {pipeline_mode = #tpu.pipeline_mode<synchronous>, transform_indices = @transform_2, window_bounds = array<i64: 128, 128>}, {transform_indices = @transform_3, window_bounds = array<i64: 400, 128>}, {transform_indices = @transform_4, window_bounds = array<i64: 400, 128>}, {transform_indices = @transform_5, window_bounds = array<i64: 400, 128>}]} {
    %get3A = arith.constant 0 : index
    %get3A_0 = arith.constant 0 : index
    %get3A_1 = vector.load %arg4[%get3A, %get3A_0] : memref<400x128xf32, #tpu.memory_space<vmem>>, vector<400x128xf32>
    %get3A_2 = arith.constant 0 : index
    %get3A_3 = arith.constant 0 : index
    %get3A_4 = vector.load %arg5[%get3A_2, %get3A_3] : memref<400x128xf32, #tpu.memory_space<vmem>>, vector<400x128xf32>
    %add3A = arith.addf %get3A_1, %get3A_4 : vector<400x128xf32>
    %get3A_5 = arith.constant 0 : index
    %get3A_6 = arith.constant 0 : index
    %get3A_7 = vector.load %arg1[%get3A_5, %get3A_6] : memref<400x128xf32, #tpu.memory_space<vmem>>, vector<400x128xf32>
    %get3A_8 = arith.constant 0 : index
    %get3A_9 = arith.constant 0 : index
    %get3A_10 = vector.load %arg2[%get3A_8, %get3A_9] : memref<128x128xf32, #tpu.memory_space<vmem>>, vector<128x128xf32>
    %dot_general3A = arith.constant dense<0.000000e+00> : vector<400x128xf32>
    %dot_general3A_11 = tpu.matmul %get3A_7, %get3A_10, %dot_general3A {dimension_numbers = #tpu.dot_dimension_numbers<[1], [0], [0], [1], [0, 0, 1, 1], [], []>, transpose_lhs_hint = false} : vector<400x128xf32>, vector<128x128xf32>, vector<400x128xf32> -> vector<400x128xf32>
    %get3A_12 = arith.constant 0 : index
    %get3A_13 = arith.constant 0 : index
    %get3A_14 = vector.load %arg3[%get3A_12, %get3A_13] : memref<128x128xf32, #tpu.memory_space<vmem>>, vector<128x128xf32>
    %dot_general3A_15 = arith.constant dense<0.000000e+00> : vector<400x128xf32>
    %dot_general3A_16 = tpu.matmul %add3A, %get3A_14, %dot_general3A_15 {dimension_numbers = #tpu.dot_dimension_numbers<[1], [0], [0], [1], [0, 0, 1, 1], [], []>, transpose_lhs_hint = false} : vector<400x128xf32>, vector<128x128xf32>, vector<400x128xf32> -> vector<400x128xf32>
    %add3A_17 = arith.addf %dot_general3A_11, %dot_general3A_16 : vector<400x128xf32>
    %max3A = arith.constant 0.000000e+00 : f32
    %max3A_18 = vector.broadcast %max3A : f32 to vector<400x128xf32>
    %max3A_19 = arith.maximumf %add3A_17, %max3A_18 : vector<400x128xf32>
    %swap3A = arith.constant 0 : index
    %swap3A_20 = arith.constant 0 : index
    %swap3A_21 = vector.load %arg6[%swap3A, %swap3A_20] : memref<400x128xf32, #tpu.memory_space<vmem>>, vector<400x128xf32>
    tpu.vector_store %arg6[%swap3A, %swap3A_20], %max3A_19 {strides = array<i32>} : memref<400x128xf32, #tpu.memory_space<vmem>>, vector<400x128xf32>,
    return
  }
  func.func @transform_0(%arg0: i32) -> (i32, i32) {
    %c0_i32 = arith.constant 0 : i32
    %c0_i32_0 = arith.constant 0 : i32
    return %arg0, %c0_i32 : i32, i32
  }
  func.func @transform_1(%arg0: i32) -> (i32, i32) {
    %c0_i32 = arith.constant 0 : i32
    %c0_i32_0 = arith.constant 0 : i32
    %c0_i32_1 = arith.constant 0 : i32
    return %c0_i32, %c0_i32_0 : i32, i32
  }
  func.func @transform_2(%arg0: i32) -> (i32, i32) {
    %c0_i32 = arith.constant 0 : i32
    %c0_i32_0 = arith.constant 0 : i32
    %c0_i32_1 = arith.constant 0 : i32
    return %c0_i32, %c0_i32_0 : i32, i32
  }
  func.func @transform_3(%arg0: i32) -> (i32, i32) {
    %c0_i32 = arith.constant 0 : i32
    %c0_i32_0 = arith.constant 0 : i32
    return %arg0, %c0_i32 : i32, i32
  }
  func.func @transform_4(%arg0: i32) -> (i32, i32) {
    %c0_i32 = arith.constant 0 : i32
    %c0_i32_0 = arith.constant 0 : i32
    return %arg0, %c0_i32 : i32, i32
  }
  func.func @transform_5(%arg0: i32) -> (i32, i32) {
    %c0_i32 = arith.constant 0 : i32
    %c0_i32_0 = arith.constant 0 : i32
    return %arg0, %c0_i32 : i32, i32
  }
}

</mosaic_0001>

<sc_bundles>
// kernel: kernel.4.cloned.1.call-start
scs
__scs_entry_jumppad:
0x0: {  	(pc) =	sbr.rel $0x88, $3  }
0x1: {  	(tag) =	ssettag $0x0;
	lr =	simm.s32 $0x1  }
0x2: {  	[smem:$0x3F9C] =	sst lr;
	_ =	strace $0xD0000000  }
0x3: {  	_ = 	snop  }
0x4: {  	_ = 	snop  }
0x5: {  	_ = 	snop  }
0x6: {  	_ = 	snop  }
0x7: {  	_ = 	snop  }
__scs_overlays_trampoline_lowered:
0x8: {  	[smem:$0x3FAB] =	sst s0  }
0x9: {  	[smem:$0x3FAC] =	sst s1  }
0xa: {  	[smem:$0x3FAD] =	sst s2  }
0xb: {  	[smem:$0x3FAE] =	sst s3  }
0xc: {  	[smem:$0x3FAF] =	sst s4  }
0xd: {  	[smem:$0x3FB0] =	sst s5  }
0xe: {  	[smem:$0x3FB1] =	sst s6  }
0xf: {  	[smem:$0x3FB2] =	sst s7  }
0x10: {  	[smem:$0x3FB3] =	sst s8  }
0x11: {  	[smem:$0x3FB4] =	sst s9;
	s0 =	simm.s32 @!p0 $0x0  }
0x12: {  	s1 =	sld [smem:$0x3F9A];
	s0 =	simm.s32 @p0 $0x1  }
0x13: {  	[smem:$0x3FB5] =	sst s0;
	s0 =	simm.s32 @!p1 $0x0  }
0x14: {  	s2 =	sld [smem:$0x3F99];
	s0 =	simm.s32 @p1 $0x1  }
0x15: {  	[smem:$0x3FB6] =	sst s0;
	s0 =	simm.s32 @!p2 $0x0  }
0x16: {  	s3 =	sld [smem:$0x3FDB];
	s0 =	simm.s32 @p2 $0x1  }
0x17: {  	s4 =	simm.s32 $0x1BF5;
	[smem:$0x3FB8] =	sst s0  }
0x18: {  	s0 =	sld [smem:$0x3F9B];
	_ =	swait.ge [sflag:s4], $0x0  }
0x19: {  	s7 =	sld [smem:$0x3F9C]  }
0x1a: {  	s8 =	sadd.s32 $0xFFFFE003, lr  }
0x1b: {  	s9 =	sadd.s32 $0xFFFFFEF7, lr;
	s5 =	simm.s32 $0xFFFFFFFF;
	p2 =	slt.u32 s8, $0xFFFFF086  }
0x1c: {  	p1 =	slt.u32 s9, $0xF7A;
	s5 =	simm.s32 @!p2 $0x0  }
0x1d: {  	s5 =	simm.s32 @p1 $0x1;
	p0 =	seq.s32 s7, s2  }
0x1e: {  	s7 =	smul.u32 @!p0 $0xF7A, s2;
	p2 =	seq.s32 @!p0 s5, $0x0  }
0x1f: {  	s9 =	smul.u32 $0xF7A, s1;
	s8 =	simm.s32 @!p0 $0x1BF5;
	p2 =	por !p2, p0  }
0x20: {  	[sflag:s8] =	ssyncset.s32 @!p0 $0xFFFFF086;
	s6 =	sadd.s32 @!p0 s3, s7;
	s7 =	simm.s32 @!p0 $0x108  }
0x21: {  	s3 =	sadd.s32 s3, s9;
	s6 =	sadd.s32 @!p0 $0x88, s6;
	s7 =	simm.s32 @p2 $0x1082  }
0x22: {  	[simem:s7], [sflag:s8] =	dma.local @!p0 [hbm:s6], $0xF7A  }
0x23: {  	s9 =	sor.u32 $0xD0000000, s2;
	s6 =	simm.s32 $0x108;
	_ =	swait.ge @!p0 [sflag:s8], $0x0  }
0x24: {  	s3 =	sadd.s32 $0x88, s3;
	s6 =	simm.s32 @!p1 $0x1082;
	[sflag:s4] =	ssyncset.s32 $0xFFFFF086  }
0x25: {  	[simem:s6], [sflag:s4] =	dma.local [hbm:s3], $0xF7A  }
0x26: {  	[smem:$0x3F9C] =	sst s1;
	(tag) =	ssettag s2;
	_ =	strace s9  }
0x27: {  	s1 =	sld [smem:$0x3FAC]  }
0x28: {  	s2 =	sld [smem:$0x3FAD]  }
0x29: {  	s4 =	sld [smem:$0x3FAF]  }
0x2a: {  	p0 =	seq.s32 s5, $0x0;
	s5 =	sld [smem:$0x3FB0]  }
0x2b: {  	s6 =	sld [smem:$0x3FB1]  }
0x2c: {  	s7 =	sld [smem:$0x3FB2]  }
0x2d: {  	s3 =	simm.s32 $0x108;
	s8 =	sld [smem:$0x3FB3]  }
0x2e: {  	s3 =	simm.s32 @!p0 $0x1082;
	s9 =	sld [smem:$0x3FB4]  }
0x2f: {  	lr =	sadd.s32 s0, s3;
	s0 =	sld [smem:$0x3FAB]  }
0x30: {  	s3 =	sld [smem:$0x3FAE]  }
0x31: {  	[smem:$0x3FB7] =	sst s10  }
0x32: {  	s10 =	sld [smem:$0x3FB5];
	_ =	sdelay $0x3  }
0x33: {  	p0 =	seq.s32 s10, $0x1;
	s10 =	sld [smem:$0x3FB7];
	_ =	sdelay $0x3  }
0x34: {  	[smem:$0x3FB7] =	sst s10  }
0x35: {  	s10 =	sld [smem:$0x3FB6];
	_ =	sdelay $0x3  }
0x36: {  	p1 =	seq.s32 s10, $0x1;
	s10 =	sld [smem:$0x3FB7];
	_ =	sdelay $0x3  }
0x37: {  	[smem:$0x3FB7] =	sst s10  }
0x38: {  	s10 =	sld [smem:$0x3FB8]  }
0x39: {  	_ = 	snop;
	(pc) =	sbr.ind lr, $3  }
0x3a: {  	_ = 	snop  }
0x3b: {  	_ = 	snop  }
0x3c: {  	p2 =	seq.s32 s10, $0x1;
	s10 =	sld [smem:$0x3FB7]  }
0x3d: {  	_ =	shalt  }
0x3e: {  	_ =	shalt  }
0x3f: {  	_ =	shalt  }
0x40: {  	_ =	shalt  }
0x41: {  	_ =	shalt  }
0x42: {  	_ =	shalt  }
0x43: {  	_ =	shalt  }
0x44: {  	_ =	shalt  }
0x45: {  	_ =	shalt  }
0x46: {  	_ =	shalt  }
0x47: {  	_ =	shalt  }
0x48: {  	_ =	shalt  }
0x49: {  	_ =	shalt  }
0x4a: {  	_ =	shalt  }
0x4b: {  	_ =	shalt  }
0x4c: {  	_ =	shalt  }
0x4d: {  	_ =	shalt  }
0x4e: {  	_ =	shalt  }
0x4f: {  	_ =	shalt  }
0x50: {  	_ =	shalt  }
0x51: {  	_ =	shalt  }
0x52: {  	_ =	shalt  }
0x53: {  	_ =	shalt  }
0x54: {  	_ =	shalt  }
0x55: {  	_ =	shalt  }
0x56: {  	_ =	shalt  }
0x57: {  	_ =	shalt  }
0x58: {  	_ =	shalt  }
0x59: {  	_ =	shalt  }
0x5a: {  	_ =	shalt  }
0x5b: {  	_ =	shalt  }
0x5c: {  	_ =	shalt  }
0x5d: {  	_ =	shalt  }
0x5e: {  	_ =	shalt  }
0x5f: {  	_ =	shalt  }
0x60: {  	_ =	shalt  }
0x61: {  	_ =	shalt  }
0x62: {  	_ =	shalt  }
0x63: {  	_ =	shalt  }
0x64: {  	_ =	shalt  }
0x65: {  	_ =	shalt  }
0x66: {  	_ =	shalt  }
0x67: {  	_ =	shalt  }
0x68: {  	_ =	shalt  }
0x69: {  	_ =	shalt  }
0x6a: {  	_ =	shalt  }
0x6b: {  	_ =	shalt  }
0x6c: {  	_ =	shalt  }
0x6d: {  	_ =	shalt  }
0x6e: {  	_ =	shalt  }
0x6f: {  	_ =	shalt  }
0x70: {  	_ =	shalt  }
0x71: {  	_ =	shalt  }
0x72: {  	_ =	shalt  }
0x73: {  	_ =	shalt  }
0x74: {  	_ =	shalt  }
0x75: {  	_ =	shalt  }
0x76: {  	_ =	shalt  }
0x77: {  	_ =	shalt  }
0x78: {  	_ =	shalt  }
0x79: {  	_ =	shalt  }
0x7a: {  	_ =	shalt  }
0x7b: {  	_ =	shalt  }
0x7c: {  	_ =	shalt  }
0x7d: {  	_ =	shalt  }
0x7e: {  	_ =	shalt  }
0x7f: {  	_ =	shalt  }
0x80: {  	_ =	shalt  }
0x81: {  	_ =	shalt  }
0x82: {  	_ =	shalt  }
0x83: {  	_ =	shalt  }
0x84: {  	_ =	shalt  }
0x85: {  	_ =	shalt  }
0x86: {  	_ =	shalt  }
0x87: {  	_ =	shalt  }
.Lfunc_end0:
.L_simem_size_0:
called_computation_lowered:
.L_overlay_start_0:
0x88: {  	s2 =	sld [smem:$0x3FD9]  }
0x89: {  	s3 =	sld [smem:$0x3FFE];
	_ =	sdelay $0x1  }
0x8a: {  	s1 =	srdreg.scid  }
0x8b: {  	s0 =	sand.u32 $0x1, s1  }
0x8c: {  	s17 =	sshll.u32 s0, $0xA;
	s2 =	sadd.s32 s3, s2  }
0x8d: {  	s2 =	sadd.s32 s2, s17  }
0x8e: {  	[smem:$0x3FC3] =	sst s2  }
0x8f: {  	_ = 	snop  }
0x90: {  	s2 =	sld [smem:$0x3FC7];
	(tm) =	ssettm $0x1  }
0x91: {  	s18 =	sld [smem:$0x3FFB];
	_ =	sdelay $0x3  }
0x92: {  	_ =	strace s18  }
0x93: {  	s3 =	sld [smem:$0x3FFC];
	_ =	sdelay $0x3  }
0x94: {  	_ =	strace s3  }
0x95: {  	s3 =	sld [smem:$0x3FFD];
	_ =	sdelay $0x3  }
0x96: {  	_ =	strace s3  }
0x97: {  	_ =	strace $0x8FFFFFFF  }
0x98: {  	s19 =	sld [smem:$0x3FDB];
	_ =	sdelay $0x1  }
0x99: {  	s4 =	simm.s32 $_scs_section_size  }
0x9a: {  	s5 =	simm.s32 $_size__tile_overlayer_lowered;
	s6 =	simm.s32 $_tile_overlayer_lowered  }
0x9b: {  	s22 =	simm.s32 $0x1BFF;
	s21 =	sshll.u32 s6, $0x1;
	s3 =	sadd.s32 s4, s19  }
0x9c: {  	s7 =	simm.s32 $0x0;
	s20 =	sshll.u32 s5, $0x1;
	s5 =	sadd.s32 s21, s3  }
0x9d: {  	[timem:s7], [sflag:s22] =	dma.local [hbm:s5], s20  }
0x9e: {  	_ =	swait.ge [sflag:s22], s20  }
0x9f: {  	s4 =	ssub.s32 $0x0, s20;
	[sflag:s22] =	ssyncset.done $0x0  }
0xa0: {  	[sflag:s22] =	ssyncadd.s32 s4;
	_ =	sdelay $0x1  }
0xa1: {  	s23 =	simm.s32 $0x1B8B  }
0xa2: {  	_ =	swait.ge [sflag:s23], $0x1  }
0xa3: {  	[sflag:s23] =	ssyncset.done $0x0  }
0xa4: {  	s25 =	simm.s32 $0x1B8E;
	s24 =	sld [smem:$0x3FFE];
	[sflag:s23] =	ssyncadd.s32 $0xFFFFFFFF  }
0xa5: {  	s26 =	simm.s32 $execute0_lowered;
	[smem:$0x3FD2] =	sst s25  }
0xa6: {  	s5 =	sshll.u32 s26, $0x1;
	_ =	strace $0x80000046;
	[dreg:$0x1] =	wrdreg $0xFFFFFFFF  }
0xa7: {  	s28 =	simm.s32 $_size_execute0_lowered;
	s3 =	sadd.s32 s3, s5;
	[dreg:$0x0] =	wrdreg $0x0  }
0xa8: {  	s5 =	sshll.u32 s28, $0x1;
	[dreg:$0x2] =	wrdreg s3  }
0xa9: {  	[dreg:$0x3] =	wrdreg s5  }
0xaa: {  	[dreg:$0x4] =	wrdreg $0xC0  }
0xab: {  	_ =	task [dreg:s7], $0x5FFFF  }
0xac: {  	[dreg:$0x1] =	wrdreg $0xFFFFFFFF  }
0xad: {  	[dreg:$0x0] =	wrdreg $0x60  }
0xae: {  	[dreg:$0x2] =	wrdreg s24  }
0xaf: {  	[dreg:$0x3] =	wrdreg s2  }
0xb0: {  	[dreg:$0x4] =	wrdreg $0xAC000  }
0xb1: {  	[dreg:$0x5] =	wrdreg $0x9  }
0xb2: {  	_ =	task.clear_ibuf [dreg:s7], $0x6FFFF;
	_ =	strace $0x90000046  }
0xb3: {  	s29 =	simm.s32 $0x9;
	_ =	strace $0x80000048  }
0xb4: {  	_ =	swait.ge [sflag:s29], $0x1  }
0xb5: {  	[sflag:s29] =	ssyncadd.s32 $0xFFFFFFFF  }
0xb6: {  	_ =	strace $0x90000048  }
0xb7: {  	_ =	sfence  }
0xb8: {  	s30 =	sld [smem:$0x0];
	_ =	sdelay $0x2  }
0xb9: {  	s31 =	sshll.u32 s1, $0xD;
	s1 =	sshrl.u32 s1, $0x2  }
0xba: {  	s3 =	sand.u32 $0x4000, s31;
	s1 =	sadd.s32 s1, s30  }
0xbb: {  	s0 =	sor.u32 s3, s0;
	s1 =	sshll.u32 s1, $0x11  }
0xbc: {  	s0 =	sor.u32 s1, s0  }
0xbd: {  	s0 =	sadd.s32 $0x8F2B, s0  }
0xbe: {  	[sflag:s0] =	ssyncadd.remote.s32 $0x1  }
0xbf: {  	_ =	sfence.sel $0xFFFF  }
0xc0: {  	[dreg:$0x0] =	wrdreg $0xFFFFFFFF;
	(pc) =	sbr.abs _section_cstart, $3  }
0xc1: {  	[dreg:$0x1] =	wrdreg $0xFFFFFFFF  }
0xc2: {  	_ =	task.clear_ibuf [dreg:s7], $0x2FFFF;
	_ =	strace $0x9FFFFFFF  }
0xc3: {  	(tm) =	ssettm $0x7FFFFFFF  }
tec
execute0_lowered:
.L_overlay_start_1:
0x0: {  	(tag) =	ssettag $0x1  }
0x1: {  	s16 =	stileid.u32  }
0x2: {  	s0 =	srdreg.scid;
	s1 =	smul.u32 $0xFC, s16  }
0x3: {  	s4 =	sand.u32 $0x1, s0;
	s0 =	smul.u32 $0x178, s16  }
0x4: {  	s5 =	rddreg [dreg:$0x0];
	s3 =	simm.s32 $0x0;
	s7 =	smul.u32 $0x14000, s16  }
0x5: {  	s31 =	simm.s32 $0x8400;
	s16 =	smul.u32 $0x50000, s16;
	[smem:$0x7FF] =	sst s3  }
0x6: {  	p0 =	seq.s32 s4, $0x0;
	s6 =	smul.u32 $0x140000, s4;
	s4 =	ssub.s32 $0x2, s4  }
0x7: {  	s2 =	sadd.s32 $0x1780, s1;
	s1 =	rddreg [dreg:$0x1];
	s9 =	sshrl.u32 s4, $0x1  }
0x8: {  	s10 =	sor.u32 $0x2000, s7;
	s30 =	sadd.s32 $0x4000, s7;
	s11 =	sadd.s32 $0x6000, s7  }
0x9: {  	s13 =	sadd.s32 $0x8000, s7;
	s22 =	sadd.s32 $0xA000, s7;
	s14 =	sadd.s32 $0xC000, s7  }
0xa: {  	s24 =	sshrl.u32 s16, $0x2;
	s2 =	smov.u32 @p0 s0;
	s8 =	sadd.s32 s6, s7  }
0xb: {  	s4 =	ssub.s32 s4, s9;
	s26 =	sadd.s32 s6, s10;
	s19 =	sadd.s32 s6, s30  }
0xc: {  	s12 =	sadd.s32 s6, s11;
	s21 =	sadd.s32 s6, s13;
	s17 =	sadd.s32 s6, s22  }
0xd: {  	s15 =	sadd.s32 s6, s14;
	s9 =	simm.s32 $0x1;
	s0 =	sshll.u32 s2, $0x5  }
0xe: {  	s2 =	rddreg [dreg:$0x2];
	s8 =	sshrl.u32 s8, $0x3;
	s12 =	sshrl.u32 s12, $0x3  }
0xf: {  	s15 =	sshrl.u32 s15, $0x3;
	s4 =	smax.u32 s4, $0x1;
	s0 =	sadd.s32 s0, s5  }
0x10: {  	s5 =	sadd.s32 $0x4FC00, s5;
	s16 =	sadd.s32 s24, s2;
	s25 =	sadd.s32 s10, s2  }
0x11: {  	s22 =	sadd.s32 s22, s2;
	s10 =	simm.s32 $0x300;
	s8 =	sadd.s32 s5, s8  }
0x12: {  	s20 =	sadd.s32 s5, s12;
	s18 =	sadd.s32 s5, s15;
	[dreg:$0x4] =	wrdreg s8  }
0x13: {  	s28 =	sadd.s32 $0x1400, s0;
	s8 =	sshrl.u32 s26, $0x3;
	[dreg:$0x7] =	wrdreg s20  }
0x14: {  	s29 =	sadd.s32 $0x1420, s0;
	[dreg:$0xa] =	wrdreg s18;
	s8 =	sadd.s32 s5, s8  }
0x15: {  	s12 =	simm.s32 $0x3;
	[dreg:$0x5] =	wrdreg s8;
	s8 =	sshrl.u32 s19, $0x3  }
0x16: {  	s20 =	sadd.s32 $0x10000, s7;
	s26 =	sadd.s32 s30, s2;
	s8 =	sadd.s32 s5, s8  }
0x17: {  	s30 =	sadd.s32 s11, s2;
	[dreg:$0x6] =	wrdreg s8;
	s8 =	sshrl.u32 s21, $0x3  }
0x18: {  	s18 =	sadd.s32 $0x1460, s0;
	s0 =	simm.s32 $0x80;
	s8 =	sadd.s32 s5, s8  }
0x19: {  	[dreg:$0x8] =	wrdreg s8;
	s8 =	sshrl.u32 s17, $0x3;
	s17 =	sadd.s32 $0xE000, s7  }
0x1a: {  	s11 =	simm.s32 $0x2;
	s8 =	sadd.s32 s5, s8;
	s19 =	sadd.s32 s6, s17  }
0x1b: {  	s23 =	sadd.s32 s6, s20;
	[dreg:$0x9] =	wrdreg s8;
	s8 =	sshrl.u32 s19, $0x3  }
0x1c: {  	s21 =	sadd.s32 s13, s2;
	s7 =	sadd.s32 $0x12000, s7;
	s8 =	sadd.s32 s5, s8  }
0x1d: {  	s6 =	sadd.s32 s6, s7;
	[dreg:$0xb] =	wrdreg s8;
	s8 =	sshrl.u32 s23, $0x3  }
0x1e: {  	s13 =	simm.s32 $0x380;
	s6 =	sshrl.u32 s6, $0x3;
	s8 =	sadd.s32 s5, s8  }
0x1f: {  	s24 =	sadd.s32 s17, s2;
	s5 =	sadd.s32 s5, s6;
	[dreg:$0xc] =	wrdreg s8  }
0x20: {  	s17 =	simm.s32 $0x0;
	s19 =	simm.s32 $0xBB;
	[dreg:$0xd] =	wrdreg s5  }
0x21: {  	s19 =	simm.s32 @!p0 $0x7D;
	_ =	strace $0x80000047;
	[dreg:$0xe] =	wrdreg s4  }
0x22: {  	s23 =	sadd.s32 s14, s2;
	s14 =	simm.s32 $0x8C00;
	[dreg:$0xf] =	wrdreg s25  }
0x23: {  	s6 =	simm.s32 $0x100;
	s5 =	simm.s32 $0x400;
	[dreg:$0x10] =	wrdreg s26  }
0x24: {  	s8 =	simm.s32 $0x4400;
	[dreg:$0x11] =	wrdreg s30;
	s25 =	sadd.s32 s20, s2  }
0x25: {  	v0 =	vimm.f32 $0.0e+00;
	s26 =	sadd.s32 s7, s2;
	s4 =	simm.s32 $0x200;
	s7 =	simm.s32 $0x280  }
.LBB2_1:
0x26: {  	[tilespmem:$0x8400] =	vst v0  }
0x27: {  	[tilespmem:$0x8410] =	vst v0  }
0x28: {  	[tilespmem:$0x8420] =	vst v0  }
0x29: {  	[tilespmem:$0x8430] =	vst v0  }
0x2a: {  	[tilespmem:$0x8440] =	vst v0  }
0x2b: {  	[tilespmem:$0x8450] =	vst v0  }
0x2c: {  	[tilespmem:$0x8460] =	vst v0  }
0x2d: {  	[tilespmem:$0x8470] =	vst v0  }
0x2e: {  	[tilespmem:$0x8480] =	vst v0  }
0x2f: {  	[tilespmem:$0x8490] =	vst v0  }
0x30: {  	[tilespmem:$0x84A0] =	vst v0  }
0x31: {  	[tilespmem:$0x84B0] =	vst v0  }
0x32: {  	[tilespmem:$0x84C0] =	vst v0  }
0x33: {  	[tilespmem:$0x84D0] =	vst v0  }
0x34: {  	[tilespmem:$0x84E0] =	vst v0  }
0x35: {  	[tilespmem:$0x84F0] =	vst v0  }
0x36: {  	[tilespmem:$0x8500] =	vst v0  }
0x37: {  	[tilespmem:$0x8510] =	vst v0  }
0x38: {  	[tilespmem:$0x8520] =	vst v0  }
0x39: {  	[tilespmem:$0x8530] =	vst v0  }
0x3a: {  	[tilespmem:$0x8540] =	vst v0  }
0x3b: {  	[tilespmem:$0x8550] =	vst v0  }
0x3c: {  	[tilespmem:$0x8560] =	vst v0  }
0x3d: {  	[tilespmem:$0x8570] =	vst v0  }
0x3e: {  	[tilespmem:$0x8580] =	vst v0  }
0x3f: {  	[tilespmem:$0x8590] =	vst v0  }
0x40: {  	[tilespmem:$0x85A0] =	vst v0  }
0x41: {  	[tilespmem:$0x85B0] =	vst v0  }
0x42: {  	[tilespmem:$0x85C0] =	vst v0  }
0x43: {  	[tilespmem:$0x85D0] =	vst v0  }
0x44: {  	[tilespmem:$0x85E0] =	vst v0  }
0x45: {  	[tilespmem:$0x85F0] =	vst v0  }
0x46: {  	[tilespmem:$0x8600] =	vst v0  }
0x47: {  	[tilespmem:$0x8610] =	vst v0  }
0x48: {  	[tilespmem:$0x8620] =	vst v0  }
0x49: {  	[tilespmem:$0x8630] =	vst v0  }
0x4a: {  	[tilespmem:$0x8640] =	vst v0  }
0x4b: {  	[tilespmem:$0x8650] =	vst v0  }
0x4c: {  	[tilespmem:$0x8660] =	vst v0  }
0x4d: {  	[tilespmem:$0x8670] =	vst v0  }
0x4e: {  	[tilespmem:$0x8680] =	vst v0  }
0x4f: {  	[tilespmem:$0x8690] =	vst v0  }
0x50: {  	[tilespmem:$0x86A0] =	vst v0  }
0x51: {  	[tilespmem:$0x86B0] =	vst v0  }
0x52: {  	[tilespmem:$0x86C0] =	vst v0  }
0x53: {  	[tilespmem:$0x86D0] =	vst v0  }
0x54: {  	[tilespmem:$0x86E0] =	vst v0  }
0x55: {  	[tilespmem:$0x86F0] =	vst v0  }
0x56: {  	[tilespmem:$0x8700] =	vst v0  }
0x57: {  	[tilespmem:$0x8710] =	vst v0  }
0x58: {  	[tilespmem:$0x8720] =	vst v0  }
0x59: {  	[tilespmem:$0x8730] =	vst v0  }
0x5a: {  	[tilespmem:$0x8740] =	vst v0  }
0x5b: {  	[tilespmem:$0x8750] =	vst v0  }
0x5c: {  	[tilespmem:$0x8760] =	vst v0  }
0x5d: {  	[tilespmem:$0x8770] =	vst v0  }
0x5e: {  	[tilespmem:$0x8780] =	vst v0  }
0x5f: {  	[tilespmem:$0x8790] =	vst v0  }
0x60: {  	[tilespmem:$0x87A0] =	vst v0  }
0x61: {  	[tilespmem:$0x87B0] =	vst v0  }
0x62: {  	[tilespmem:$0x87C0] =	vst v0  }
0x63: {  	[tilespmem:$0x87D0] =	vst v0  }
0x64: {  	[tilespmem:$0x87E0] =	vst v0  }
0x65: {  	[tilespmem:$0x87F0] =	vst v0  }
0x66: {  	[tilespmem:$0x8800] =	vst v0  }
0x67: {  	[tilespmem:$0x8810] =	vst v0  }
0x68: {  	[tilespmem:$0x8820] =	vst v0  }
0x69: {  	[tilespmem:$0x8830] =	vst v0  }
0x6a: {  	[tilespmem:$0x8840] =	vst v0  }
0x6b: {  	[tilespmem:$0x8850] =	vst v0  }
0x6c: {  	[tilespmem:$0x8860] =	vst v0  }
0x6d: {  	[tilespmem:$0x8870] =	vst v0  }
0x6e: {  	[tilespmem:$0x8880] =	vst v0  }
0x6f: {  	[tilespmem:$0x8890] =	vst v0  }
0x70: {  	[tilespmem:$0x88A0] =	vst v0  }
0x71: {  	[tilespmem:$0x88B0] =	vst v0  }
0x72: {  	[tilespmem:$0x88C0] =	vst v0  }
0x73: {  	[tilespmem:$0x88D0] =	vst v0  }
0x74: {  	[tilespmem:$0x88E0] =	vst v0  }
0x75: {  	[tilespmem:$0x88F0] =	vst v0  }
0x76: {  	[tilespmem:$0x8900] =	vst v0  }
0x77: {  	[tilespmem:$0x8910] =	vst v0  }
0x78: {  	[tilespmem:$0x8920] =	vst v0  }
0x79: {  	[tilespmem:$0x8930] =	vst v0  }
0x7a: {  	[tilespmem:$0x8940] =	vst v0  }
0x7b: {  	[tilespmem:$0x8950] =	vst v0  }
0x7c: {  	[tilespmem:$0x8960] =	vst v0  }
0x7d: {  	[tilespmem:$0x8970] =	vst v0  }
0x7e: {  	[tilespmem:$0x8980] =	vst v0  }
0x7f: {  	[tilespmem:$0x8990] =	vst v0  }
0x80: {  	[tilespmem:$0x89A0] =	vst v0  }
0x81: {  	[tilespmem:$0x89B0] =	vst v0  }
0x82: {  	[tilespmem:$0x89C0] =	vst v0  }
0x83: {  	[tilespmem:$0x89D0] =	vst v0  }
0x84: {  	[tilespmem:$0x89E0] =	vst v0  }
0x85: {  	[tilespmem:$0x89F0] =	vst v0  }
0x86: {  	[tilespmem:$0x8A00] =	vst v0  }
0x87: {  	[tilespmem:$0x8A10] =	vst v0  }
0x88: {  	[tilespmem:$0x8A20] =	vst v0  }
0x89: {  	[tilespmem:$0x8A30] =	vst v0  }
0x8a: {  	[tilespmem:$0x8A40] =	vst v0  }
0x8b: {  	[tilespmem:$0x8A50] =	vst v0  }
0x8c: {  	[tilespmem:$0x8A60] =	vst v0  }
0x8d: {  	[tilespmem:$0x8A70] =	vst v0  }
0x8e: {  	[tilespmem:$0x8A80] =	vst v0  }
0x8f: {  	[tilespmem:$0x8A90] =	vst v0  }
0x90: {  	[tilespmem:$0x8AA0] =	vst v0  }
0x91: {  	[tilespmem:$0x8AB0] =	vst v0  }
0x92: {  	[tilespmem:$0x8AC0] =	vst v0  }
0x93: {  	[tilespmem:$0x8AD0] =	vst v0  }
0x94: {  	[tilespmem:$0x8AE0] =	vst v0  }
0x95: {  	[tilespmem:$0x8AF0] =	vst v0  }
0x96: {  	[tilespmem:$0x8B00] =	vst v0  }
0x97: {  	[tilespmem:$0x8B10] =	vst v0  }
0x98: {  	[tilespmem:$0x8B20] =	vst v0  }
0x99: {  	[tilespmem:$0x8B30] =	vst v0  }
0x9a: {  	[tilespmem:$0x8B40] =	vst v0  }
0x9b: {  	[tilespmem:$0x8B50] =	vst v0  }
0x9c: {  	[tilespmem:$0x8B60] =	vst v0  }
0x9d: {  	[tilespmem:$0x8B70] =	vst v0  }
0x9e: {  	[tilespmem:$0x8B80] =	vst v0  }
0x9f: {  	[tilespmem:$0x8B90] =	vst v0  }
0xa0: {  	[tilespmem:$0x8BA0] =	vst v0  }
0xa1: {  	[tilespmem:$0x8BB0] =	vst v0  }
0xa2: {  	[tilespmem:$0x8BC0] =	vst v0  }
0xa3: {  	[tilespmem:$0x8BD0] =	vst v0  }
0xa4: {  	[tilespmem:$0x8BE0] =	vst v0  }
0xa5: {  	[tilespmem:$0x8BF0] =	vst v0;
	s15 =	sadd.s32 $0x0, s16  }
0xa6: {  	[spmem:s15] =	stream.linear.scatter [tilespmem:s31], [sflag:$0x3], $0x800, $0x38;
	[tilespmem:$0x1EC00] =	vst v63  }
0xa7: {  	s15 =	simm.s32 $0x2000;
	_ =	swait.ge [sflag:s12], $0x800  }
.LBB2_2:
0xa8: {  	s30 =	sshra.s32 s15, $0x2;
	[sflag:s12] =	ssyncset.done $0x0;
	p0 =	sne.s32 s15, $0x4E000  }
.Ltmp0:
0xa9: {  	s30 =	sadd.s32 s30, s16;
	[sflag:s12] =	ssyncadd.s32 $0xFFFFF800;
	(pc) =	sbr.rel @p0 .LBB2_2-.Ltmp0, $3  }
0xaa: {  	[spmem:s30] =	stream.linear.scatter [tilespmem:s31], [sflag:$0x3], $0x800, $0x38;
	[tilespmem:$0x1EC00] =	vst v63  }
0xab: {  	s15 =	sadd.s32 $0x2000, s15;
	_ =	sdelay $0x1  }
0xac: {  	_ =	swait.ge [sflag:s12], $0x800  }
0xad: {  	[sflag:s12] =	ssyncset.done $0x0  }
0xae: {  	[sflag:s12] =	ssyncadd.s32 $0xFFFFF800  }
0xaf: {  	[bflag:$0x0] =	sbarrier.arrive $0xFFFF  }
0xb0: {  	[tilespmem:s3], [sflag:$0x3] =	stream.linear.gather [hbm4b:s28+s3], $0x100, $0x38;
	[tilespmem:$0x1EC00] =	vst v63  }
0xb1: {  	_ =	swait.ge [sflag:s12], $0x100  }
0xb2: {  	[sflag:s12] =	ssyncset.done $0x0  }
0xb3: {  	[sflag:s12] =	ssyncadd.s32 $0xFFFFFF00  }
0xb4: {  	v1 =	vld [tilespmem:$0x0]  }
0xb5: {  	v2 =	vld [tilespmem:$0x80]  }
0xb6: {  	v3 =	vld [tilespmem:$0x10]  }
0xb7: {  	v4 =	vld [tilespmem:$0x90]  }
0xb8: {  	v5 =	vld [tilespmem:$0x20]  }
0xb9: {  	[tilespmem:$0x200] =	vst v1;
	v1 =	vld [tilespmem:$0xA0]  }
0xba: {  	v54 =	vld [tilespmem:$0x40];
	[tilespmem:$0x300] =	vst v2  }
0xbb: {  	v55 =	vld [tilespmem:$0xC0];
	[tilespmem:$0x210] =	vst v3  }
0xbc: {  	v2 =	vld [tilespmem:$0x30];
	[tilespmem:$0x310] =	vst v4  }
0xbd: {  	v3 =	vld [tilespmem:$0xB0];
	[tilespmem:$0x220] =	vst v5  }
0xbe: {  	[tilespmem:$0x320] =	vst v1;
	v1 =	vld [tilespmem:$0x50]  }
0xbf: {  	v56 =	vld [tilespmem:$0xE0];
	[tilespmem:$0x240] =	vst v54  }
0xc0: {  	v57 =	vld [tilespmem:$0x70];
	[tilespmem:$0x340] =	vst v55  }
0xc1: {  	[tilespmem:$0x230] =	vst v2;
	v2 =	vld [tilespmem:$0xD0]  }
0xc2: {  	[tilespmem:$0x330] =	vst v3;
	v3 =	vld [tilespmem:$0x60]  }
0xc3: {  	[tilespmem:$0x250] =	vst v1;
	v1 =	vld [tilespmem:$0xF0]  }
0xc4: {  	[tilespmem:$0x360] =	vst v56  }
0xc5: {  	[tilespmem:$0x270] =	vst v57  }
0xc6: {  	[tilespmem:$0x350] =	vst v2  }
0xc7: {  	[tilespmem:$0x260] =	vst v3  }
0xc8: {  	[tilespmem:$0x370] =	vst v1  }
0xc9: {  	[tilespmem:s5], [sflag:$0x1] =	stream.indirect.gather [hbm4b:s1+s0], $0x80, s4, s0, $0xb8;
	[tilespmem:$0x1EC00] =	vst v63  }
0xca: {  	_ = 	snop  }
0xcb: {  	[tilespmem:s6], [sflag:$0x3] =	stream.linear.gather [hbm4b:s29+s3], $0x100, $0x38;
	[tilespmem:$0x1EC00] =	vst v63  }
0xcc: {  	_ =	swait.ge [sflag:s12], $0x100  }
0xcd: {  	[sflag:s12] =	ssyncset.done $0x0  }
0xce: {  	[sflag:s12] =	ssyncadd.s32 $0xFFFFFF00  }
0xcf: {  	v1 =	vld [tilespmem:$0x100]  }
0xd0: {  	v2 =	vld [tilespmem:$0x180]  }
0xd1: {  	v3 =	vld [tilespmem:$0x110]  }
0xd2: {  	v58 =	vld [tilespmem:$0x190]  }
0xd3: {  	v59 =	vld [tilespmem:$0x120]  }
0xd4: {  	[tilespmem:$0x280] =	vst v1;
	v1 =	vld [tilespmem:$0x1A0]  }
0xd5: {  	v60 =	vld [tilespmem:$0x140];
	[tilespmem:$0x380] =	vst v2  }
0xd6: {  	v61 =	vld [tilespmem:$0x1C0];
	[tilespmem:$0x290] =	vst v3  }
0xd7: {  	v2 =	vld [tilespmem:$0x130];
	[tilespmem:$0x390] =	vst v58  }
0xd8: {  	v3 =	vld [tilespmem:$0x1B0];
	[tilespmem:$0x2A0] =	vst v59  }
0xd9: {  	[tilespmem:$0x3A0] =	vst v1;
	v1 =	vld [tilespmem:$0x150]  }
0xda: {  	v62 =	vld [tilespmem:$0x1E0];
	[tilespmem:$0x2C0] =	vst v60  }
0xdb: {  	v63 =	vld [tilespmem:$0x170];
	[tilespmem:$0x3C0] =	vst v61  }
0xdc: {  	[tilespmem:$0x2B0] =	vst v2;
	v2 =	vld [tilespmem:$0x1D0]  }
0xdd: {  	[tilespmem:$0x3B0] =	vst v3;
	v3 =	vld [tilespmem:$0x160]  }
0xde: {  	[tilespmem:$0x2D0] =	vst v1;
	v1 =	vld [tilespmem:$0x1F0]  }
0xdf: {  	[tilespmem:$0x3E0] =	vst v62  }
0xe0: {  	[tilespmem:$0x2F0] =	vst v63  }
0xe1: {  	[tilespmem:$0x3D0] =	vst v2  }
0xe2: {  	[tilespmem:$0x2E0] =	vst v3  }
0xe3: {  	s30 =	smov.u32 s18;
	s15 =	smov.u32 s19;
	[tilespmem:$0x3F0] =	vst v1  }
0xe4: {  	[tilespmem:s8], [sflag:$0x2] =	stream.indirect.gather [hbm4b:s1+s0], $0x80, s7, s0, $0xb8;
	[tilespmem:$0x1EC00] =	vst v63  }
.LBB2_4:
0xe5: {  	_ =	swait.ge [sflag:s9], $0x4000  }
0xe6: {  	[sflag:s9] =	ssyncset.done $0x0  }
0xe7: {  	[sflag:s9] =	ssyncadd.s32 $0xFFFFC000  }
0xe8: {  	[spmem:s2] =	stream.indirect.scatter.add.f32 [tilespmem:s5], [sflag:$0x3], $0x80, s10, s0, $0xb8;
	[tilespmem:$0x1EC00] =	vst v63  }
0xe9: {  	_ =	swait.ge [sflag:s12], $0x4000  }
0xea: {  	[sflag:s12] =	ssyncset.done $0x0  }
0xeb: {  	s20 =	sadd.s32 $0xFFFFFFE0, s30;
	[sflag:s12] =	ssyncadd.s32 $0xFFFFC000  }
0xec: {  	[tilespmem:s3], [sflag:$0x3] =	stream.linear.gather [hbm4b:s20+s3], $0x100, $0x38;
	[tilespmem:$0x1EC00] =	vst v63  }
0xed: {  	_ =	swait.ge [sflag:s12], $0x100  }
0xee: {  	[sflag:s12] =	ssyncset.done $0x0  }
0xef: {  	[sflag:s12] =	ssyncadd.s32 $0xFFFFFF00  }
0xf0: {  	v1 =	vld [tilespmem:$0x0]  }
0xf1: {  	v2 =	vld [tilespmem:$0x80]  }
0xf2: {  	v3 =	vld [tilespmem:$0x10]  }
0xf3: {  	v4 =	vld [tilespmem:$0x90]  }
0xf4: {  	v5 =	vld [tilespmem:$0x20]  }
0xf5: {  	[tilespmem:$0x200] =	vst v1;
	v1 =	vld [tilespmem:$0xA0]  }
0xf6: {  	v54 =	vld [tilespmem:$0x40];
	[tilespmem:$0x300] =	vst v2  }
0xf7: {  	v55 =	vld [tilespmem:$0xC0];
	[tilespmem:$0x210] =	vst v3  }
0xf8: {  	v2 =	vld [tilespmem:$0x30];
	[tilespmem:$0x310] =	vst v4  }
0xf9: {  	v3 =	vld [tilespmem:$0xB0];
	[tilespmem:$0x220] =	vst v5  }
0xfa: {  	[tilespmem:$0x320] =	vst v1;
	v1 =	vld [tilespmem:$0x50]  }
0xfb: {  	v56 =	vld [tilespmem:$0xE0];
	[tilespmem:$0x240] =	vst v54  }
0xfc: {  	v57 =	vld [tilespmem:$0x70];
	[tilespmem:$0x340] =	vst v55  }
0xfd: {  	[tilespmem:$0x230] =	vst v2;
	v2 =	vld [tilespmem:$0xD0]  }
0xfe: {  	[tilespmem:$0x330] =	vst v3;
	v3 =	vld [tilespmem:$0x60]  }
0xff: {  	[tilespmem:$0x250] =	vst v1;
	v1 =	vld [tilespmem:$0xF0]  }
0x100: {  	[tilespmem:$0x360] =	vst v56  }
0x101: {  	[tilespmem:$0x270] =	vst v57  }
0x102: {  	[tilespmem:$0x350] =	vst v2  }
0x103: {  	[tilespmem:$0x260] =	vst v3  }
0x104: {  	[tilespmem:$0x370] =	vst v1  }
0x105: {  	[tilespmem:s5], [sflag:$0x1] =	stream.indirect.gather [hbm4b:s1+s0], $0x80, s4, s0, $0xb8;
	[tilespmem:$0x1EC00] =	vst v63  }
0x106: {  	_ =	swait.ge [sflag:s11], $0x4000  }
0x107: {  	[sflag:s11] =	ssyncset.done $0x0  }
0x108: {  	[sflag:s11] =	ssyncadd.s32 $0xFFFFC000  }
0x109: {  	[spmem:s2] =	stream.indirect.scatter.add.f32 [tilespmem:s8], [sflag:$0x3], $0x80, s13, s0, $0xb8;
	[tilespmem:$0x1EC00] =	vst v63  }
0x10a: {  	_ =	swait.ge [sflag:s12], $0x4000  }
0x10b: {  	[sflag:s12] =	ssyncset.done $0x0  }
0x10c: {  	[sflag:s12] =	ssyncadd.s32 $0xFFFFC000  }
0x10d: {  	[tilespmem:s6], [sflag:$0x3] =	stream.linear.gather [hbm4b:s30+s3], $0x100, $0x38;
	[tilespmem:$0x1EC00] =	vst v63  }
0x10e: {  	_ =	swait.ge [sflag:s12], $0x100  }
0x10f: {  	[sflag:s12] =	ssyncset.done $0x0  }
0x110: {  	[sflag:s12] =	ssyncadd.s32 $0xFFFFFF00  }
0x111: {  	v1 =	vld [tilespmem:$0x100]  }
0x112: {  	v2 =	vld [tilespmem:$0x180]  }
0x113: {  	v3 =	vld [tilespmem:$0x110]  }
0x114: {  	v58 =	vld [tilespmem:$0x190]  }
0x115: {  	v59 =	vld [tilespmem:$0x120]  }
0x116: {  	[tilespmem:$0x280] =	vst v1;
	v1 =	vld [tilespmem:$0x1A0]  }
0x117: {  	v60 =	vld [tilespmem:$0x140];
	[tilespmem:$0x380] =	vst v2  }
0x118: {  	v61 =	vld [tilespmem:$0x1C0];
	[tilespmem:$0x290] =	vst v3  }
0x119: {  	v2 =	vld [tilespmem:$0x130];
	[tilespmem:$0x390] =	vst v58  }
0x11a: {  	v3 =	vld [tilespmem:$0x1B0];
	[tilespmem:$0x2A0] =	vst v59  }
0x11b: {  	[tilespmem:$0x3A0] =	vst v1;
	v1 =	vld [tilespmem:$0x150]  }
0x11c: {  	v62 =	vld [tilespmem:$0x1E0];
	[tilespmem:$0x2C0] =	vst v60  }
0x11d: {  	v63 =	vld [tilespmem:$0x170];
	[tilespmem:$0x3C0] =	vst v61  }
0x11e: {  	[tilespmem:$0x2B0] =	vst v2;
	v2 =	vld [tilespmem:$0x1D0]  }
0x11f: {  	[tilespmem:$0x3B0] =	vst v3;
	v3 =	vld [tilespmem:$0x160]  }
0x120: {  	[tilespmem:$0x2D0] =	vst v1;
	v1 =	vld [tilespmem:$0x1F0]  }
0x121: {  	p0 =	sne.s32 s15, $0x1;
	[tilespmem:$0x3E0] =	vst v62  }
.Ltmp1:
0x122: {  	[tilespmem:$0x2F0] =	vst v63;
	(pc) =	sbr.rel @p0 .LBB2_4-.Ltmp1, $4  }
0x123: {  	[tilespmem:$0x3D0] =	vst v2  }
0x124: {  	[tilespmem:$0x2E0] =	vst v3  }
0x125: {  	s15 =	sadd.s32 $0xFFFFFFFF, s15;
	s30 =	sadd.s32 $0x40, s30;
	[tilespmem:$0x3F0] =	vst v1  }
0x126: {  	[tilespmem:s8], [sflag:$0x2] =	stream.indirect.gather [hbm4b:s1+s0], $0x80, s7, s0, $0xb8;
	[tilespmem:$0x1EC00] =	vst v63  }
0x127: {  	_ =	swait.ge [sflag:s9], $0x4000  }
0x128: {  	[sflag:s9] =	ssyncset.done $0x0  }
0x129: {  	[sflag:s9] =	ssyncadd.s32 $0xFFFFC000  }
0x12a: {  	[spmem:s2] =	stream.indirect.scatter.add.f32 [tilespmem:s5], [sflag:$0x3], $0x80, s10, s0, $0xb8;
	[tilespmem:$0x1EC00] =	vst v63  }
0x12b: {  	_ =	swait.ge [sflag:s12], $0x4000  }
0x12c: {  	[sflag:s12] =	ssyncset.done $0x0  }
0x12d: {  	[sflag:s12] =	ssyncadd.s32 $0xFFFFC000  }
0x12e: {  	_ =	swait.ge [sflag:s11], $0x4000  }
0x12f: {  	[sflag:s11] =	ssyncset.done $0x0  }
0x130: {  	[sflag:s11] =	ssyncadd.s32 $0xFFFFC000  }
0x131: {  	[spmem:s2] =	stream.indirect.scatter.add.f32 [tilespmem:s8], [sflag:$0x3], $0x80, s13, s0, $0xb8;
	[tilespmem:$0x1EC00] =	vst v63  }
0x132: {  	_ =	swait.ge [sflag:s12], $0x4000  }
0x133: {  	[sflag:s12] =	ssyncset.done $0x0  }
0x134: {  	[sflag:s12] =	ssyncadd.s32 $0xFFFFC000  }
0x135: {  	[bflag:$0x0] =	sbarrier.arrive $0xFFFF  }
0x136: {  	[tilespmem:s14], [sflag:$0x3] =	stream.linear.gather [spmem:s16], $0x2000, $0x38;
	[tilespmem:$0x1EC00] =	vst v63  }
0x137: {  	_ =	swait.ge [sflag:s12], $0x2000  }
0x138: {  	[sflag:s12] =	ssyncset.done $0x0  }
0x139: {  	s15 =	rddreg [dreg:$0x4];
	[sflag:s12] =	ssyncadd.s32 $0xFFFFE000  }
0x13a: {  	[hbm4b:s15+s3] =	stream.linear.scatter [tilespmem:s14], [sflag:$0x3], $0x2000, $0x38;
	[tilespmem:$0x1EC00] =	vst v63  }
0x13b: {  	_ =	swait.ge [sflag:s12], $0x2000  }
0x13c: {  	[sflag:s12] =	ssyncset.done $0x0  }
0x13d: {  	s30 =	rddreg [dreg:$0xf];
	[sflag:s12] =	ssyncadd.s32 $0xFFFFE000  }
0x13e: {  	[tilespmem:s14], [sflag:$0x3] =	stream.linear.gather [spmem:s30], $0x2000, $0x38;
	[tilespmem:$0x1EC00] =	vst v63  }
0x13f: {  	_ =	swait.ge [sflag:s12], $0x2000  }
0x140: {  	[sflag:s12] =	ssyncset.done $0x0  }
0x141: {  	s20 =	rddreg [dreg:$0x5];
	[sflag:s12] =	ssyncadd.s32 $0xFFFFE000  }
0x142: {  	[hbm4b:s20+s3] =	stream.linear.scatter [tilespmem:s14], [sflag:$0x3], $0x2000, $0x38;
	[tilespmem:$0x1EC00] =	vst v63  }
0x143: {  	_ =	swait.ge [sflag:s12], $0x2000  }
0x144: {  	[sflag:s12] =	ssyncset.done $0x0  }
0x145: {  	s30 =	rddreg [dreg:$0x10];
	[sflag:s12] =	ssyncadd.s32 $0xFFFFE000  }
0x146: {  	[tilespmem:s14], [sflag:$0x3] =	stream.linear.gather [spmem:s30], $0x2000, $0x38;
	[tilespmem:$0x1EC00] =	vst v63  }
0x147: {  	_ =	swait.ge [sflag:s12], $0x2000  }
0x148: {  	[sflag:s12] =	ssyncset.done $0x0  }
0x149: {  	s20 =	rddreg [dreg:$0x6];
	[sflag:s12] =	ssyncadd.s32 $0xFFFFE000  }
0x14a: {  	[hbm4b:s20+s3] =	stream.linear.scatter [tilespmem:s14], [sflag:$0x3], $0x2000, $0x38;
	[tilespmem:$0x1EC00] =	vst v63  }
0x14b: {  	_ =	swait.ge [sflag:s12], $0x2000  }
0x14c: {  	[sflag:s12] =	ssyncset.done $0x0  }
0x14d: {  	s30 =	rddreg [dreg:$0x11];
	[sflag:s12] =	ssyncadd.s32 $0xFFFFE000  }
0x14e: {  	[tilespmem:s14], [sflag:$0x3] =	stream.linear.gather [spmem:s30], $0x2000, $0x38;
	[tilespmem:$0x1EC00] =	vst v63  }
0x14f: {  	_ =	swait.ge [sflag:s12], $0x2000  }
0x150: {  	[sflag:s12] =	ssyncset.done $0x0  }
0x151: {  	s20 =	rddreg [dreg:$0x7];
	[sflag:s12] =	ssyncadd.s32 $0xFFFFE000  }
0x152: {  	[hbm4b:s20+s3] =	stream.linear.scatter [tilespmem:s14], [sflag:$0x3], $0x2000, $0x38;
	[tilespmem:$0x1EC00] =	vst v63  }
0x153: {  	_ =	swait.ge [sflag:s12], $0x2000  }
0x154: {  	[sflag:s12] =	ssyncset.done $0x0  }
0x155: {  	[sflag:s12] =	ssyncadd.s32 $0xFFFFE000  }
0x156: {  	[tilespmem:s14], [sflag:$0x3] =	stream.linear.gather [spmem:s21], $0x2000, $0x38;
	[tilespmem:$0x1EC00] =	vst v63  }
0x157: {  	_ =	swait.ge [sflag:s12], $0x2000  }
0x158: {  	[sflag:s12] =	ssyncset.done $0x0  }
0x159: {  	s30 =	rddreg [dreg:$0x8];
	[sflag:s12] =	ssyncadd.s32 $0xFFFFE000  }
0x15a: {  	[hbm4b:s30+s3] =	stream.linear.scatter [tilespmem:s14], [sflag:$0x3], $0x2000, $0x38;
	[tilespmem:$0x1EC00] =	vst v63  }
0x15b: {  	_ =	swait.ge [sflag:s12], $0x2000  }
0x15c: {  	[sflag:s12] =	ssyncset.done $0x0  }
0x15d: {  	[sflag:s12] =	ssyncadd.s32 $0xFFFFE000  }
0x15e: {  	[tilespmem:s14], [sflag:$0x3] =	stream.linear.gather [spmem:s22], $0x2000, $0x38;
	[tilespmem:$0x1EC00] =	vst v63  }
0x15f: {  	_ =	swait.ge [sflag:s12], $0x2000  }
0x160: {  	[sflag:s12] =	ssyncset.done $0x0  }
0x161: {  	s20 =	rddreg [dreg:$0x9];
	[sflag:s12] =	ssyncadd.s32 $0xFFFFE000  }
0x162: {  	[hbm4b:s20+s3] =	stream.linear.scatter [tilespmem:s14], [sflag:$0x3], $0x2000, $0x38;
	[tilespmem:$0x1EC00] =	vst v63  }
0x163: {  	_ =	swait.ge [sflag:s12], $0x2000  }
0x164: {  	[sflag:s12] =	ssyncset.done $0x0  }
0x165: {  	[sflag:s12] =	ssyncadd.s32 $0xFFFFE000  }
0x166: {  	[tilespmem:s14], [sflag:$0x3] =	stream.linear.gather [spmem:s23], $0x2000, $0x38;
	[tilespmem:$0x1EC00] =	vst v63  }
0x167: {  	_ =	swait.ge [sflag:s12], $0x2000  }
0x168: {  	[sflag:s12] =	ssyncset.done $0x0  }
0x169: {  	s30 =	rddreg [dreg:$0xa];
	[sflag:s12] =	ssyncadd.s32 $0xFFFFE000  }
0x16a: {  	[hbm4b:s30+s3] =	stream.linear.scatter [tilespmem:s14], [sflag:$0x3], $0x2000, $0x38;
	[tilespmem:$0x1EC00] =	vst v63  }
0x16b: {  	_ =	swait.ge [sflag:s12], $0x2000  }
0x16c: {  	[sflag:s12] =	ssyncset.done $0x0  }
0x16d: {  	[sflag:s12] =	ssyncadd.s32 $0xFFFFE000  }
0x16e: {  	[tilespmem:s14], [sflag:$0x3] =	stream.linear.gather [spmem:s24], $0x2000, $0x38;
	[tilespmem:$0x1EC00] =	vst v63  }
0x16f: {  	_ =	swait.ge [sflag:s12], $0x2000  }
0x170: {  	[sflag:s12] =	ssyncset.done $0x0  }
0x171: {  	s20 =	rddreg [dreg:$0xb];
	[sflag:s12] =	ssyncadd.s32 $0xFFFFE000  }
0x172: {  	[hbm4b:s20+s3] =	stream.linear.scatter [tilespmem:s14], [sflag:$0x3], $0x2000, $0x38;
	[tilespmem:$0x1EC00] =	vst v63  }
0x173: {  	_ =	swait.ge [sflag:s12], $0x2000  }
0x174: {  	[sflag:s12] =	ssyncset.done $0x0  }
0x175: {  	[sflag:s12] =	ssyncadd.s32 $0xFFFFE000  }
0x176: {  	[tilespmem:s14], [sflag:$0x3] =	stream.linear.gather [spmem:s25], $0x2000, $0x38;
	[tilespmem:$0x1EC00] =	vst v63  }
0x177: {  	_ =	swait.ge [sflag:s12], $0x2000  }
0x178: {  	[sflag:s12] =	ssyncset.done $0x0  }
0x179: {  	s30 =	rddreg [dreg:$0xc];
	[sflag:s12] =	ssyncadd.s32 $0xFFFFE000  }
0x17a: {  	[hbm4b:s30+s3] =	stream.linear.scatter [tilespmem:s14], [sflag:$0x3], $0x2000, $0x38;
	[tilespmem:$0x1EC00] =	vst v63  }
0x17b: {  	_ =	swait.ge [sflag:s12], $0x2000  }
0x17c: {  	[sflag:s12] =	ssyncset.done $0x0  }
0x17d: {  	[sflag:s12] =	ssyncadd.s32 $0xFFFFE000  }
0x17e: {  	[tilespmem:s14], [sflag:$0x3] =	stream.linear.gather [spmem:s26], $0x2000, $0x38;
	[tilespmem:$0x1EC00] =	vst v63  }
0x17f: {  	_ =	swait.ge [sflag:s12], $0x2000  }
0x180: {  	[sflag:s12] =	ssyncset.done $0x0  }
0x181: {  	s20 =	rddreg [dreg:$0xd];
	[sflag:s12] =	ssyncadd.s32 $0xFFFFE000  }
0x182: {  	[hbm4b:s20+s3] =	stream.linear.scatter [tilespmem:s14], [sflag:$0x3], $0x2000, $0x38;
	[tilespmem:$0x1EC00] =	vst v63  }
0x183: {  	_ =	swait.ge [sflag:s12], $0x2000  }
0x184: {  	s17 =	sadd.s32 $0x1, s17;
	s30 =	rddreg [dreg:$0xe]  }
0x185: {  	p0 =	sne.s32 s17, s30  }
.Ltmp2:
0x186: {  	_ = 	snop;
	(pc) =	sbr.rel @p0 .LBB2_1-.Ltmp2, $3  }
0x187: {  	_ =	sdelay $0x1  }
0x188: {  	[sflag:s12] =	ssyncset.done $0x0  }
0x189: {  	[sflag:s12] =	ssyncadd.s32 $0xFFFFE000  }
0x18a: {  	_ =	sfence.sel $0x180000  }
0x18b: {  	[bflag:$0x0] =	sbarrier.arrive $0xFFFF  }
0x18c: {  	_ =	strace $0x90000047  }
0x18d: {  	s0 =	stileid.u32;
	[bflag:$0x2] =	sbarrier.arrive $0xFFFF  }
0x18e: {  	p0 =	sne.s32 s0, $0x0;
	s0 =	rddreg [dreg:$0x3]  }
0x18f: {  	s0 =	sadd.s32 @!p0 $0x100000, s0  }
0x190: {  	[sflag:s0] =	ssyncadd.tile.s32 @!p0 $0x1;
	_ =	shalt  }
.Lfunc_end2:
_tile_overlayer_lowered:
.L_overlay_start_2:
0x191: {  	(tag) =	ssettag $0x2  }
0x192: {  	s0 =	rddreg [dreg:$0x0];
	s2 =	stileid.u32  }
0x193: {  	s1 =	rddreg [dreg:$0x1];
	p0 =	sne.s32 s2, $0x0  }
0x194: {  	s3 =	rddreg [dreg:$0x2];
	[bflag:$0x3] =	sbarrier.arrive $0xFFFF;
	s2 =	simm.s32 @!p0 $0x1C03  }
0x195: {  	[timem:s3], [sflag:s2] =	dma.local @!p0 [hbm:s0], s1  }
0x196: {  	s0 =	simm.s32 @!p0 $0x3  }
0x197: {  	_ =	swait.ge @!p0 [sflag:s0], s1  }
0x198: {  	s1 =	ssub.s32 @!p0 $0x0, s1;
	[sflag:s0] =	ssyncset.done @!p0 $0x0  }
0x199: {  	[sflag:s0] =	ssyncadd.s32 @!p0 s1  }
0x19a: {  	[bflag:$0x3] =	sbarrier.arrive $0xFFFF  }
0x19b: {  	_ =	shalt  }

</sc_bundles>
